<compile_context>
chip_gen: v7x
topology: tpu7x:2x2x1
jax: 0.10.2.dev20260603
libtpu: 0.0.44.dev20260713+nightly
codegen_flags: <defaults>
</compile_context>

<pallas_src>
import dataclasses
import functools

import jax
import jax.numpy as jnp
from jax import lax
from jax.experimental import pallas as pl
from jax.experimental.pallas import tpu as pltpu
from jax.experimental.pallas import tpu_sc as plsc

_NC = 2
_NS = 16
_NW = _NC * _NS
_P = 64


def _idx_w_body(H, W, f_ref, idx_ref, w_ref):
    b = pl.program_id(0)
    fx = f_ref[0, 0]
    fy = f_ref[0, 1]
    col = lax.broadcasted_iota(jnp.int32, (H, W), 1).astype(jnp.float32)
    row = lax.broadcasted_iota(jnp.int32, (H, W), 0).astype(jnp.float32)
    xn = 2.0 * (col + fx) / (W - 1.0) - 1.0
    yn = 2.0 * (row + fy) / (H - 1.0) - 1.0
    x = (xn + 1.0) * (W - 1.0) / 2.0
    y = (yn + 1.0) * (H - 1.0) / 2.0
    xb = jnp.clip(jnp.floor(x), 0.0, W - 2.0)
    yb = jnp.clip(jnp.floor(y), 0.0, H - 2.0)
    wx0 = jnp.maximum(0.0, 1.0 - jnp.abs(x - xb))
    wx1 = jnp.maximum(0.0, 1.0 - jnp.abs(x - (xb + 1.0)))
    wy0 = jnp.maximum(0.0, 1.0 - jnp.abs(y - yb))
    wy1 = jnp.maximum(0.0, 1.0 - jnp.abs(y - (yb + 1.0)))
    base = b * (H * W) + yb.astype(jnp.int32) * W + xb.astype(jnp.int32)
    idx_ref[0, 0] = base
    idx_ref[1, 0] = base + 1
    idx_ref[2, 0] = base + W
    idx_ref[3, 0] = base + W + 1
    w_ref[0, 0] = wy0 * wx0
    w_ref[1, 0] = wy0 * wx1
    w_ref[2, 0] = wy1 * wx0
    w_ref[3, 0] = wy1 * wx1


def _idx_w(input2):
    B, _, H, W = input2.shape
    return pl.pallas_call(
        functools.partial(_idx_w_body, H, W),
        grid=(B,),
        in_specs=[pl.BlockSpec((1, 2, H, W), lambda b: (b, 0, 0, 0))],
        out_specs=[
            pl.BlockSpec((4, 1, H, W), lambda b: (0, b, 0, 0)),
            pl.BlockSpec((4, 1, H, W), lambda b: (0, b, 0, 0)),
        ],
        out_shape=[
            jax.ShapeDtypeStruct((4, B, H, W), jnp.int32),
            jax.ShapeDtypeStruct((4, B, H, W), jnp.float32),
        ],
    )(input2)


def _sc_warp(table, idxc, wc):
    N, C = table.shape
    PW = N // _NW
    n_chunks = PW // _P
    CP4 = 4 * _P
    mesh = plsc.VectorSubcoreMesh(core_axis_name="c", subcore_axis_name="s")
    cp = pltpu.CompilerParams()
    if "needs_layout_passes" in pltpu.CompilerParams.__dataclass_fields__:
        cp = dataclasses.replace(cp, needs_layout_passes=False)
    if "use_tc_tiling_on_sc" in pltpu.CompilerParams.__dataclass_fields__:
        cp = dataclasses.replace(cp, use_tc_tiling_on_sc=False)

    @functools.partial(
        pl.kernel,
        mesh=mesh,
        compiler_params=cp,
        out_type=jax.ShapeDtypeStruct((N, C), jnp.bfloat16),
        scratch_types=[
            pltpu.VMEM((3, CP4), jnp.int32),
            pltpu.VMEM((3, CP4), jnp.float32),
            pltpu.VMEM((CP4, C), jnp.bfloat16),
            pltpu.VMEM((CP4, C), jnp.bfloat16),
            pltpu.VMEM((CP4, C), jnp.bfloat16),
            pltpu.VMEM((_P, C), jnp.bfloat16),
            pltpu.VMEM((_P, C), jnp.bfloat16),
            pltpu.VMEM((_P, C), jnp.bfloat16),
        ] + [pltpu.SemaphoreType.DMA] * 9,
    )
    def warp(table_hbm, idx_hbm, w_hbm, out_hbm,
             idx_v, w_v, g0, g1, g2, o0, o1, o2,
             sl0, sl1, sl2, sg0, sg1, sg2, so0, so1, so2):
        g = (g0, g1, g2)
        o = (o0, o1, o2)
        sl = (sl0, sl1, sl2)
        sg = (sg0, sg1, sg2)
        so = (so0, so1, so2)
        wid = lax.axis_index("c") * _NS + lax.axis_index("s")
        c0 = wid * n_chunks

        def fire_load(t, s):
            off = (c0 + t) * CP4
            pltpu.async_copy(idx_hbm.at[pl.ds(off, CP4)], idx_v.at[s], sl[s])
            pltpu.async_copy(w_hbm.at[pl.ds(off, CP4)], w_v.at[s], sl[s])

        def drain_load(s):
            pltpu.make_async_copy(idx_hbm.at[pl.ds(0, CP4)], idx_v.at[s],
                                  sl[s]).wait()
            pltpu.make_async_copy(w_hbm.at[pl.ds(0, CP4)], w_v.at[s],
                                  sl[s]).wait()

        def fire_gather(s):
            for h in range(2):
                pltpu.async_copy(
                    table_hbm.at[idx_v.at[s, pl.ds(h * 2 * _P, 2 * _P)]],
                    g[s].at[pl.ds(h * 2 * _P, 2 * _P)], sg[s])

        def drain_gather(s):
            for h in range(2):
                pltpu.make_async_copy(
                    table_hbm.at[idx_v.at[s, pl.ds(h * 2 * _P, 2 * _P)]],
                    g[s].at[pl.ds(h * 2 * _P, 2 * _P)], sg[s]).wait()

        def fire_out(t, s):
            pltpu.async_copy(o[s], out_hbm.at[pl.ds((c0 + t) * _P, _P)],
                             so[s])

        def drain_out(s):
            pltpu.make_async_copy(o[s], out_hbm.at[pl.ds(0, _P)],
                                  so[s]).wait()

        def blend(s):
            gs = g[s]
            os_ = o[s]

            @pl.loop(0, _P)
            def _pixel(p):
                pw = []
                for k in range(4):
                    wk = plsc.load_gather(
                        w_v, [jnp.full((16,), s, jnp.int32),
                              jnp.full((16,), k * _P, jnp.int32)
                              + jnp.full((16,), p, jnp.int32)])
                    pw.append(plsc.pack(wk, wk,
                                        format=plsc.PackFormat.INTERLEAVED))
                for r in range(C // 32):
                    slc = pl.ds(r * 32, 32)
                    os_[p, slc] = (gs[p, slc] * pw[0]
                                   + gs[_P + p, slc] * pw[1]
                                   + gs[2 * _P + p, slc] * pw[2]
                                   + gs[3 * _P + p, slc] * pw[3])

        fire_load(0, 0)
        fire_load(1, 1)
        fire_load(2, 2)
        drain_load(0)
        fire_gather(0)
        drain_load(1)
        fire_gather(1)

        @pl.loop(0, n_chunks, step=3)
        def _body(ci):
            for j in range(3):
                s = j
                t = ci + j
                drain_gather(s)

                @pl.when(t + 2 < n_chunks)
                def _prefetch_gather():
                    drain_load((s + 2) % 3)
                    fire_gather((s + 2) % 3)

                @pl.when(t >= 3)
                def _recycle_out():
                    drain_out(s)

                blend(s)
                fire_out(t, s)

                @pl.when(t + 3 < n_chunks)
                def _prefetch_load():
                    fire_load(t + 3, s)

        drain_out(0)
        drain_out(1)
        drain_out(2)

    return warp(table, idxc, wc)


def kernel(input1, input2):
    B, C, H, W = input1.shape
    N = B * H * W
    table = jnp.transpose(input1, (0, 2, 3, 1)).reshape(N, C).astype(jnp.bfloat16)
    idx4, w4 = _idx_w(input2)
    idxc = idx4.reshape(4, N // _P, _P).transpose(1, 0, 2).reshape(4 * N)
    wc = w4.reshape(4, N // _P, _P).transpose(1, 0, 2).reshape(4 * N)
    out_t = _sc_warp(table, idxc, wc)
    return jnp.transpose(out_t.reshape(B, H, W, C).astype(jnp.float32),
                         (0, 3, 1, 2))

# --- scband reference (transcript-rebuilt; emitter-appended) ---
"""Pipeline reference for scband-resample2d-19207093747947 (READ-ONLY COPY).

The authoritative reference and input builder live on the scoring server;
editing this copy changes nothing except your own understanding.
"""

import jax, jax.numpy as jnp
import numpy as np


def _grid_sample_bilinear_zeros_ac(img, grid):
    # img: (B, C, H, W), grid: (B, H2, W2, 2) normalized to [-1, 1], align_corners=True,
    # padding_mode='zeros', mode='bilinear' (matches torch F.grid_sample semantics).
    B, C, H, W = img.shape
    x = (grid[..., 0] + 1.0) * (W - 1.0) / 2.0
    y = (grid[..., 1] + 1.0) * (H - 1.0) / 2.0
    x0 = jnp.floor(x)
    x1 = x0 + 1.0
    y0 = jnp.floor(y)
    y1 = y0 + 1.0
    wx1 = x - x0
    wx0 = 1.0 - wx1
    wy1 = y - y0
    wy0 = 1.0 - wy1

    batch_idx = jnp.arange(B)[:, None, None]

    def gather(xi, yi):
        inb = (xi >= 0.0) & (xi <= W - 1.0) & (yi >= 0.0) & (yi <= H - 1.0)
        xi_c = jnp.clip(xi, 0.0, W - 1.0).astype(jnp.int32)
        yi_c = jnp.clip(yi, 0.0, H - 1.0).astype(jnp.int32)
        vals = img[batch_idx, :, yi_c, xi_c]  # (B, H2, W2, C)
        return jnp.where(inb[..., None], vals, 0.0)

    v00 = gather(x0, y0)
    v01 = gather(x1, y0)
    v10 = gather(x0, y1)
    v11 = gather(x1, y1)

    out = (v00 * (wx0 * wy0)[..., None]
           + v01 * (wx1 * wy0)[..., None]
           + v10 * (wx0 * wy1)[..., None]
           + v11 * (wx1 * wy1)[..., None])
    return jnp.transpose(out, (0, 3, 1, 2))  # (B, C, H2, W2)


def setup_inputs(seed: int = 0) -> dict:
    key = jax.random.key(seed)
    k1, k2 = jax.random.split(key)
    input1 = jax.random.normal(k1, (2, 192, 384, 384), dtype=jnp.float32)
    input2 = jax.random.normal(k2, (2, 2, 384, 384), dtype=jnp.float32)
    return {"input1": input1, "input2": input2}


def reference(input1, input2):
    # Faithful translation of Resample2d.forward + Resample2dFunction.forward.
    # The module appends a sigma channel to input2, but the Function only reads
    # channels 0 and 1, so the sigma channel does not affect the math.
    B, C, H, W = input1.shape
    _, _, H2, W2 = input2.shape
    flow_x = input2[:, 0, :, :]
    flow_y = input2[:, 1, :, :]
    y_base, x_base = jnp.meshgrid(jnp.arange(H2, dtype=jnp.float32),
                                  jnp.arange(W2, dtype=jnp.float32), indexing='ij')
    x_warped = x_base[None, :, :] + flow_x
    y_warped = y_base[None, :, :] + flow_y
    x_norm = 2.0 * x_warped / (W - 1.0) - 1.0
    y_norm = 2.0 * y_warped / (H - 1.0) - 1.0
    grid = jnp.stack((x_norm, y_norm), axis=-1)
    return _grid_sample_bilinear_zeros_ac(input1, grid)

if __name__ == "__main__":
    import jax
    _d = setup_inputs()
    print(jax.jit(kernel)(*tuple(_d.values())))

</pallas_src>

<mosaic_0001>
#map = affine_map<(d0, d1) -> (0, 0)>
#map1 = affine_map<(d0, d1) -> (0)>
module attributes {stable_mosaic.version = 14 : i64} {
  func.func @warp(%arg0: i32, %arg1: i32, %arg2: memref<294912x192xbf16, #tpu.memory_space<hbm>>, %arg3: memref<1179648xi32, #tpu.memory_space<hbm>>, %arg4: memref<1179648xf32, #tpu.memory_space<hbm>>, %arg5: memref<294912x192xbf16, #tpu.memory_space<hbm>>, %arg6: memref<3x256xi32, #tpu.memory_space<vmem>>, %arg7: memref<3x256xf32, #tpu.memory_space<vmem>>, %arg8: memref<256x192xbf16, #tpu.memory_space<vmem>>, %arg9: memref<256x192xbf16, #tpu.memory_space<vmem>>, %arg10: memref<256x192xbf16, #tpu.memory_space<vmem>>, %arg11: memref<64x192xbf16, #tpu.memory_space<vmem>>, %arg12: memref<64x192xbf16, #tpu.memory_space<vmem>>, %arg13: memref<64x192xbf16, #tpu.memory_space<vmem>>, %arg14: memref<!tpu.dma_semaphore, #tpu.memory_space<semaphore_mem>>, %arg15: memref<!tpu.dma_semaphore, #tpu.memory_space<semaphore_mem>>, %arg16: memref<!tpu.dma_semaphore, #tpu.memory_space<semaphore_mem>>, %arg17: memref<!tpu.dma_semaphore, #tpu.memory_space<semaphore_mem>>, %arg18: memref<!tpu.dma_semaphore, #tpu.memory_space<semaphore_mem>>, %arg19: memref<!tpu.dma_semaphore, #tpu.memory_space<semaphore_mem>>, %arg20: memref<!tpu.dma_semaphore, #tpu.memory_space<semaphore_mem>>, %arg21: memref<!tpu.dma_semaphore, #tpu.memory_space<semaphore_mem>>, %arg22: memref<!tpu.dma_semaphore, #tpu.memory_space<semaphore_mem>>) attributes {dimension_semantics = [#tpu.dimension_semantics<core_parallel>, #tpu.dimension_semantics<subcore_parallel>], iteration_bounds = array<i64: 2, 16>, scalar_prefetch = 0 : i64, scratch_operands = 17 : i64, tpu.core_type = #tpu.core_type<sc_vector_subcore>, window_params = [{transform_indices = #map}, {transform_indices = #map1}, {transform_indices = #map1}, {transform_indices = #map}]} {
    %mul3A = arith.constant 16 : i32
    %mul3A_0 = arith.muli %arg0, %mul3A : i32
    %add3A = arith.addi %mul3A_0, %arg1 : i32
    %mul3A_1 = arith.constant 144 : i32
    %mul3A_2 = arith.muli %add3A, %mul3A_1 : i32
    %add3A_3 = arith.constant 0 : i32
    %add3A_4 = arith.addi %mul3A_2, %add3A_3 : i32
    %mul3A_5 = arith.constant 256 : i32
    %mul3A_6 = arith.muli %add3A_4, %mul3A_5 : i32
    %dma_start3A = arith.constant 0 : i32
    %dma_start3A_7 = arith.constant 0 : i32
    %dma_start3A_8 = tpu.memref_slice %arg6[%dma_start3A, %dma_start3A_7] : memref<3x256xi32, #tpu.memory_space<vmem>> -> memref<1x256xi32, #tpu.memory_space<vmem>>
    %dma_start3A_9 = tpu.memref_squeeze %dma_start3A_8 : memref<1x256xi32, #tpu.memory_space<vmem>> -> memref<256xi32, #tpu.memory_space<vmem>>
    %dma_start3A_10 = tpu.memref_slice %arg3[%mul3A_6] : memref<1179648xi32, #tpu.memory_space<hbm>> -> memref<256xi32, #tpu.memory_space<hbm>>
    %dma_start3A_11 = arith.constant 0 : i32
    %dma_start3A_12 = tpu.memref_slice %arg6[%dma_start3A, %dma_start3A_11] : memref<3x256xi32, #tpu.memory_space<vmem>> -> memref<1x256xi32, #tpu.memory_space<vmem>>
    %dma_start3A_13 = tpu.memref_squeeze %dma_start3A_12 : memref<1x256xi32, #tpu.memory_space<vmem>> -> memref<256xi32, #tpu.memory_space<vmem>>
    %dma_start3A_14 = tpu.memref_slice %arg3[%mul3A_6] : memref<1179648xi32, #tpu.memory_space<hbm>> -> memref<256xi32, #tpu.memory_space<hbm>>
    tpu.enqueue_dma source(%dma_start3A_14 : memref<256xi32, #tpu.memory_space<hbm>>) target(%dma_start3A_13 : memref<256xi32, #tpu.memory_space<vmem>>) target_semaphore(%arg14 : memref<!tpu.dma_semaphore, #tpu.memory_space<semaphore_mem>>)
    %dma_start3A_15 = arith.constant 0 : i32
    %dma_start3A_16 = arith.constant 0 : i32
    %dma_start3A_17 = tpu.memref_slice %arg7[%dma_start3A_15, %dma_start3A_16] : memref<3x256xf32, #tpu.memory_space<vmem>> -> memref<1x256xf32, #tpu.memory_space<vmem>>
    %dma_start3A_18 = tpu.memref_squeeze %dma_start3A_17 : memref<1x256xf32, #tpu.memory_space<vmem>> -> memref<256xf32, #tpu.memory_space<vmem>>
    %dma_start3A_19 = tpu.memref_slice %arg4[%mul3A_6] : memref<1179648xf32, #tpu.memory_space<hbm>> -> memref<256xf32, #tpu.memory_space<hbm>>
    %dma_start3A_20 = arith.constant 0 : i32
    %dma_start3A_21 = tpu.memref_slice %arg7[%dma_start3A_15, %dma_start3A_20] : memref<3x256xf32, #tpu.memory_space<vmem>> -> memref<1x256xf32, #tpu.memory_space<vmem>>
    %dma_start3A_22 = tpu.memref_squeeze %dma_start3A_21 : memref<1x256xf32, #tpu.memory_space<vmem>> -> memref<256xf32, #tpu.memory_space<vmem>>
    %dma_start3A_23 = tpu.memref_slice %arg4[%mul3A_6] : memref<1179648xf32, #tpu.memory_space<hbm>> -> memref<256xf32, #tpu.memory_space<hbm>>
    tpu.enqueue_dma source(%dma_start3A_23 : memref<256xf32, #tpu.memory_space<hbm>>) target(%dma_start3A_22 : memref<256xf32, #tpu.memory_space<vmem>>) target_semaphore(%arg14 : memref<!tpu.dma_semaphore, #tpu.memory_space<semaphore_mem>>)
    %add3A_24 = arith.constant 1 : i32
    %add3A_25 = arith.addi %mul3A_2, %add3A_24 : i32
    %mul3A_26 = arith.constant 256 : i32
    %mul3A_27 = arith.muli %add3A_25, %mul3A_26 : i32
    %dma_start3A_28 = arith.constant 1 : i32
    %dma_start3A_29 = arith.constant 0 : i32
    %dma_start3A_30 = tpu.memref_slice %arg6[%dma_start3A_28, %dma_start3A_29] : memref<3x256xi32, #tpu.memory_space<vmem>> -> memref<1x256xi32, #tpu.memory_space<vmem>>
    %dma_start3A_31 = tpu.memref_squeeze %dma_start3A_30 : memref<1x256xi32, #tpu.memory_space<vmem>> -> memref<256xi32, #tpu.memory_space<vmem>>
    %dma_start3A_32 = tpu.memref_slice %arg3[%mul3A_27] : memref<1179648xi32, #tpu.memory_space<hbm>> -> memref<256xi32, #tpu.memory_space<hbm>>
    %dma_start3A_33 = arith.constant 0 : i32
    %dma_start3A_34 = tpu.memref_slice %arg6[%dma_start3A_28, %dma_start3A_33] : memref<3x256xi32, #tpu.memory_space<vmem>> -> memref<1x256xi32, #tpu.memory_space<vmem>>
    %dma_start3A_35 = tpu.memref_squeeze %dma_start3A_34 : memref<1x256xi32, #tpu.memory_space<vmem>> -> memref<256xi32, #tpu.memory_space<vmem>>
    %dma_start3A_36 = tpu.memref_slice %arg3[%mul3A_27] : memref<1179648xi32, #tpu.memory_space<hbm>> -> memref<256xi32, #tpu.memory_space<hbm>>
    tpu.enqueue_dma source(%dma_start3A_36 : memref<256xi32, #tpu.memory_space<hbm>>) target(%dma_start3A_35 : memref<256xi32, #tpu.memory_space<vmem>>) target_semaphore(%arg15 : memref<!tpu.dma_semaphore, #tpu.memory_space<semaphore_mem>>)
    %dma_start3A_37 = arith.constant 1 : i32
    %dma_start3A_38 = arith.constant 0 : i32
    %dma_start3A_39 = tpu.memref_slice %arg7[%dma_start3A_37, %dma_start3A_38] : memref<3x256xf32, #tpu.memory_space<vmem>> -> memref<1x256xf32, #tpu.memory_space<vmem>>
    %dma_start3A_40 = tpu.memref_squeeze %dma_start3A_39 : memref<1x256xf32, #tpu.memory_space<vmem>> -> memref<256xf32, #tpu.memory_space<vmem>>
    %dma_start3A_41 = tpu.memref_slice %arg4[%mul3A_27] : memref<1179648xf32, #tpu.memory_space<hbm>> -> memref<256xf32, #tpu.memory_space<hbm>>
    %dma_start3A_42 = arith.constant 0 : i32
    %dma_start3A_43 = tpu.memref_slice %arg7[%dma_start3A_37, %dma_start3A_42] : memref<3x256xf32, #tpu.memory_space<vmem>> -> memref<1x256xf32, #tpu.memory_space<vmem>>
    %dma_start3A_44 = tpu.memref_squeeze %dma_start3A_43 : memref<1x256xf32, #tpu.memory_space<vmem>> -> memref<256xf32, #tpu.memory_space<vmem>>
    %dma_start3A_45 = tpu.memref_slice %arg4[%mul3A_27] : memref<1179648xf32, #tpu.memory_space<hbm>> -> memref<256xf32, #tpu.memory_space<hbm>>
    tpu.enqueue_dma source(%dma_start3A_45 : memref<256xf32, #tpu.memory_space<hbm>>) target(%dma_start3A_44 : memref<256xf32, #tpu.memory_space<vmem>>) target_semaphore(%arg15 : memref<!tpu.dma_semaphore, #tpu.memory_space<semaphore_mem>>)
    %add3A_46 = arith.constant 2 : i32
    %add3A_47 = arith.addi %mul3A_2, %add3A_46 : i32
    %mul3A_48 = arith.constant 256 : i32
    %mul3A_49 = arith.muli %add3A_47, %mul3A_48 : i32
    %dma_start3A_50 = arith.constant 2 : i32
    %dma_start3A_51 = arith.constant 0 : i32
    %dma_start3A_52 = tpu.memref_slice %arg6[%dma_start3A_50, %dma_start3A_51] : memref<3x256xi32, #tpu.memory_space<vmem>> -> memref<1x256xi32, #tpu.memory_space<vmem>>
    %dma_start3A_53 = tpu.memref_squeeze %dma_start3A_52 : memref<1x256xi32, #tpu.memory_space<vmem>> -> memref<256xi32, #tpu.memory_space<vmem>>
    %dma_start3A_54 = tpu.memref_slice %arg3[%mul3A_49] : memref<1179648xi32, #tpu.memory_space<hbm>> -> memref<256xi32, #tpu.memory_space<hbm>>
    %dma_start3A_55 = arith.constant 0 : i32
    %dma_start3A_56 = tpu.memref_slice %arg6[%dma_start3A_50, %dma_start3A_55] : memref<3x256xi32, #tpu.memory_space<vmem>> -> memref<1x256xi32, #tpu.memory_space<vmem>>
    %dma_start3A_57 = tpu.memref_squeeze %dma_start3A_56 : memref<1x256xi32, #tpu.memory_space<vmem>> -> memref<256xi32, #tpu.memory_space<vmem>>
    %dma_start3A_58 = tpu.memref_slice %arg3[%mul3A_49] : memref<1179648xi32, #tpu.memory_space<hbm>> -> memref<256xi32, #tpu.memory_space<hbm>>
    tpu.enqueue_dma source(%dma_start3A_58 : memref<256xi32, #tpu.memory_space<hbm>>) target(%dma_start3A_57 : memref<256xi32, #tpu.memory_space<vmem>>) target_semaphore(%arg16 : memref<!tpu.dma_semaphore, #tpu.memory_space<semaphore_mem>>)
    %dma_start3A_59 = arith.constant 2 : i32
    %dma_start3A_60 = arith.constant 0 : i32
    %dma_start3A_61 = tpu.memref_slice %arg7[%dma_start3A_59, %dma_start3A_60] : memref<3x256xf32, #tpu.memory_space<vmem>> -> memref<1x256xf32, #tpu.memory_space<vmem>>
    %dma_start3A_62 = tpu.memref_squeeze %dma_start3A_61 : memref<1x256xf32, #tpu.memory_space<vmem>> -> memref<256xf32, #tpu.memory_space<vmem>>
    %dma_start3A_63 = tpu.memref_slice %arg4[%mul3A_49] : memref<1179648xf32, #tpu.memory_space<hbm>> -> memref<256xf32, #tpu.memory_space<hbm>>
    %dma_start3A_64 = arith.constant 0 : i32
    %dma_start3A_65 = tpu.memref_slice %arg7[%dma_start3A_59, %dma_start3A_64] : memref<3x256xf32, #tpu.memory_space<vmem>> -> memref<1x256xf32, #tpu.memory_space<vmem>>
    %dma_start3A_66 = tpu.memref_squeeze %dma_start3A_65 : memref<1x256xf32, #tpu.memory_space<vmem>> -> memref<256xf32, #tpu.memory_space<vmem>>
    %dma_start3A_67 = tpu.memref_slice %arg4[%mul3A_49] : memref<1179648xf32, #tpu.memory_space<hbm>> -> memref<256xf32, #tpu.memory_space<hbm>>
    tpu.enqueue_dma source(%dma_start3A_67 : memref<256xf32, #tpu.memory_space<hbm>>) target(%dma_start3A_66 : memref<256xf32, #tpu.memory_space<vmem>>) target_semaphore(%arg16 : memref<!tpu.dma_semaphore, #tpu.memory_space<semaphore_mem>>)
    %dma_wait3A = arith.constant 0 : i32
    %dma_wait3A_68 = arith.constant 0 : i32
    %dma_wait3A_69 = tpu.memref_slice %arg6[%dma_wait3A, %dma_wait3A_68] : memref<3x256xi32, #tpu.memory_space<vmem>> -> memref<1x256xi32, #tpu.memory_space<vmem>>
    %dma_wait3A_70 = tpu.memref_squeeze %dma_wait3A_69 : memref<1x256xi32, #tpu.memory_space<vmem>> -> memref<256xi32, #tpu.memory_space<vmem>>
    %dma_wait3A_71 = arith.constant 0 : i32
    %dma_wait3A_72 = tpu.memref_slice %arg3[%dma_wait3A_71] : memref<1179648xi32, #tpu.memory_space<hbm>> -> memref<256xi32, #tpu.memory_space<hbm>>
    %dma_wait3A_73 = arith.constant 0 : i32
    %dma_wait3A_74 = tpu.memref_slice %arg6[%dma_wait3A, %dma_wait3A_73] : memref<3x256xi32, #tpu.memory_space<vmem>> -> memref<1x256xi32, #tpu.memory_space<vmem>>
    %dma_wait3A_75 = tpu.memref_squeeze %dma_wait3A_74 : memref<1x256xi32, #tpu.memory_space<vmem>> -> memref<256xi32, #tpu.memory_space<vmem>>
    %dma_wait3A_76 = arith.constant 0 : i32
    %dma_wait3A_77 = tpu.memref_slice %arg3[%dma_wait3A_76] : memref<1179648xi32, #tpu.memory_space<hbm>> -> memref<256xi32, #tpu.memory_space<hbm>>
    tpu.wait_dma2 semaphore(%arg14 : memref<!tpu.dma_semaphore, #tpu.memory_space<semaphore_mem>>) src(%dma_wait3A_77 : memref<256xi32, #tpu.memory_space<hbm>>) dst(%dma_wait3A_75 : memref<256xi32, #tpu.memory_space<vmem>>)
    %dma_wait3A_78 = arith.constant 0 : i32
    %dma_wait3A_79 = arith.constant 0 : i32
    %dma_wait3A_80 = tpu.memref_slice %arg7[%dma_wait3A_78, %dma_wait3A_79] : memref<3x256xf32, #tpu.memory_space<vmem>> -> memref<1x256xf32, #tpu.memory_space<vmem>>
    %dma_wait3A_81 = tpu.memref_squeeze %dma_wait3A_80 : memref<1x256xf32, #tpu.memory_space<vmem>> -> memref<256xf32, #tpu.memory_space<vmem>>
    %dma_wait3A_82 = arith.constant 0 : i32
    %dma_wait3A_83 = tpu.memref_slice %arg4[%dma_wait3A_82] : memref<1179648xf32, #tpu.memory_space<hbm>> -> memref<256xf32, #tpu.memory_space<hbm>>
    %dma_wait3A_84 = arith.constant 0 : i32
    %dma_wait3A_85 = tpu.memref_slice %arg7[%dma_wait3A_78, %dma_wait3A_84] : memref<3x256xf32, #tpu.memory_space<vmem>> -> memref<1x256xf32, #tpu.memory_space<vmem>>
    %dma_wait3A_86 = tpu.memref_squeeze %dma_wait3A_85 : memref<1x256xf32, #tpu.memory_space<vmem>> -> memref<256xf32, #tpu.memory_space<vmem>>
    %dma_wait3A_87 = arith.constant 0 : i32
    %dma_wait3A_88 = tpu.memref_slice %arg4[%dma_wait3A_87] : memref<1179648xf32, #tpu.memory_space<hbm>> -> memref<256xf32, #tpu.memory_space<hbm>>
    tpu.wait_dma2 semaphore(%arg14 : memref<!tpu.dma_semaphore, #tpu.memory_space<semaphore_mem>>) src(%dma_wait3A_88 : memref<256xf32, #tpu.memory_space<hbm>>) dst(%dma_wait3A_86 : memref<256xf32, #tpu.memory_space<vmem>>)
    %dma_start3A_89 = arith.constant 0 : i32
    %dma_start3A_90 = arith.constant 0 : i32
    %dma_start3A_91 = arith.constant 0 : i32
    %dma_start3A_92 = tpu.memref_slice %arg8[%dma_start3A_90, %dma_start3A_91] : memref<256x192xbf16, #tpu.memory_space<vmem>> -> memref<128x192xbf16, #tpu.memory_space<vmem>>
    %dma_start3A_93 = arith.constant 0 : i32
    %dma_start3A_94 = tpu.memref_slice %arg6[%dma_start3A_89, %dma_start3A_93] : memref<3x256xi32, #tpu.memory_space<vmem>> -> memref<1x128xi32, #tpu.memory_space<vmem>>
    %dma_start3A_95 = tpu.memref_squeeze %dma_start3A_94 : memref<1x128xi32, #tpu.memory_space<vmem>> -> memref<128xi32, #tpu.memory_space<vmem>>
    %dma_start3A_96 = arith.constant 0 : i32
    %dma_start3A_97 = arith.constant 0 : i32
    %dma_start3A_98 = tpu.memref_slice %arg2[%dma_start3A_96, %dma_start3A_97] : memref<294912x192xbf16, #tpu.memory_space<hbm>> -> memref<294912x192xbf16, #tpu.memory_space<hbm>>
    tpu.enqueue_indirect_dma source(%dma_start3A_98 : memref<294912x192xbf16, #tpu.memory_space<hbm>>) target(%dma_start3A_92 : memref<128x192xbf16, #tpu.memory_space<vmem>>) offsets(%dma_start3A_95 : memref<128xi32, #tpu.memory_space<vmem>>) semaphore(%arg17 : memref<!tpu.dma_semaphore, #tpu.memory_space<semaphore_mem>>)
    %dma_start3A_99 = arith.constant 0 : i32
    %dma_start3A_100 = arith.constant 128 : i32
    %dma_start3A_101 = arith.constant 0 : i32
    %dma_start3A_102 = tpu.memref_slice %arg8[%dma_start3A_100, %dma_start3A_101] : memref<256x192xbf16, #tpu.memory_space<vmem>> -> memref<128x192xbf16, #tpu.memory_space<vmem>>
    %dma_start3A_103 = arith.constant 128 : i32
    %dma_start3A_104 = tpu.memref_slice %arg6[%dma_start3A_99, %dma_start3A_103] : memref<3x256xi32, #tpu.memory_space<vmem>> -> memref<1x128xi32, #tpu.memory_space<vmem>>
    %dma_start3A_105 = tpu.memref_squeeze %dma_start3A_104 : memref<1x128xi32, #tpu.memory_space<vmem>> -> memref<128xi32, #tpu.memory_space<vmem>>
    %dma_start3A_106 = arith.constant 0 : i32
    %dma_start3A_107 = arith.constant 0 : i32
    %dma_start3A_108 = tpu.memref_slice %arg2[%dma_start3A_106, %dma_start3A_107] : memref<294912x192xbf16, #tpu.memory_space<hbm>> -> memref<294912x192xbf16, #tpu.memory_space<hbm>>
    tpu.enqueue_indirect_dma source(%dma_start3A_108 : memref<294912x192xbf16, #tpu.memory_space<hbm>>) target(%dma_start3A_102 : memref<128x192xbf16, #tpu.memory_space<vmem>>) offsets(%dma_start3A_105 : memref<128xi32, #tpu.memory_space<vmem>>) semaphore(%arg17 : memref<!tpu.dma_semaphore, #tpu.memory_space<semaphore_mem>>)
    %dma_wait3A_109 = arith.constant 1 : i32
    %dma_wait3A_110 = arith.constant 0 : i32
    %dma_wait3A_111 = tpu.memref_slice %arg6[%dma_wait3A_109, %dma_wait3A_110] : memref<3x256xi32, #tpu.memory_space<vmem>> -> memref<1x256xi32, #tpu.memory_space<vmem>>
    %dma_wait3A_112 = tpu.memref_squeeze %dma_wait3A_111 : memref<1x256xi32, #tpu.memory_space<vmem>> -> memref<256xi32, #tpu.memory_space<vmem>>
    %dma_wait3A_113 = arith.constant 0 : i32
    %dma_wait3A_114 = tpu.memref_slice %arg3[%dma_wait3A_113] : memref<1179648xi32, #tpu.memory_space<hbm>> -> memref<256xi32, #tpu.memory_space<hbm>>
    %dma_wait3A_115 = arith.constant 0 : i32
    %dma_wait3A_116 = tpu.memref_slice %arg6[%dma_wait3A_109, %dma_wait3A_115] : memref<3x256xi32, #tpu.memory_space<vmem>> -> memref<1x256xi32, #tpu.memory_space<vmem>>
    %dma_wait3A_117 = tpu.memref_squeeze %dma_wait3A_116 : memref<1x256xi32, #tpu.memory_space<vmem>> -> memref<256xi32, #tpu.memory_space<vmem>>
    %dma_wait3A_118 = arith.constant 0 : i32
    %dma_wait3A_119 = tpu.memref_slice %arg3[%dma_wait3A_118] : memref<1179648xi32, #tpu.memory_space<hbm>> -> memref<256xi32, #tpu.memory_space<hbm>>
    tpu.wait_dma2 semaphore(%arg15 : memref<!tpu.dma_semaphore, #tpu.memory_space<semaphore_mem>>) src(%dma_wait3A_119 : memref<256xi32, #tpu.memory_space<hbm>>) dst(%dma_wait3A_117 : memref<256xi32, #tpu.memory_space<vmem>>)
    %dma_wait3A_120 = arith.constant 1 : i32
    %dma_wait3A_121 = arith.constant 0 : i32
    %dma_wait3A_122 = tpu.memref_slice %arg7[%dma_wait3A_120, %dma_wait3A_121] : memref<3x256xf32, #tpu.memory_space<vmem>> -> memref<1x256xf32, #tpu.memory_space<vmem>>
    %dma_wait3A_123 = tpu.memref_squeeze %dma_wait3A_122 : memref<1x256xf32, #tpu.memory_space<vmem>> -> memref<256xf32, #tpu.memory_space<vmem>>
    %dma_wait3A_124 = arith.constant 0 : i32
    %dma_wait3A_125 = tpu.memref_slice %arg4[%dma_wait3A_124] : memref<1179648xf32, #tpu.memory_space<hbm>> -> memref<256xf32, #tpu.memory_space<hbm>>
    %dma_wait3A_126 = arith.constant 0 : i32
    %dma_wait3A_127 = tpu.memref_slice %arg7[%dma_wait3A_120, %dma_wait3A_126] : memref<3x256xf32, #tpu.memory_space<vmem>> -> memref<1x256xf32, #tpu.memory_space<vmem>>
    %dma_wait3A_128 = tpu.memref_squeeze %dma_wait3A_127 : memref<1x256xf32, #tpu.memory_space<vmem>> -> memref<256xf32, #tpu.memory_space<vmem>>
    %dma_wait3A_129 = arith.constant 0 : i32
    %dma_wait3A_130 = tpu.memref_slice %arg4[%dma_wait3A_129] : memref<1179648xf32, #tpu.memory_space<hbm>> -> memref<256xf32, #tpu.memory_space<hbm>>
    tpu.wait_dma2 semaphore(%arg15 : memref<!tpu.dma_semaphore, #tpu.memory_space<semaphore_mem>>) src(%dma_wait3A_130 : memref<256xf32, #tpu.memory_space<hbm>>) dst(%dma_wait3A_128 : memref<256xf32, #tpu.memory_space<vmem>>)
    %dma_start3A_131 = arith.constant 1 : i32
    %dma_start3A_132 = arith.constant 0 : i32
    %dma_start3A_133 = arith.constant 0 : i32
    %dma_start3A_134 = tpu.memref_slice %arg9[%dma_start3A_132, %dma_start3A_133] : memref<256x192xbf16, #tpu.memory_space<vmem>> -> memref<128x192xbf16, #tpu.memory_space<vmem>>
    %dma_start3A_135 = arith.constant 0 : i32
    %dma_start3A_136 = tpu.memref_slice %arg6[%dma_start3A_131, %dma_start3A_135] : memref<3x256xi32, #tpu.memory_space<vmem>> -> memref<1x128xi32, #tpu.memory_space<vmem>>
    %dma_start3A_137 = tpu.memref_squeeze %dma_start3A_136 : memref<1x128xi32, #tpu.memory_space<vmem>> -> memref<128xi32, #tpu.memory_space<vmem>>
    %dma_start3A_138 = arith.constant 0 : i32
    %dma_start3A_139 = arith.constant 0 : i32
    %dma_start3A_140 = tpu.memref_slice %arg2[%dma_start3A_138, %dma_start3A_139] : memref<294912x192xbf16, #tpu.memory_space<hbm>> -> memref<294912x192xbf16, #tpu.memory_space<hbm>>
    tpu.enqueue_indirect_dma source(%dma_start3A_140 : memref<294912x192xbf16, #tpu.memory_space<hbm>>) target(%dma_start3A_134 : memref<128x192xbf16, #tpu.memory_space<vmem>>) offsets(%dma_start3A_137 : memref<128xi32, #tpu.memory_space<vmem>>) semaphore(%arg18 : memref<!tpu.dma_semaphore, #tpu.memory_space<semaphore_mem>>)
    %dma_start3A_141 = arith.constant 1 : i32
    %dma_start3A_142 = arith.constant 128 : i32
    %dma_start3A_143 = arith.constant 0 : i32
    %dma_start3A_144 = tpu.memref_slice %arg9[%dma_start3A_142, %dma_start3A_143] : memref<256x192xbf16, #tpu.memory_space<vmem>> -> memref<128x192xbf16, #tpu.memory_space<vmem>>
    %dma_start3A_145 = arith.constant 128 : i32
    %dma_start3A_146 = tpu.memref_slice %arg6[%dma_start3A_141, %dma_start3A_145] : memref<3x256xi32, #tpu.memory_space<vmem>> -> memref<1x128xi32, #tpu.memory_space<vmem>>
    %dma_start3A_147 = tpu.memref_squeeze %dma_start3A_146 : memref<1x128xi32, #tpu.memory_space<vmem>> -> memref<128xi32, #tpu.memory_space<vmem>>
    %dma_start3A_148 = arith.constant 0 : i32
    %dma_start3A_149 = arith.constant 0 : i32
    %dma_start3A_150 = tpu.memref_slice %arg2[%dma_start3A_148, %dma_start3A_149] : memref<294912x192xbf16, #tpu.memory_space<hbm>> -> memref<294912x192xbf16, #tpu.memory_space<hbm>>
    tpu.enqueue_indirect_dma source(%dma_start3A_150 : memref<294912x192xbf16, #tpu.memory_space<hbm>>) target(%dma_start3A_144 : memref<128x192xbf16, #tpu.memory_space<vmem>>) offsets(%dma_start3A_147 : memref<128xi32, #tpu.memory_space<vmem>>) semaphore(%arg18 : memref<!tpu.dma_semaphore, #tpu.memory_space<semaphore_mem>>)
    %scan3A = arith.constant 0 : i32
    %scan3A_151 = arith.constant 48 : i32
    %scan3A_152 = arith.addi %scan3A, %scan3A_151 : i32
    %scan3A_153 = arith.constant 1 : i32
    scf.for %scan3A_173 = %scan3A to %scan3A_152 step %scan3A_153  : i32 {
      %mul3A_174 = arith.constant 3 : i32
      %mul3A_175 = arith.muli %scan3A_173, %mul3A_174 : i32
      %add3A_176 = arith.constant 0 : i32
      %add3A_177 = arith.addi %add3A_176, %mul3A_175 : i32
      %add3A_178 = arith.constant 0 : i32
      %add3A_179 = arith.addi %add3A_177, %add3A_178 : i32
      %dma_wait3A_180 = arith.constant 0 : i32
      %dma_wait3A_181 = arith.constant 0 : i32
      %dma_wait3A_182 = arith.constant 0 : i32
      %dma_wait3A_183 = tpu.memref_slice %arg8[%dma_wait3A_181, %dma_wait3A_182] : memref<256x192xbf16, #tpu.memory_space<vmem>> -> memref<128x192xbf16, #tpu.memory_space<vmem>>
      %dma_wait3A_184 = arith.constant 0 : i32
      %dma_wait3A_185 = tpu.memref_slice %arg6[%dma_wait3A_180, %dma_wait3A_184] : memref<3x256xi32, #tpu.memory_space<vmem>> -> memref<1x128xi32, #tpu.memory_space<vmem>>
      %dma_wait3A_186 = tpu.memref_squeeze %dma_wait3A_185 : memref<1x128xi32, #tpu.memory_space<vmem>> -> memref<128xi32, #tpu.memory_space<vmem>>
      %dma_wait3A_187 = arith.constant 0 : i32
      %dma_wait3A_188 = arith.constant 0 : i32
      %dma_wait3A_189 = tpu.memref_slice %arg2[%dma_wait3A_187, %dma_wait3A_188] : memref<294912x192xbf16, #tpu.memory_space<hbm>> -> memref<294912x192xbf16, #tpu.memory_space<hbm>>
      tpu.wait_indirect_dma semaphore(%arg17 : memref<!tpu.dma_semaphore, #tpu.memory_space<semaphore_mem>>) src(%dma_wait3A_189 : memref<294912x192xbf16, #tpu.memory_space<hbm>>) dst(%dma_wait3A_183 : memref<128x192xbf16, #tpu.memory_space<vmem>>)
      %dma_wait3A_190 = arith.constant 0 : i32
      %dma_wait3A_191 = arith.constant 128 : i32
      %dma_wait3A_192 = arith.constant 0 : i32
      %dma_wait3A_193 = tpu.memref_slice %arg8[%dma_wait3A_191, %dma_wait3A_192] : memref<256x192xbf16, #tpu.memory_space<vmem>> -> memref<128x192xbf16, #tpu.memory_space<vmem>>
      %dma_wait3A_194 = arith.constant 128 : i32
      %dma_wait3A_195 = tpu.memref_slice %arg6[%dma_wait3A_190, %dma_wait3A_194] : memref<3x256xi32, #tpu.memory_space<vmem>> -> memref<1x128xi32, #tpu.memory_space<vmem>>
      %dma_wait3A_196 = tpu.memref_squeeze %dma_wait3A_195 : memref<1x128xi32, #tpu.memory_space<vmem>> -> memref<128xi32, #tpu.memory_space<vmem>>
      %dma_wait3A_197 = arith.constant 0 : i32
      %dma_wait3A_198 = arith.constant 0 : i32
      %dma_wait3A_199 = tpu.memref_slice %arg2[%dma_wait3A_197, %dma_wait3A_198] : memref<294912x192xbf16, #tpu.memory_space<hbm>> -> memref<294912x192xbf16, #tpu.memory_space<hbm>>
      tpu.wait_indirect_dma semaphore(%arg17 : memref<!tpu.dma_semaphore, #tpu.memory_space<semaphore_mem>>) src(%dma_wait3A_199 : memref<294912x192xbf16, #tpu.memory_space<hbm>>) dst(%dma_wait3A_193 : memref<128x192xbf16, #tpu.memory_space<vmem>>)
      %add3A_200 = arith.constant 2 : i32
      %add3A_201 = arith.addi %add3A_179, %add3A_200 : i32
      %lt3A = arith.constant 144 : i32
      %lt3A_202 = arith.cmpi slt, %add3A_201, %lt3A : i32
      %convert_element_type3A = arith.extui %lt3A_202 : i1 to i32
      %cond3A = arith.constant 0 : i32
      %cond3A_203 = arith.cmpi ne, %convert_element_type3A, %cond3A : i32
      scf.if %cond3A_203 {
        %dma_wait3A_333 = arith.constant 2 : i32
        %dma_wait3A_334 = arith.constant 0 : i32
        %dma_wait3A_335 = tpu.memref_slice %arg6[%dma_wait3A_333, %dma_wait3A_334] : memref<3x256xi32, #tpu.memory_space<vmem>> -> memref<1x256xi32, #tpu.memory_space<vmem>>
        %dma_wait3A_336 = tpu.memref_squeeze %dma_wait3A_335 : memref<1x256xi32, #tpu.memory_space<vmem>> -> memref<256xi32, #tpu.memory_space<vmem>>
        %dma_wait3A_337 = arith.constant 0 : i32
        %dma_wait3A_338 = tpu.memref_slice %arg3[%dma_wait3A_337] : memref<1179648xi32, #tpu.memory_space<hbm>> -> memref<256xi32, #tpu.memory_space<hbm>>
        %dma_wait3A_339 = arith.constant 0 : i32
        %dma_wait3A_340 = tpu.memref_slice %arg6[%dma_wait3A_333, %dma_wait3A_339] : memref<3x256xi32, #tpu.memory_space<vmem>> -> memref<1x256xi32, #tpu.memory_space<vmem>>
        %dma_wait3A_341 = tpu.memref_squeeze %dma_wait3A_340 : memref<1x256xi32, #tpu.memory_space<vmem>> -> memref<256xi32, #tpu.memory_space<vmem>>
        %dma_wait3A_342 = arith.constant 0 : i32
        %dma_wait3A_343 = tpu.memref_slice %arg3[%dma_wait3A_342] : memref<1179648xi32, #tpu.memory_space<hbm>> -> memref<256xi32, #tpu.memory_space<hbm>>
        tpu.wait_dma2 semaphore(%arg16 : memref<!tpu.dma_semaphore, #tpu.memory_space<semaphore_mem>>) src(%dma_wait3A_343 : memref<256xi32, #tpu.memory_space<hbm>>) dst(%dma_wait3A_341 : memref<256xi32, #tpu.memory_space<vmem>>)
        %dma_wait3A_344 = arith.constant 2 : i32
        %dma_wait3A_345 = arith.constant 0 : i32
        %dma_wait3A_346 = tpu.memref_slice %arg7[%dma_wait3A_344, %dma_wait3A_345] : memref<3x256xf32, #tpu.memory_space<vmem>> -> memref<1x256xf32, #tpu.memory_space<vmem>>
        %dma_wait3A_347 = tpu.memref_squeeze %dma_wait3A_346 : memref<1x256xf32, #tpu.memory_space<vmem>> -> memref<256xf32, #tpu.memory_space<vmem>>
        %dma_wait3A_348 = arith.constant 0 : i32
        %dma_wait3A_349 = tpu.memref_slice %arg4[%dma_wait3A_348] : memref<1179648xf32, #tpu.memory_space<hbm>> -> memref<256xf32, #tpu.memory_space<hbm>>
        %dma_wait3A_350 = arith.constant 0 : i32
        %dma_wait3A_351 = tpu.memref_slice %arg7[%dma_wait3A_344, %dma_wait3A_350] : memref<3x256xf32, #tpu.memory_space<vmem>> -> memref<1x256xf32, #tpu.memory_space<vmem>>
        %dma_wait3A_352 = tpu.memref_squeeze %dma_wait3A_351 : memref<1x256xf32, #tpu.memory_space<vmem>> -> memref<256xf32, #tpu.memory_space<vmem>>
        %dma_wait3A_353 = arith.constant 0 : i32
        %dma_wait3A_354 = tpu.memref_slice %arg4[%dma_wait3A_353] : memref<1179648xf32, #tpu.memory_space<hbm>> -> memref<256xf32, #tpu.memory_space<hbm>>
        tpu.wait_dma2 semaphore(%arg16 : memref<!tpu.dma_semaphore, #tpu.memory_space<semaphore_mem>>) src(%dma_wait3A_354 : memref<256xf32, #tpu.memory_space<hbm>>) dst(%dma_wait3A_352 : memref<256xf32, #tpu.memory_space<vmem>>)
        %dma_start3A_355 = arith.constant 2 : i32
        %dma_start3A_356 = arith.constant 0 : i32
        %dma_start3A_357 = arith.constant 0 : i32
        %dma_start3A_358 = tpu.memref_slice %arg10[%dma_start3A_356, %dma_start3A_357] : memref<256x192xbf16, #tpu.memory_space<vmem>> -> memref<128x192xbf16, #tpu.memory_space<vmem>>
        %dma_start3A_359 = arith.constant 0 : i32
        %dma_start3A_360 = tpu.memref_slice %arg6[%dma_start3A_355, %dma_start3A_359] : memref<3x256xi32, #tpu.memory_space<vmem>> -> memref<1x128xi32, #tpu.memory_space<vmem>>
        %dma_start3A_361 = tpu.memref_squeeze %dma_start3A_360 : memref<1x128xi32, #tpu.memory_space<vmem>> -> memref<128xi32, #tpu.memory_space<vmem>>
        %dma_start3A_362 = arith.constant 0 : i32
        %dma_start3A_363 = arith.constant 0 : i32
        %dma_start3A_364 = tpu.memref_slice %arg2[%dma_start3A_362, %dma_start3A_363] : memref<294912x192xbf16, #tpu.memory_space<hbm>> -> memref<294912x192xbf16, #tpu.memory_space<hbm>>
        tpu.enqueue_indirect_dma source(%dma_start3A_364 : memref<294912x192xbf16, #tpu.memory_space<hbm>>) target(%dma_start3A_358 : memref<128x192xbf16, #tpu.memory_space<vmem>>) offsets(%dma_start3A_361 : memref<128xi32, #tpu.memory_space<vmem>>) semaphore(%arg19 : memref<!tpu.dma_semaphore, #tpu.memory_space<semaphore_mem>>)
        %dma_start3A_365 = arith.constant 2 : i32
        %dma_start3A_366 = arith.constant 128 : i32
        %dma_start3A_367 = arith.constant 0 : i32
        %dma_start3A_368 = tpu.memref_slice %arg10[%dma_start3A_366, %dma_start3A_367] : memref<256x192xbf16, #tpu.memory_space<vmem>> -> memref<128x192xbf16, #tpu.memory_space<vmem>>
        %dma_start3A_369 = arith.constant 128 : i32
        %dma_start3A_370 = tpu.memref_slice %arg6[%dma_start3A_365, %dma_start3A_369] : memref<3x256xi32, #tpu.memory_space<vmem>> -> memref<1x128xi32, #tpu.memory_space<vmem>>
        %dma_start3A_371 = tpu.memref_squeeze %dma_start3A_370 : memref<1x128xi32, #tpu.memory_space<vmem>> -> memref<128xi32, #tpu.memory_space<vmem>>
        %dma_start3A_372 = arith.constant 0 : i32
        %dma_start3A_373 = arith.constant 0 : i32
        %dma_start3A_374 = tpu.memref_slice %arg2[%dma_start3A_372, %dma_start3A_373] : memref<294912x192xbf16, #tpu.memory_space<hbm>> -> memref<294912x192xbf16, #tpu.memory_space<hbm>>
        tpu.enqueue_indirect_dma source(%dma_start3A_374 : memref<294912x192xbf16, #tpu.memory_space<hbm>>) target(%dma_start3A_368 : memref<128x192xbf16, #tpu.memory_space<vmem>>) offsets(%dma_start3A_371 : memref<128xi32, #tpu.memory_space<vmem>>) semaphore(%arg19 : memref<!tpu.dma_semaphore, #tpu.memory_space<semaphore_mem>>)
      } else {
      }
      %ge3A = arith.constant 3 : i32
      %ge3A_204 = arith.cmpi sge, %add3A_179, %ge3A : i32
      %convert_element_type3A_205 = arith.extui %ge3A_204 : i1 to i32
      %cond3A_206 = arith.constant 0 : i32
      %cond3A_207 = arith.cmpi ne, %convert_element_type3A_205, %cond3A_206 : i32
      scf.if %cond3A_207 {
        %dma_wait3A_333 = arith.constant 0 : i32
        %dma_wait3A_334 = arith.constant 0 : i32
        %dma_wait3A_335 = tpu.memref_slice %arg5[%dma_wait3A_333, %dma_wait3A_334] : memref<294912x192xbf16, #tpu.memory_space<hbm>> -> memref<64x192xbf16, #tpu.memory_space<hbm>>
        %dma_wait3A_336 = arith.constant 0 : i32
        %dma_wait3A_337 = arith.constant 0 : i32
        %dma_wait3A_338 = tpu.memref_slice %arg5[%dma_wait3A_336, %dma_wait3A_337] : memref<294912x192xbf16, #tpu.memory_space<hbm>> -> memref<64x192xbf16, #tpu.memory_space<hbm>>
        tpu.wait_dma2 semaphore(%arg20 : memref<!tpu.dma_semaphore, #tpu.memory_space<semaphore_mem>>) src(%arg11 : memref<64x192xbf16, #tpu.memory_space<vmem>>) dst(%dma_wait3A_338 : memref<64x192xbf16, #tpu.memory_space<hbm>>)
      } else {
      }
      %scan3A_208 = arith.constant 0 : i32
      %scan3A_209 = arith.constant 64 : i32
      %scan3A_210 = arith.addi %scan3A_208, %scan3A_209 : i32
      %scan3A_211 = arith.constant 1 : i32
      scf.for %scan3A_333 = %scan3A_208 to %scan3A_210 step %scan3A_211  : i32 {
        %mul3A_334 = arith.constant 1 : i32
        %mul3A_335 = arith.muli %scan3A_333, %mul3A_334 : i32
        %add3A_336 = arith.constant 0 : i32
        %add3A_337 = arith.addi %add3A_336, %mul3A_335 : i32
        %broadcast_in_dim3A = arith.constant 0 : i32
        %broadcast_in_dim3A_338 = vector.broadcast %broadcast_in_dim3A : i32 to vector<16xi32>
        %broadcast_in_dim3A_339 = arith.constant 0 : i32
        %broadcast_in_dim3A_340 = vector.broadcast %broadcast_in_dim3A_339 : i32 to vector<16xi32>
        %broadcast_in_dim3A_341 = vector.broadcast %add3A_337 : i32 to vector<16xi32>
        %add3A_342 = arith.addi %broadcast_in_dim3A_340, %broadcast_in_dim3A_341 : vector<16xi32>
        %gather3A = tpu.vector_load_idx %arg7[%broadcast_in_dim3A_338, %add3A_342] : memref<3x256xf32, #tpu.memory_space<vmem>>[vector<16xi32>, vector<16xi32>], vector<16xf32>,
        %pack3A = tpu.pack_subelements %gather3A, %gather3A {pack_format = #tpu.pack_format<interleaved>, positions = array<i32: 0, 1>} : vector<16xf32>, vector<16xf32> -> vector<32xbf16>
        %broadcast_in_dim3A_343 = arith.constant 0 : i32
        %broadcast_in_dim3A_344 = vector.broadcast %broadcast_in_dim3A_343 : i32 to vector<16xi32>
        %broadcast_in_dim3A_345 = arith.constant 64 : i32
        %broadcast_in_dim3A_346 = vector.broadcast %broadcast_in_dim3A_345 : i32 to vector<16xi32>
        %broadcast_in_dim3A_347 = vector.broadcast %add3A_337 : i32 to vector<16xi32>
        %add3A_348 = arith.addi %broadcast_in_dim3A_346, %broadcast_in_dim3A_347 : vector<16xi32>
        %gather3A_349 = tpu.vector_load_idx %arg7[%broadcast_in_dim3A_344, %add3A_348] : memref<3x256xf32, #tpu.memory_space<vmem>>[vector<16xi32>, vector<16xi32>], vector<16xf32>,
        %pack3A_350 = tpu.pack_subelements %gather3A_349, %gather3A_349 {pack_format = #tpu.pack_format<interleaved>, positions = array<i32: 0, 1>} : vector<16xf32>, vector<16xf32> -> vector<32xbf16>
        %broadcast_in_dim3A_351 = arith.constant 0 : i32
        %broadcast_in_dim3A_352 = vector.broadcast %broadcast_in_dim3A_351 : i32 to vector<16xi32>
        %broadcast_in_dim3A_353 = arith.constant 128 : i32
        %broadcast_in_dim3A_354 = vector.broadcast %broadcast_in_dim3A_353 : i32 to vector<16xi32>
        %broadcast_in_dim3A_355 = vector.broadcast %add3A_337 : i32 to vector<16xi32>
        %add3A_356 = arith.addi %broadcast_in_dim3A_354, %broadcast_in_dim3A_355 : vector<16xi32>
        %gather3A_357 = tpu.vector_load_idx %arg7[%broadcast_in_dim3A_352, %add3A_356] : memref<3x256xf32, #tpu.memory_space<vmem>>[vector<16xi32>, vector<16xi32>], vector<16xf32>,
        %pack3A_358 = tpu.pack_subelements %gather3A_357, %gather3A_357 {pack_format = #tpu.pack_format<interleaved>, positions = array<i32: 0, 1>} : vector<16xf32>, vector<16xf32> -> vector<32xbf16>
        %broadcast_in_dim3A_359 = arith.constant 0 : i32
        %broadcast_in_dim3A_360 = vector.broadcast %broadcast_in_dim3A_359 : i32 to vector<16xi32>
        %broadcast_in_dim3A_361 = arith.constant 192 : i32
        %broadcast_in_dim3A_362 = vector.broadcast %broadcast_in_dim3A_361 : i32 to vector<16xi32>
        %broadcast_in_dim3A_363 = vector.broadcast %add3A_337 : i32 to vector<16xi32>
        %add3A_364 = arith.addi %broadcast_in_dim3A_362, %broadcast_in_dim3A_363 : vector<16xi32>
        %gather3A_365 = tpu.vector_load_idx %arg7[%broadcast_in_dim3A_360, %add3A_364] : memref<3x256xf32, #tpu.memory_space<vmem>>[vector<16xi32>, vector<16xi32>], vector<16xf32>,
        %pack3A_366 = tpu.pack_subelements %gather3A_365, %gather3A_365 {pack_format = #tpu.pack_format<interleaved>, positions = array<i32: 0, 1>} : vector<16xf32>, vector<16xf32> -> vector<32xbf16>
        %get3A = arith.index_cast %add3A_337 : i32 to index
        %get3A_367 = arith.constant 0 : index
        %get3A_368 = tpu.vector_load %arg8[%get3A, %get3A_367] {strides = array<i32>} : memref<256x192xbf16, #tpu.memory_space<vmem>>, vector<32xbf16>,
        %mul3A_369 = arith.mulf %get3A_368, %pack3A : vector<32xbf16>
        %add3A_370 = arith.constant 64 : i32
        %add3A_371 = arith.addi %add3A_370, %add3A_337 : i32
        %get3A_372 = arith.index_cast %add3A_371 : i32 to index
        %get3A_373 = arith.constant 0 : index
        %get3A_374 = tpu.vector_load %arg8[%get3A_372, %get3A_373] {strides = array<i32>} : memref<256x192xbf16, #tpu.memory_space<vmem>>, vector<32xbf16>,
        %mul3A_375 = arith.mulf %get3A_374, %pack3A_350 : vector<32xbf16>
        %add3A_376 = arith.addf %mul3A_369, %mul3A_375 : vector<32xbf16>
        %add3A_377 = arith.constant 128 : i32
        %add3A_378 = arith.addi %add3A_377, %add3A_337 : i32
        %get3A_379 = arith.index_cast %add3A_378 : i32 to index
        %get3A_380 = arith.constant 0 : index
        %get3A_381 = tpu.vector_load %arg8[%get3A_379, %get3A_380] {strides = array<i32>} : memref<256x192xbf16, #tpu.memory_space<vmem>>, vector<32xbf16>,
        %mul3A_382 = arith.mulf %get3A_381, %pack3A_358 : vector<32xbf16>
        %add3A_383 = arith.addf %add3A_376, %mul3A_382 : vector<32xbf16>
        %add3A_384 = arith.constant 192 : i32
        %add3A_385 = arith.addi %add3A_384, %add3A_337 : i32
        %get3A_386 = arith.index_cast %add3A_385 : i32 to index
        %get3A_387 = arith.constant 0 : index
        %get3A_388 = tpu.vector_load %arg8[%get3A_386, %get3A_387] {strides = array<i32>} : memref<256x192xbf16, #tpu.memory_space<vmem>>, vector<32xbf16>,
        %mul3A_389 = arith.mulf %get3A_388, %pack3A_366 : vector<32xbf16>
        %add3A_390 = arith.addf %add3A_383, %mul3A_389 : vector<32xbf16>
        %swap3A = arith.index_cast %add3A_337 : i32 to index
        %swap3A_391 = arith.constant 0 : index
        %swap3A_392 = tpu.vector_load %arg11[%swap3A, %swap3A_391] {strides = array<i32>} : memref<64x192xbf16, #tpu.memory_space<vmem>>, vector<32xbf16>,
        tpu.vector_store %arg11[%swap3A, %swap3A_391], %add3A_390 {strides = array<i32>} : memref<64x192xbf16, #tpu.memory_space<vmem>>, vector<32xbf16>,
        %get3A_393 = arith.index_cast %add3A_337 : i32 to index
        %get3A_394 = arith.constant 32 : index
        %get3A_395 = tpu.vector_load %arg8[%get3A_393, %get3A_394] {strides = array<i32>} : memref<256x192xbf16, #tpu.memory_space<vmem>>, vector<32xbf16>,
        %mul3A_396 = arith.mulf %get3A_395, %pack3A : vector<32xbf16>
        %add3A_397 = arith.constant 64 : i32
        %add3A_398 = arith.addi %add3A_397, %add3A_337 : i32
        %get3A_399 = arith.index_cast %add3A_398 : i32 to index
        %get3A_400 = arith.constant 32 : index
        %get3A_401 = tpu.vector_load %arg8[%get3A_399, %get3A_400] {strides = array<i32>} : memref<256x192xbf16, #tpu.memory_space<vmem>>, vector<32xbf16>,
        %mul3A_402 = arith.mulf %get3A_401, %pack3A_350 : vector<32xbf16>
        %add3A_403 = arith.addf %mul3A_396, %mul3A_402 : vector<32xbf16>
        %add3A_404 = arith.constant 128 : i32
        %add3A_405 = arith.addi %add3A_404, %add3A_337 : i32
        %get3A_406 = arith.index_cast %add3A_405 : i32 to index
        %get3A_407 = arith.constant 32 : index
        %get3A_408 = tpu.vector_load %arg8[%get3A_406, %get3A_407] {strides = array<i32>} : memref<256x192xbf16, #tpu.memory_space<vmem>>, vector<32xbf16>,
        %mul3A_409 = arith.mulf %get3A_408, %pack3A_358 : vector<32xbf16>
        %add3A_410 = arith.addf %add3A_403, %mul3A_409 : vector<32xbf16>
        %add3A_411 = arith.constant 192 : i32
        %add3A_412 = arith.addi %add3A_411, %add3A_337 : i32
        %get3A_413 = arith.index_cast %add3A_412 : i32 to index
        %get3A_414 = arith.constant 32 : index
        %get3A_415 = tpu.vector_load %arg8[%get3A_413, %get3A_414] {strides = array<i32>} : memref<256x192xbf16, #tpu.memory_space<vmem>>, vector<32xbf16>,
        %mul3A_416 = arith.mulf %get3A_415, %pack3A_366 : vector<32xbf16>
        %add3A_417 = arith.addf %add3A_410, %mul3A_416 : vector<32xbf16>
        %swap3A_418 = arith.index_cast %add3A_337 : i32 to index
        %swap3A_419 = arith.constant 32 : index
        %swap3A_420 = tpu.vector_load %arg11[%swap3A_418, %swap3A_419] {strides = array<i32>} : memref<64x192xbf16, #tpu.memory_space<vmem>>, vector<32xbf16>,
        tpu.vector_store %arg11[%swap3A_418, %swap3A_419], %add3A_417 {strides = array<i32>} : memref<64x192xbf16, #tpu.memory_space<vmem>>, vector<32xbf16>,
        %get3A_421 = arith.index_cast %add3A_337 : i32 to index
        %get3A_422 = arith.constant 64 : index
        %get3A_423 = tpu.vector_load %arg8[%get3A_421, %get3A_422] {strides = array<i32>} : memref<256x192xbf16, #tpu.memory_space<vmem>>, vector<32xbf16>,
        %mul3A_424 = arith.mulf %get3A_423, %pack3A : vector<32xbf16>
        %add3A_425 = arith.constant 64 : i32
        %add3A_426 = arith.addi %add3A_425, %add3A_337 : i32
        %get3A_427 = arith.index_cast %add3A_426 : i32 to index
        %get3A_428 = arith.constant 64 : index
        %get3A_429 = tpu.vector_load %arg8[%get3A_427, %get3A_428] {strides = array<i32>} : memref<256x192xbf16, #tpu.memory_space<vmem>>, vector<32xbf16>,
        %mul3A_430 = arith.mulf %get3A_429, %pack3A_350 : vector<32xbf16>
        %add3A_431 = arith.addf %mul3A_424, %mul3A_430 : vector<32xbf16>
        %add3A_432 = arith.constant 128 : i32
        %add3A_433 = arith.addi %add3A_432, %add3A_337 : i32
        %get3A_434 = arith.index_cast %add3A_433 : i32 to index
        %get3A_435 = arith.constant 64 : index
        %get3A_436 = tpu.vector_load %arg8[%get3A_434, %get3A_435] {strides = array<i32>} : memref<256x192xbf16, #tpu.memory_space<vmem>>, vector<32xbf16>,
        %mul3A_437 = arith.mulf %get3A_436, %pack3A_358 : vector<32xbf16>
        %add3A_438 = arith.addf %add3A_431, %mul3A_437 : vector<32xbf16>
        %add3A_439 = arith.constant 192 : i32
        %add3A_440 = arith.addi %add3A_439, %add3A_337 : i32
        %get3A_441 = arith.index_cast %add3A_440 : i32 to index
        %get3A_442 = arith.constant 64 : index
        %get3A_443 = tpu.vector_load %arg8[%get3A_441, %get3A_442] {strides = array<i32>} : memref<256x192xbf16, #tpu.memory_space<vmem>>, vector<32xbf16>,
        %mul3A_444 = arith.mulf %get3A_443, %pack3A_366 : vector<32xbf16>
        %add3A_445 = arith.addf %add3A_438, %mul3A_444 : vector<32xbf16>
        %swap3A_446 = arith.index_cast %add3A_337 : i32 to index
        %swap3A_447 = arith.constant 64 : index
        %swap3A_448 = tpu.vector_load %arg11[%swap3A_446, %swap3A_447] {strides = array<i32>} : memref<64x192xbf16, #tpu.memory_space<vmem>>, vector<32xbf16>,
        tpu.vector_store %arg11[%swap3A_446, %swap3A_447], %add3A_445 {strides = array<i32>} : memref<64x192xbf16, #tpu.memory_space<vmem>>, vector<32xbf16>,
        %get3A_449 = arith.index_cast %add3A_337 : i32 to index
        %get3A_450 = arith.constant 96 : index
        %get3A_451 = tpu.vector_load %arg8[%get3A_449, %get3A_450] {strides = array<i32>} : memref<256x192xbf16, #tpu.memory_space<vmem>>, vector<32xbf16>,
        %mul3A_452 = arith.mulf %get3A_451, %pack3A : vector<32xbf16>
        %add3A_453 = arith.constant 64 : i32
        %add3A_454 = arith.addi %add3A_453, %add3A_337 : i32
        %get3A_455 = arith.index_cast %add3A_454 : i32 to index
        %get3A_456 = arith.constant 96 : index
        %get3A_457 = tpu.vector_load %arg8[%get3A_455, %get3A_456] {strides = array<i32>} : memref<256x192xbf16, #tpu.memory_space<vmem>>, vector<32xbf16>,
        %mul3A_458 = arith.mulf %get3A_457, %pack3A_350 : vector<32xbf16>
        %add3A_459 = arith.addf %mul3A_452, %mul3A_458 : vector<32xbf16>
        %add3A_460 = arith.constant 128 : i32
        %add3A_461 = arith.addi %add3A_460, %add3A_337 : i32
        %get3A_462 = arith.index_cast %add3A_461 : i32 to index
        %get3A_463 = arith.constant 96 : index
        %get3A_464 = tpu.vector_load %arg8[%get3A_462, %get3A_463] {strides = array<i32>} : memref<256x192xbf16, #tpu.memory_space<vmem>>, vector<32xbf16>,
        %mul3A_465 = arith.mulf %get3A_464, %pack3A_358 : vector<32xbf16>
        %add3A_466 = arith.addf %add3A_459, %mul3A_465 : vector<32xbf16>
        %add3A_467 = arith.constant 192 : i32
        %add3A_468 = arith.addi %add3A_467, %add3A_337 : i32
        %get3A_469 = arith.index_cast %add3A_468 : i32 to index
        %get3A_470 = arith.constant 96 : index
        %get3A_471 = tpu.vector_load %arg8[%get3A_469, %get3A_470] {strides = array<i32>} : memref<256x192xbf16, #tpu.memory_space<vmem>>, vector<32xbf16>,
        %mul3A_472 = arith.mulf %get3A_471, %pack3A_366 : vector<32xbf16>
        %add3A_473 = arith.addf %add3A_466, %mul3A_472 : vector<32xbf16>
        %swap3A_474 = arith.index_cast %add3A_337 : i32 to index
        %swap3A_475 = arith.constant 96 : index
        %swap3A_476 = tpu.vector_load %arg11[%swap3A_474, %swap3A_475] {strides = array<i32>} : memref<64x192xbf16, #tpu.memory_space<vmem>>, vector<32xbf16>,
        tpu.vector_store %arg11[%swap3A_474, %swap3A_475], %add3A_473 {strides = array<i32>} : memref<64x192xbf16, #tpu.memory_space<vmem>>, vector<32xbf16>,
        %get3A_477 = arith.index_cast %add3A_337 : i32 to index
        %get3A_478 = arith.constant 128 : index
        %get3A_479 = tpu.vector_load %arg8[%get3A_477, %get3A_478] {strides = array<i32>} : memref<256x192xbf16, #tpu.memory_space<vmem>>, vector<32xbf16>,
        %mul3A_480 = arith.mulf %get3A_479, %pack3A : vector<32xbf16>
        %add3A_481 = arith.constant 64 : i32
        %add3A_482 = arith.addi %add3A_481, %add3A_337 : i32
        %get3A_483 = arith.index_cast %add3A_482 : i32 to index
        %get3A_484 = arith.constant 128 : index
        %get3A_485 = tpu.vector_load %arg8[%get3A_483, %get3A_484] {strides = array<i32>} : memref<256x192xbf16, #tpu.memory_space<vmem>>, vector<32xbf16>,
        %mul3A_486 = arith.mulf %get3A_485, %pack3A_350 : vector<32xbf16>
        %add3A_487 = arith.addf %mul3A_480, %mul3A_486 : vector<32xbf16>
        %add3A_488 = arith.constant 128 : i32
        %add3A_489 = arith.addi %add3A_488, %add3A_337 : i32
        %get3A_490 = arith.index_cast %add3A_489 : i32 to index
        %get3A_491 = arith.constant 128 : index
        %get3A_492 = tpu.vector_load %arg8[%get3A_490, %get3A_491] {strides = array<i32>} : memref<256x192xbf16, #tpu.memory_space<vmem>>, vector<32xbf16>,
        %mul3A_493 = arith.mulf %get3A_492, %pack3A_358 : vector<32xbf16>
        %add3A_494 = arith.addf %add3A_487, %mul3A_493 : vector<32xbf16>
        %add3A_495 = arith.constant 192 : i32
        %add3A_496 = arith.addi %add3A_495, %add3A_337 : i32
        %get3A_497 = arith.index_cast %add3A_496 : i32 to index
        %get3A_498 = arith.constant 128 : index
        %get3A_499 = tpu.vector_load %arg8[%get3A_497, %get3A_498] {strides = array<i32>} : memref<256x192xbf16, #tpu.memory_space<vmem>>, vector<32xbf16>,
        %mul3A_500 = arith.mulf %get3A_499, %pack3A_366 : vector<32xbf16>
        %add3A_501 = arith.addf %add3A_494, %mul3A_500 : vector<32xbf16>
        %swap3A_502 = arith.index_cast %add3A_337 : i32 to index
        %swap3A_503 = arith.constant 128 : index
        %swap3A_504 = tpu.vector_load %arg11[%swap3A_502, %swap3A_503] {strides = array<i32>} : memref<64x192xbf16, #tpu.memory_space<vmem>>, vector<32xbf16>,
        tpu.vector_store %arg11[%swap3A_502, %swap3A_503], %add3A_501 {strides = array<i32>} : memref<64x192xbf16, #tpu.memory_space<vmem>>, vector<32xbf16>,
        %get3A_505 = arith.index_cast %add3A_337 : i32 to index
        %get3A_506 = arith.constant 160 : index
        %get3A_507 = tpu.vector_load %arg8[%get3A_505, %get3A_506] {strides = array<i32>} : memref<256x192xbf16, #tpu.memory_space<vmem>>, vector<32xbf16>,
        %mul3A_508 = arith.mulf %get3A_507, %pack3A : vector<32xbf16>
        %add3A_509 = arith.constant 64 : i32
        %add3A_510 = arith.addi %add3A_509, %add3A_337 : i32
        %get3A_511 = arith.index_cast %add3A_510 : i32 to index
        %get3A_512 = arith.constant 160 : index
        %get3A_513 = tpu.vector_load %arg8[%get3A_511, %get3A_512] {strides = array<i32>} : memref<256x192xbf16, #tpu.memory_space<vmem>>, vector<32xbf16>,
        %mul3A_514 = arith.mulf %get3A_513, %pack3A_350 : vector<32xbf16>
        %add3A_515 = arith.addf %mul3A_508, %mul3A_514 : vector<32xbf16>
        %add3A_516 = arith.constant 128 : i32
        %add3A_517 = arith.addi %add3A_516, %add3A_337 : i32
        %get3A_518 = arith.index_cast %add3A_517 : i32 to index
        %get3A_519 = arith.constant 160 : index
        %get3A_520 = tpu.vector_load %arg8[%get3A_518, %get3A_519] {strides = array<i32>} : memref<256x192xbf16, #tpu.memory_space<vmem>>, vector<32xbf16>,
        %mul3A_521 = arith.mulf %get3A_520, %pack3A_358 : vector<32xbf16>
        %add3A_522 = arith.addf %add3A_515, %mul3A_521 : vector<32xbf16>
        %add3A_523 = arith.constant 192 : i32
        %add3A_524 = arith.addi %add3A_523, %add3A_337 : i32
        %get3A_525 = arith.index_cast %add3A_524 : i32 to index
        %get3A_526 = arith.constant 160 : index
        %get3A_527 = tpu.vector_load %arg8[%get3A_525, %get3A_526] {strides = array<i32>} : memref<256x192xbf16, #tpu.memory_space<vmem>>, vector<32xbf16>,
        %mul3A_528 = arith.mulf %get3A_527, %pack3A_366 : vector<32xbf16>
        %add3A_529 = arith.addf %add3A_522, %mul3A_528 : vector<32xbf16>
        %swap3A_530 = arith.index_cast %add3A_337 : i32 to index
        %swap3A_531 = arith.constant 160 : index
        %swap3A_532 = tpu.vector_load %arg11[%swap3A_530, %swap3A_531] {strides = array<i32>} : memref<64x192xbf16, #tpu.memory_space<vmem>>, vector<32xbf16>,
        tpu.vector_store %arg11[%swap3A_530, %swap3A_531], %add3A_529 {strides = array<i32>} : memref<64x192xbf16, #tpu.memory_space<vmem>>, vector<32xbf16>,
      }
      %scan3A_212 = arith.constant 64 : i32
      %add3A_213 = arith.addi %mul3A_2, %add3A_179 : i32
      %mul3A_214 = arith.constant 64 : i32
      %mul3A_215 = arith.muli %add3A_213, %mul3A_214 : i32
      %dma_start3A_216 = arith.constant 0 : i32
      %dma_start3A_217 = tpu.memref_slice %arg5[%mul3A_215, %dma_start3A_216] : memref<294912x192xbf16, #tpu.memory_space<hbm>> -> memref<64x192xbf16, #tpu.memory_space<hbm>>
      %dma_start3A_218 = arith.constant 0 : i32
      %dma_start3A_219 = tpu.memref_slice %arg5[%mul3A_215, %dma_start3A_218] : memref<294912x192xbf16, #tpu.memory_space<hbm>> -> memref<64x192xbf16, #tpu.memory_space<hbm>>
      tpu.enqueue_dma source(%arg11 : memref<64x192xbf16, #tpu.memory_space<vmem>>) target(%dma_start3A_219 : memref<64x192xbf16, #tpu.memory_space<hbm>>) target_semaphore(%arg20 : memref<!tpu.dma_semaphore, #tpu.memory_space<semaphore_mem>>)
      %add3A_220 = arith.constant 3 : i32
      %add3A_221 = arith.addi %add3A_179, %add3A_220 : i32
      %lt3A_222 = arith.constant 144 : i32
      %lt3A_223 = arith.cmpi slt, %add3A_221, %lt3A_222 : i32
      %convert_element_type3A_224 = arith.extui %lt3A_223 : i1 to i32
      %cond3A_225 = arith.constant 0 : i32
      %cond3A_226 = arith.cmpi ne, %convert_element_type3A_224, %cond3A_225 : i32
      scf.if %cond3A_226 {
        %add3A_333 = arith.constant 3 : i32
        %add3A_334 = arith.addi %add3A_179, %add3A_333 : i32
        %add3A_335 = arith.addi %mul3A_2, %add3A_334 : i32
        %mul3A_336 = arith.constant 256 : i32
        %mul3A_337 = arith.muli %add3A_335, %mul3A_336 : i32
        %dma_start3A_338 = arith.constant 0 : i32
        %dma_start3A_339 = arith.constant 0 : i32
        %dma_start3A_340 = tpu.memref_slice %arg6[%dma_start3A_338, %dma_start3A_339] : memref<3x256xi32, #tpu.memory_space<vmem>> -> memref<1x256xi32, #tpu.memory_space<vmem>>
        %dma_start3A_341 = tpu.memref_squeeze %dma_start3A_340 : memref<1x256xi32, #tpu.memory_space<vmem>> -> memref<256xi32, #tpu.memory_space<vmem>>
        %dma_start3A_342 = tpu.memref_slice %arg3[%mul3A_337] : memref<1179648xi32, #tpu.memory_space<hbm>> -> memref<256xi32, #tpu.memory_space<hbm>>
        %dma_start3A_343 = arith.constant 0 : i32
        %dma_start3A_344 = tpu.memref_slice %arg6[%dma_start3A_338, %dma_start3A_343] : memref<3x256xi32, #tpu.memory_space<vmem>> -> memref<1x256xi32, #tpu.memory_space<vmem>>
        %dma_start3A_345 = tpu.memref_squeeze %dma_start3A_344 : memref<1x256xi32, #tpu.memory_space<vmem>> -> memref<256xi32, #tpu.memory_space<vmem>>
        %dma_start3A_346 = tpu.memref_slice %arg3[%mul3A_337] : memref<1179648xi32, #tpu.memory_space<hbm>> -> memref<256xi32, #tpu.memory_space<hbm>>
        tpu.enqueue_dma source(%dma_start3A_346 : memref<256xi32, #tpu.memory_space<hbm>>) target(%dma_start3A_345 : memref<256xi32, #tpu.memory_space<vmem>>) target_semaphore(%arg14 : memref<!tpu.dma_semaphore, #tpu.memory_space<semaphore_mem>>)
        %dma_start3A_347 = arith.constant 0 : i32
        %dma_start3A_348 = arith.constant 0 : i32
        %dma_start3A_349 = tpu.memref_slice %arg7[%dma_start3A_347, %dma_start3A_348] : memref<3x256xf32, #tpu.memory_space<vmem>> -> memref<1x256xf32, #tpu.memory_space<vmem>>
        %dma_start3A_350 = tpu.memref_squeeze %dma_start3A_349 : memref<1x256xf32, #tpu.memory_space<vmem>> -> memref<256xf32, #tpu.memory_space<vmem>>
        %dma_start3A_351 = tpu.memref_slice %arg4[%mul3A_337] : memref<1179648xf32, #tpu.memory_space<hbm>> -> memref<256xf32, #tpu.memory_space<hbm>>
        %dma_start3A_352 = arith.constant 0 : i32
        %dma_start3A_353 = tpu.memref_slice %arg7[%dma_start3A_347, %dma_start3A_352] : memref<3x256xf32, #tpu.memory_space<vmem>> -> memref<1x256xf32, #tpu.memory_space<vmem>>
        %dma_start3A_354 = tpu.memref_squeeze %dma_start3A_353 : memref<1x256xf32, #tpu.memory_space<vmem>> -> memref<256xf32, #tpu.memory_space<vmem>>
        %dma_start3A_355 = tpu.memref_slice %arg4[%mul3A_337] : memref<1179648xf32, #tpu.memory_space<hbm>> -> memref<256xf32, #tpu.memory_space<hbm>>
        tpu.enqueue_dma source(%dma_start3A_355 : memref<256xf32, #tpu.memory_space<hbm>>) target(%dma_start3A_354 : memref<256xf32, #tpu.memory_space<vmem>>) target_semaphore(%arg14 : memref<!tpu.dma_semaphore, #tpu.memory_space<semaphore_mem>>)
      } else {
      }
      %add3A_227 = arith.constant 1 : i32
      %add3A_228 = arith.addi %add3A_177, %add3A_227 : i32
      %dma_wait3A_229 = arith.constant 1 : i32
      %dma_wait3A_230 = arith.constant 0 : i32
      %dma_wait3A_231 = arith.constant 0 : i32
      %dma_wait3A_232 = tpu.memref_slice %arg9[%dma_wait3A_230, %dma_wait3A_231] : memref<256x192xbf16, #tpu.memory_space<vmem>> -> memref<128x192xbf16, #tpu.memory_space<vmem>>
      %dma_wait3A_233 = arith.constant 0 : i32
      %dma_wait3A_234 = tpu.memref_slice %arg6[%dma_wait3A_229, %dma_wait3A_233] : memref<3x256xi32, #tpu.memory_space<vmem>> -> memref<1x128xi32, #tpu.memory_space<vmem>>
      %dma_wait3A_235 = tpu.memref_squeeze %dma_wait3A_234 : memref<1x128xi32, #tpu.memory_space<vmem>> -> memref<128xi32, #tpu.memory_space<vmem>>
      %dma_wait3A_236 = arith.constant 0 : i32
      %dma_wait3A_237 = arith.constant 0 : i32
      %dma_wait3A_238 = tpu.memref_slice %arg2[%dma_wait3A_236, %dma_wait3A_237] : memref<294912x192xbf16, #tpu.memory_space<hbm>> -> memref<294912x192xbf16, #tpu.memory_space<hbm>>
      tpu.wait_indirect_dma semaphore(%arg18 : memref<!tpu.dma_semaphore, #tpu.memory_space<semaphore_mem>>) src(%dma_wait3A_238 : memref<294912x192xbf16, #tpu.memory_space<hbm>>) dst(%dma_wait3A_232 : memref<128x192xbf16, #tpu.memory_space<vmem>>)
      %dma_wait3A_239 = arith.constant 1 : i32
      %dma_wait3A_240 = arith.constant 128 : i32
      %dma_wait3A_241 = arith.constant 0 : i32
      %dma_wait3A_242 = tpu.memref_slice %arg9[%dma_wait3A_240, %dma_wait3A_241] : memref<256x192xbf16, #tpu.memory_space<vmem>> -> memref<128x192xbf16, #tpu.memory_space<vmem>>
      %dma_wait3A_243 = arith.constant 128 : i32
      %dma_wait3A_244 = tpu.memref_slice %arg6[%dma_wait3A_239, %dma_wait3A_243] : memref<3x256xi32, #tpu.memory_space<vmem>> -> memref<1x128xi32, #tpu.memory_space<vmem>>
      %dma_wait3A_245 = tpu.memref_squeeze %dma_wait3A_244 : memref<1x128xi32, #tpu.memory_space<vmem>> -> memref<128xi32, #tpu.memory_space<vmem>>
      %dma_wait3A_246 = arith.constant 0 : i32
      %dma_wait3A_247 = arith.constant 0 : i32
      %dma_wait3A_248 = tpu.memref_slice %arg2[%dma_wait3A_246, %dma_wait3A_247] : memref<294912x192xbf16, #tpu.memory_space<hbm>> -> memref<294912x192xbf16, #tpu.memory_space<hbm>>
      tpu.wait_indirect_dma semaphore(%arg18 : memref<!tpu.dma_semaphore, #tpu.memory_space<semaphore_mem>>) src(%dma_wait3A_248 : memref<294912x192xbf16, #tpu.memory_space<hbm>>) dst(%dma_wait3A_242 : memref<128x192xbf16, #tpu.memory_space<vmem>>)
      %add3A_249 = arith.constant 2 : i32
      %add3A_250 = arith.addi %add3A_228, %add3A_249 : i32
      %lt3A_251 = arith.constant 144 : i32
      %lt3A_252 = arith.cmpi slt, %add3A_250, %lt3A_251 : i32
      %convert_element_type3A_253 = arith.extui %lt3A_252 : i1 to i32
      %cond3A_254 = arith.constant 0 : i32
      %cond3A_255 = arith.cmpi ne, %convert_element_type3A_253, %cond3A_254 : i32
      scf.if %cond3A_255 {
        %dma_wait3A_333 = arith.constant 0 : i32
        %dma_wait3A_334 = arith.constant 0 : i32
        %dma_wait3A_335 = tpu.memref_slice %arg6[%dma_wait3A_333, %dma_wait3A_334] : memref<3x256xi32, #tpu.memory_space<vmem>> -> memref<1x256xi32, #tpu.memory_space<vmem>>
        %dma_wait3A_336 = tpu.memref_squeeze %dma_wait3A_335 : memref<1x256xi32, #tpu.memory_space<vmem>> -> memref<256xi32, #tpu.memory_space<vmem>>
        %dma_wait3A_337 = arith.constant 0 : i32
        %dma_wait3A_338 = tpu.memref_slice %arg3[%dma_wait3A_337] : memref<1179648xi32, #tpu.memory_space<hbm>> -> memref<256xi32, #tpu.memory_space<hbm>>
        %dma_wait3A_339 = arith.constant 0 : i32
        %dma_wait3A_340 = tpu.memref_slice %arg6[%dma_wait3A_333, %dma_wait3A_339] : memref<3x256xi32, #tpu.memory_space<vmem>> -> memref<1x256xi32, #tpu.memory_space<vmem>>
        %dma_wait3A_341 = tpu.memref_squeeze %dma_wait3A_340 : memref<1x256xi32, #tpu.memory_space<vmem>> -> memref<256xi32, #tpu.memory_space<vmem>>
        %dma_wait3A_342 = arith.constant 0 : i32
        %dma_wait3A_343 = tpu.memref_slice %arg3[%dma_wait3A_342] : memref<1179648xi32, #tpu.memory_space<hbm>> -> memref<256xi32, #tpu.memory_space<hbm>>
        tpu.wait_dma2 semaphore(%arg14 : memref<!tpu.dma_semaphore, #tpu.memory_space<semaphore_mem>>) src(%dma_wait3A_343 : memref<256xi32, #tpu.memory_space<hbm>>) dst(%dma_wait3A_341 : memref<256xi32, #tpu.memory_space<vmem>>)
        %dma_wait3A_344 = arith.constant 0 : i32
        %dma_wait3A_345 = arith.constant 0 : i32
        %dma_wait3A_346 = tpu.memref_slice %arg7[%dma_wait3A_344, %dma_wait3A_345] : memref<3x256xf32, #tpu.memory_space<vmem>> -> memref<1x256xf32, #tpu.memory_space<vmem>>
        %dma_wait3A_347 = tpu.memref_squeeze %dma_wait3A_346 : memref<1x256xf32, #tpu.memory_space<vmem>> -> memref<256xf32, #tpu.memory_space<vmem>>
        %dma_wait3A_348 = arith.constant 0 : i32
        %dma_wait3A_349 = tpu.memref_slice %arg4[%dma_wait3A_348] : memref<1179648xf32, #tpu.memory_space<hbm>> -> memref<256xf32, #tpu.memory_space<hbm>>
        %dma_wait3A_350 = arith.constant 0 : i32
        %dma_wait3A_351 = tpu.memref_slice %arg7[%dma_wait3A_344, %dma_wait3A_350] : memref<3x256xf32, #tpu.memory_space<vmem>> -> memref<1x256xf32, #tpu.memory_space<vmem>>
        %dma_wait3A_352 = tpu.memref_squeeze %dma_wait3A_351 : memref<1x256xf32, #tpu.memory_space<vmem>> -> memref<256xf32, #tpu.memory_space<vmem>>
        %dma_wait3A_353 = arith.constant 0 : i32
        %dma_wait3A_354 = tpu.memref_slice %arg4[%dma_wait3A_353] : memref<1179648xf32, #tpu.memory_space<hbm>> -> memref<256xf32, #tpu.memory_space<hbm>>
        tpu.wait_dma2 semaphore(%arg14 : memref<!tpu.dma_semaphore, #tpu.memory_space<semaphore_mem>>) src(%dma_wait3A_354 : memref<256xf32, #tpu.memory_space<hbm>>) dst(%dma_wait3A_352 : memref<256xf32, #tpu.memory_space<vmem>>)
        %dma_start3A_355 = arith.constant 0 : i32
        %dma_start3A_356 = arith.constant 0 : i32
        %dma_start3A_357 = arith.constant 0 : i32
        %dma_start3A_358 = tpu.memref_slice %arg8[%dma_start3A_356, %dma_start3A_357] : memref<256x192xbf16, #tpu.memory_space<vmem>> -> memref<128x192xbf16, #tpu.memory_space<vmem>>
        %dma_start3A_359 = arith.constant 0 : i32
        %dma_start3A_360 = tpu.memref_slice %arg6[%dma_start3A_355, %dma_start3A_359] : memref<3x256xi32, #tpu.memory_space<vmem>> -> memref<1x128xi32, #tpu.memory_space<vmem>>
        %dma_start3A_361 = tpu.memref_squeeze %dma_start3A_360 : memref<1x128xi32, #tpu.memory_space<vmem>> -> memref<128xi32, #tpu.memory_space<vmem>>
        %dma_start3A_362 = arith.constant 0 : i32
        %dma_start3A_363 = arith.constant 0 : i32
        %dma_start3A_364 = tpu.memref_slice %arg2[%dma_start3A_362, %dma_start3A_363] : memref<294912x192xbf16, #tpu.memory_space<hbm>> -> memref<294912x192xbf16, #tpu.memory_space<hbm>>
        tpu.enqueue_indirect_dma source(%dma_start3A_364 : memref<294912x192xbf16, #tpu.memory_space<hbm>>) target(%dma_start3A_358 : memref<128x192xbf16, #tpu.memory_space<vmem>>) offsets(%dma_start3A_361 : memref<128xi32, #tpu.memory_space<vmem>>) semaphore(%arg17 : memref<!tpu.dma_semaphore, #tpu.memory_space<semaphore_mem>>)
        %dma_start3A_365 = arith.constant 0 : i32
        %dma_start3A_366 = arith.constant 128 : i32
        %dma_start3A_367 = arith.constant 0 : i32
        %dma_start3A_368 = tpu.memref_slice %arg8[%dma_start3A_366, %dma_start3A_367] : memref<256x192xbf16, #tpu.memory_space<vmem>> -> memref<128x192xbf16, #tpu.memory_space<vmem>>
        %dma_start3A_369 = arith.constant 128 : i32
        %dma_start3A_370 = tpu.memref_slice %arg6[%dma_start3A_365, %dma_start3A_369] : memref<3x256xi32, #tpu.memory_space<vmem>> -> memref<1x128xi32, #tpu.memory_space<vmem>>
        %dma_start3A_371 = tpu.memref_squeeze %dma_start3A_370 : memref<1x128xi32, #tpu.memory_space<vmem>> -> memref<128xi32, #tpu.memory_space<vmem>>
        %dma_start3A_372 = arith.constant 0 : i32
        %dma_start3A_373 = arith.constant 0 : i32
        %dma_start3A_374 = tpu.memref_slice %arg2[%dma_start3A_372, %dma_start3A_373] : memref<294912x192xbf16, #tpu.memory_space<hbm>> -> memref<294912x192xbf16, #tpu.memory_space<hbm>>
        tpu.enqueue_indirect_dma source(%dma_start3A_374 : memref<294912x192xbf16, #tpu.memory_space<hbm>>) target(%dma_start3A_368 : memref<128x192xbf16, #tpu.memory_space<vmem>>) offsets(%dma_start3A_371 : memref<128xi32, #tpu.memory_space<vmem>>) semaphore(%arg17 : memref<!tpu.dma_semaphore, #tpu.memory_space<semaphore_mem>>)
      } else {
      }
      %ge3A_256 = arith.constant 3 : i32
      %ge3A_257 = arith.cmpi sge, %add3A_228, %ge3A_256 : i32
      %convert_element_type3A_258 = arith.extui %ge3A_257 : i1 to i32
      %cond3A_259 = arith.constant 0 : i32
      %cond3A_260 = arith.cmpi ne, %convert_element_type3A_258, %cond3A_259 : i32
      scf.if %cond3A_260 {
        %dma_wait3A_333 = arith.constant 0 : i32
        %dma_wait3A_334 = arith.constant 0 : i32
        %dma_wait3A_335 = tpu.memref_slice %arg5[%dma_wait3A_333, %dma_wait3A_334] : memref<294912x192xbf16, #tpu.memory_space<hbm>> -> memref<64x192xbf16, #tpu.memory_space<hbm>>
        %dma_wait3A_336 = arith.constant 0 : i32
        %dma_wait3A_337 = arith.constant 0 : i32
        %dma_wait3A_338 = tpu.memref_slice %arg5[%dma_wait3A_336, %dma_wait3A_337] : memref<294912x192xbf16, #tpu.memory_space<hbm>> -> memref<64x192xbf16, #tpu.memory_space<hbm>>
        tpu.wait_dma2 semaphore(%arg21 : memref<!tpu.dma_semaphore, #tpu.memory_space<semaphore_mem>>) src(%arg12 : memref<64x192xbf16, #tpu.memory_space<vmem>>) dst(%dma_wait3A_338 : memref<64x192xbf16, #tpu.memory_space<hbm>>)
      } else {
      }
      %scan3A_261 = arith.constant 0 : i32
      %scan3A_262 = arith.constant 64 : i32
      %scan3A_263 = arith.addi %scan3A_261, %scan3A_262 : i32
      %scan3A_264 = arith.constant 1 : i32
      scf.for %scan3A_333 = %scan3A_261 to %scan3A_263 step %scan3A_264  : i32 {
        %mul3A_334 = arith.constant 1 : i32
        %mul3A_335 = arith.muli %scan3A_333, %mul3A_334 : i32
        %add3A_336 = arith.constant 0 : i32
        %add3A_337 = arith.addi %add3A_336, %mul3A_335 : i32
        %broadcast_in_dim3A = arith.constant 1 : i32
        %broadcast_in_dim3A_338 = vector.broadcast %broadcast_in_dim3A : i32 to vector<16xi32>
        %broadcast_in_dim3A_339 = arith.constant 0 : i32
        %broadcast_in_dim3A_340 = vector.broadcast %broadcast_in_dim3A_339 : i32 to vector<16xi32>
        %broadcast_in_dim3A_341 = vector.broadcast %add3A_337 : i32 to vector<16xi32>
        %add3A_342 = arith.addi %broadcast_in_dim3A_340, %broadcast_in_dim3A_341 : vector<16xi32>
        %gather3A = tpu.vector_load_idx %arg7[%broadcast_in_dim3A_338, %add3A_342] : memref<3x256xf32, #tpu.memory_space<vmem>>[vector<16xi32>, vector<16xi32>], vector<16xf32>,
        %pack3A = tpu.pack_subelements %gather3A, %gather3A {pack_format = #tpu.pack_format<interleaved>, positions = array<i32: 0, 1>} : vector<16xf32>, vector<16xf32> -> vector<32xbf16>
        %broadcast_in_dim3A_343 = arith.constant 1 : i32
        %broadcast_in_dim3A_344 = vector.broadcast %broadcast_in_dim3A_343 : i32 to vector<16xi32>
        %broadcast_in_dim3A_345 = arith.constant 64 : i32
        %broadcast_in_dim3A_346 = vector.broadcast %broadcast_in_dim3A_345 : i32 to vector<16xi32>
        %broadcast_in_dim3A_347 = vector.broadcast %add3A_337 : i32 to vector<16xi32>
        %add3A_348 = arith.addi %broadcast_in_dim3A_346, %broadcast_in_dim3A_347 : vector<16xi32>
        %gather3A_349 = tpu.vector_load_idx %arg7[%broadcast_in_dim3A_344, %add3A_348] : memref<3x256xf32, #tpu.memory_space<vmem>>[vector<16xi32>, vector<16xi32>], vector<16xf32>,
        %pack3A_350 = tpu.pack_subelements %gather3A_349, %gather3A_349 {pack_format = #tpu.pack_format<interleaved>, positions = array<i32: 0, 1>} : vector<16xf32>, vector<16xf32> -> vector<32xbf16>
        %broadcast_in_dim3A_351 = arith.constant 1 : i32
        %broadcast_in_dim3A_352 = vector.broadcast %broadcast_in_dim3A_351 : i32 to vector<16xi32>
        %broadcast_in_dim3A_353 = arith.constant 128 : i32
        %broadcast_in_dim3A_354 = vector.broadcast %broadcast_in_dim3A_353 : i32 to vector<16xi32>
        %broadcast_in_dim3A_355 = vector.broadcast %add3A_337 : i32 to vector<16xi32>
        %add3A_356 = arith.addi %broadcast_in_dim3A_354, %broadcast_in_dim3A_355 : vector<16xi32>
        %gather3A_357 = tpu.vector_load_idx %arg7[%broadcast_in_dim3A_352, %add3A_356] : memref<3x256xf32, #tpu.memory_space<vmem>>[vector<16xi32>, vector<16xi32>], vector<16xf32>,
        %pack3A_358 = tpu.pack_subelements %gather3A_357, %gather3A_357 {pack_format = #tpu.pack_format<interleaved>, positions = array<i32: 0, 1>} : vector<16xf32>, vector<16xf32> -> vector<32xbf16>
        %broadcast_in_dim3A_359 = arith.constant 1 : i32
        %broadcast_in_dim3A_360 = vector.broadcast %broadcast_in_dim3A_359 : i32 to vector<16xi32>
        %broadcast_in_dim3A_361 = arith.constant 192 : i32
        %broadcast_in_dim3A_362 = vector.broadcast %broadcast_in_dim3A_361 : i32 to vector<16xi32>
        %broadcast_in_dim3A_363 = vector.broadcast %add3A_337 : i32 to vector<16xi32>
        %add3A_364 = arith.addi %broadcast_in_dim3A_362, %broadcast_in_dim3A_363 : vector<16xi32>
        %gather3A_365 = tpu.vector_load_idx %arg7[%broadcast_in_dim3A_360, %add3A_364] : memref<3x256xf32, #tpu.memory_space<vmem>>[vector<16xi32>, vector<16xi32>], vector<16xf32>,
        %pack3A_366 = tpu.pack_subelements %gather3A_365, %gather3A_365 {pack_format = #tpu.pack_format<interleaved>, positions = array<i32: 0, 1>} : vector<16xf32>, vector<16xf32> -> vector<32xbf16>
        %get3A = arith.index_cast %add3A_337 : i32 to index
        %get3A_367 = arith.constant 0 : index
        %get3A_368 = tpu.vector_load %arg9[%get3A, %get3A_367] {strides = array<i32>} : memref<256x192xbf16, #tpu.memory_space<vmem>>, vector<32xbf16>,
        %mul3A_369 = arith.mulf %get3A_368, %pack3A : vector<32xbf16>
        %add3A_370 = arith.constant 64 : i32
        %add3A_371 = arith.addi %add3A_370, %add3A_337 : i32
        %get3A_372 = arith.index_cast %add3A_371 : i32 to index
        %get3A_373 = arith.constant 0 : index
        %get3A_374 = tpu.vector_load %arg9[%get3A_372, %get3A_373] {strides = array<i32>} : memref<256x192xbf16, #tpu.memory_space<vmem>>, vector<32xbf16>,
        %mul3A_375 = arith.mulf %get3A_374, %pack3A_350 : vector<32xbf16>
        %add3A_376 = arith.addf %mul3A_369, %mul3A_375 : vector<32xbf16>
        %add3A_377 = arith.constant 128 : i32
        %add3A_378 = arith.addi %add3A_377, %add3A_337 : i32
        %get3A_379 = arith.index_cast %add3A_378 : i32 to index
        %get3A_380 = arith.constant 0 : index
        %get3A_381 = tpu.vector_load %arg9[%get3A_379, %get3A_380] {strides = array<i32>} : memref<256x192xbf16, #tpu.memory_space<vmem>>, vector<32xbf16>,
        %mul3A_382 = arith.mulf %get3A_381, %pack3A_358 : vector<32xbf16>
        %add3A_383 = arith.addf %add3A_376, %mul3A_382 : vector<32xbf16>
        %add3A_384 = arith.constant 192 : i32
        %add3A_385 = arith.addi %add3A_384, %add3A_337 : i32
        %get3A_386 = arith.index_cast %add3A_385 : i32 to index
        %get3A_387 = arith.constant 0 : index
        %get3A_388 = tpu.vector_load %arg9[%get3A_386, %get3A_387] {strides = array<i32>} : memref<256x192xbf16, #tpu.memory_space<vmem>>, vector<32xbf16>,
        %mul3A_389 = arith.mulf %get3A_388, %pack3A_366 : vector<32xbf16>
        %add3A_390 = arith.addf %add3A_383, %mul3A_389 : vector<32xbf16>
        %swap3A = arith.index_cast %add3A_337 : i32 to index
        %swap3A_391 = arith.constant 0 : index
        %swap3A_392 = tpu.vector_load %arg12[%swap3A, %swap3A_391] {strides = array<i32>} : memref<64x192xbf16, #tpu.memory_space<vmem>>, vector<32xbf16>,
        tpu.vector_store %arg12[%swap3A, %swap3A_391], %add3A_390 {strides = array<i32>} : memref<64x192xbf16, #tpu.memory_space<vmem>>, vector<32xbf16>,
        %get3A_393 = arith.index_cast %add3A_337 : i32 to index
        %get3A_394 = arith.constant 32 : index
        %get3A_395 = tpu.vector_load %arg9[%get3A_393, %get3A_394] {strides = array<i32>} : memref<256x192xbf16, #tpu.memory_space<vmem>>, vector<32xbf16>,
        %mul3A_396 = arith.mulf %get3A_395, %pack3A : vector<32xbf16>
        %add3A_397 = arith.constant 64 : i32
        %add3A_398 = arith.addi %add3A_397, %add3A_337 : i32
        %get3A_399 = arith.index_cast %add3A_398 : i32 to index
        %get3A_400 = arith.constant 32 : index
        %get3A_401 = tpu.vector_load %arg9[%get3A_399, %get3A_400] {strides = array<i32>} : memref<256x192xbf16, #tpu.memory_space<vmem>>, vector<32xbf16>,
        %mul3A_402 = arith.mulf %get3A_401, %pack3A_350 : vector<32xbf16>
        %add3A_403 = arith.addf %mul3A_396, %mul3A_402 : vector<32xbf16>
        %add3A_404 = arith.constant 128 : i32
        %add3A_405 = arith.addi %add3A_404, %add3A_337 : i32
        %get3A_406 = arith.index_cast %add3A_405 : i32 to index
        %get3A_407 = arith.constant 32 : index
        %get3A_408 = tpu.vector_load %arg9[%get3A_406, %get3A_407] {strides = array<i32>} : memref<256x192xbf16, #tpu.memory_space<vmem>>, vector<32xbf16>,
        %mul3A_409 = arith.mulf %get3A_408, %pack3A_358 : vector<32xbf16>
        %add3A_410 = arith.addf %add3A_403, %mul3A_409 : vector<32xbf16>
        %add3A_411 = arith.constant 192 : i32
        %add3A_412 = arith.addi %add3A_411, %add3A_337 : i32
        %get3A_413 = arith.index_cast %add3A_412 : i32 to index
        %get3A_414 = arith.constant 32 : index
        %get3A_415 = tpu.vector_load %arg9[%get3A_413, %get3A_414] {strides = array<i32>} : memref<256x192xbf16, #tpu.memory_space<vmem>>, vector<32xbf16>,
        %mul3A_416 = arith.mulf %get3A_415, %pack3A_366 : vector<32xbf16>
        %add3A_417 = arith.addf %add3A_410, %mul3A_416 : vector<32xbf16>
        %swap3A_418 = arith.index_cast %add3A_337 : i32 to index
        %swap3A_419 = arith.constant 32 : index
        %swap3A_420 = tpu.vector_load %arg12[%swap3A_418, %swap3A_419] {strides = array<i32>} : memref<64x192xbf16, #tpu.memory_space<vmem>>, vector<32xbf16>,
        tpu.vector_store %arg12[%swap3A_418, %swap3A_419], %add3A_417 {strides = array<i32>} : memref<64x192xbf16, #tpu.memory_space<vmem>>, vector<32xbf16>,
        %get3A_421 = arith.index_cast %add3A_337 : i32 to index
        %get3A_422 = arith.constant 64 : index
        %get3A_423 = tpu.vector_load %arg9[%get3A_421, %get3A_422] {strides = array<i32>} : memref<256x192xbf16, #tpu.memory_space<vmem>>, vector<32xbf16>,
        %mul3A_424 = arith.mulf %get3A_423, %pack3A : vector<32xbf16>
        %add3A_425 = arith.constant 64 : i32
        %add3A_426 = arith.addi %add3A_425, %add3A_337 : i32
        %get3A_427 = arith.index_cast %add3A_426 : i32 to index
        %get3A_428 = arith.constant 64 : index
        %get3A_429 = tpu.vector_load %arg9[%get3A_427, %get3A_428] {strides = array<i32>} : memref<256x192xbf16, #tpu.memory_space<vmem>>, vector<32xbf16>,
        %mul3A_430 = arith.mulf %get3A_429, %pack3A_350 : vector<32xbf16>
        %add3A_431 = arith.addf %mul3A_424, %mul3A_430 : vector<32xbf16>
        %add3A_432 = arith.constant 128 : i32
        %add3A_433 = arith.addi %add3A_432, %add3A_337 : i32
        %get3A_434 = arith.index_cast %add3A_433 : i32 to index
        %get3A_435 = arith.constant 64 : index
        %get3A_436 = tpu.vector_load %arg9[%get3A_434, %get3A_435] {strides = array<i32>} : memref<256x192xbf16, #tpu.memory_space<vmem>>, vector<32xbf16>,
        %mul3A_437 = arith.mulf %get3A_436, %pack3A_358 : vector<32xbf16>
        %add3A_438 = arith.addf %add3A_431, %mul3A_437 : vector<32xbf16>
        %add3A_439 = arith.constant 192 : i32
        %add3A_440 = arith.addi %add3A_439, %add3A_337 : i32
        %get3A_441 = arith.index_cast %add3A_440 : i32 to index
        %get3A_442 = arith.constant 64 : index
        %get3A_443 = tpu.vector_load %arg9[%get3A_441, %get3A_442] {strides = array<i32>} : memref<256x192xbf16, #tpu.memory_space<vmem>>, vector<32xbf16>,
        %mul3A_444 = arith.mulf %get3A_443, %pack3A_366 : vector<32xbf16>
        %add3A_445 = arith.addf %add3A_438, %mul3A_444 : vector<32xbf16>
        %swap3A_446 = arith.index_cast %add3A_337 : i32 to index
        %swap3A_447 = arith.constant 64 : index
        %swap3A_448 = tpu.vector_load %arg12[%swap3A_446, %swap3A_447] {strides = array<i32>} : memref<64x192xbf16, #tpu.memory_space<vmem>>, vector<32xbf16>,
        tpu.vector_store %arg12[%swap3A_446, %swap3A_447], %add3A_445 {strides = array<i32>} : memref<64x192xbf16, #tpu.memory_space<vmem>>, vector<32xbf16>,
        %get3A_449 = arith.index_cast %add3A_337 : i32 to index
        %get3A_450 = arith.constant 96 : index
        %get3A_451 = tpu.vector_load %arg9[%get3A_449, %get3A_450] {strides = array<i32>} : memref<256x192xbf16, #tpu.memory_space<vmem>>, vector<32xbf16>,
        %mul3A_452 = arith.mulf %get3A_451, %pack3A : vector<32xbf16>
        %add3A_453 = arith.constant 64 : i32
        %add3A_454 = arith.addi %add3A_453, %add3A_337 : i32
        %get3A_455 = arith.index_cast %add3A_454 : i32 to index
        %get3A_456 = arith.constant 96 : index
        %get3A_457 = tpu.vector_load %arg9[%get3A_455, %get3A_456] {strides = array<i32>} : memref<256x192xbf16, #tpu.memory_space<vmem>>, vector<32xbf16>,
        %mul3A_458 = arith.mulf %get3A_457, %pack3A_350 : vector<32xbf16>
        %add3A_459 = arith.addf %mul3A_452, %mul3A_458 : vector<32xbf16>
        %add3A_460 = arith.constant 128 : i32
        %add3A_461 = arith.addi %add3A_460, %add3A_337 : i32
        %get3A_462 = arith.index_cast %add3A_461 : i32 to index
        %get3A_463 = arith.constant 96 : index
        %get3A_464 = tpu.vector_load %arg9[%get3A_462, %get3A_463] {strides = array<i32>} : memref<256x192xbf16, #tpu.memory_space<vmem>>, vector<32xbf16>,
        %mul3A_465 = arith.mulf %get3A_464, %pack3A_358 : vector<32xbf16>
        %add3A_466 = arith.addf %add3A_459, %mul3A_465 : vector<32xbf16>
        %add3A_467 = arith.constant 192 : i32
        %add3A_468 = arith.addi %add3A_467, %add3A_337 : i32
        %get3A_469 = arith.index_cast %add3A_468 : i32 to index
        %get3A_470 = arith.constant 96 : index
        %get3A_471 = tpu.vector_load %arg9[%get3A_469, %get3A_470] {strides = array<i32>} : memref<256x192xbf16, #tpu.memory_space<vmem>>, vector<32xbf16>,
        %mul3A_472 = arith.mulf %get3A_471, %pack3A_366 : vector<32xbf16>
        %add3A_473 = arith.addf %add3A_466, %mul3A_472 : vector<32xbf16>
        %swap3A_474 = arith.index_cast %add3A_337 : i32 to index
        %swap3A_475 = arith.constant 96 : index
        %swap3A_476 = tpu.vector_load %arg12[%swap3A_474, %swap3A_475] {strides = array<i32>} : memref<64x192xbf16, #tpu.memory_space<vmem>>, vector<32xbf16>,
        tpu.vector_store %arg12[%swap3A_474, %swap3A_475], %add3A_473 {strides = array<i32>} : memref<64x192xbf16, #tpu.memory_space<vmem>>, vector<32xbf16>,
        %get3A_477 = arith.index_cast %add3A_337 : i32 to index
        %get3A_478 = arith.constant 128 : index
        %get3A_479 = tpu.vector_load %arg9[%get3A_477, %get3A_478] {strides = array<i32>} : memref<256x192xbf16, #tpu.memory_space<vmem>>, vector<32xbf16>,
        %mul3A_480 = arith.mulf %get3A_479, %pack3A : vector<32xbf16>
        %add3A_481 = arith.constant 64 : i32
        %add3A_482 = arith.addi %add3A_481, %add3A_337 : i32
        %get3A_483 = arith.index_cast %add3A_482 : i32 to index
        %get3A_484 = arith.constant 128 : index
        %get3A_485 = tpu.vector_load %arg9[%get3A_483, %get3A_484] {strides = array<i32>} : memref<256x192xbf16, #tpu.memory_space<vmem>>, vector<32xbf16>,
        %mul3A_486 = arith.mulf %get3A_485, %pack3A_350 : vector<32xbf16>
        %add3A_487 = arith.addf %mul3A_480, %mul3A_486 : vector<32xbf16>
        %add3A_488 = arith.constant 128 : i32
        %add3A_489 = arith.addi %add3A_488, %add3A_337 : i32
        %get3A_490 = arith.index_cast %add3A_489 : i32 to index
        %get3A_491 = arith.constant 128 : index
        %get3A_492 = tpu.vector_load %arg9[%get3A_490, %get3A_491] {strides = array<i32>} : memref<256x192xbf16, #tpu.memory_space<vmem>>, vector<32xbf16>,
        %mul3A_493 = arith.mulf %get3A_492, %pack3A_358 : vector<32xbf16>
        %add3A_494 = arith.addf %add3A_487, %mul3A_493 : vector<32xbf16>
        %add3A_495 = arith.constant 192 : i32
        %add3A_496 = arith.addi %add3A_495, %add3A_337 : i32
        %get3A_497 = arith.index_cast %add3A_496 : i32 to index
        %get3A_498 = arith.constant 128 : index
        %get3A_499 = tpu.vector_load %arg9[%get3A_497, %get3A_498] {strides = array<i32>} : memref<256x192xbf16, #tpu.memory_space<vmem>>, vector<32xbf16>,
        %mul3A_500 = arith.mulf %get3A_499, %pack3A_366 : vector<32xbf16>
        %add3A_501 = arith.addf %add3A_494, %mul3A_500 : vector<32xbf16>
        %swap3A_502 = arith.index_cast %add3A_337 : i32 to index
        %swap3A_503 = arith.constant 128 : index
        %swap3A_504 = tpu.vector_load %arg12[%swap3A_502, %swap3A_503] {strides = array<i32>} : memref<64x192xbf16, #tpu.memory_space<vmem>>, vector<32xbf16>,
        tpu.vector_store %arg12[%swap3A_502, %swap3A_503], %add3A_501 {strides = array<i32>} : memref<64x192xbf16, #tpu.memory_space<vmem>>, vector<32xbf16>,
        %get3A_505 = arith.index_cast %add3A_337 : i32 to index
        %get3A_506 = arith.constant 160 : index
        %get3A_507 = tpu.vector_load %arg9[%get3A_505, %get3A_506] {strides = array<i32>} : memref<256x192xbf16, #tpu.memory_space<vmem>>, vector<32xbf16>,
        %mul3A_508 = arith.mulf %get3A_507, %pack3A : vector<32xbf16>
        %add3A_509 = arith.constant 64 : i32
        %add3A_510 = arith.addi %add3A_509, %add3A_337 : i32
        %get3A_511 = arith.index_cast %add3A_510 : i32 to index
        %get3A_512 = arith.constant 160 : index
        %get3A_513 = tpu.vector_load %arg9[%get3A_511, %get3A_512] {strides = array<i32>} : memref<256x192xbf16, #tpu.memory_space<vmem>>, vector<32xbf16>,
        %mul3A_514 = arith.mulf %get3A_513, %pack3A_350 : vector<32xbf16>
        %add3A_515 = arith.addf %mul3A_508, %mul3A_514 : vector<32xbf16>
        %add3A_516 = arith.constant 128 : i32
        %add3A_517 = arith.addi %add3A_516, %add3A_337 : i32
        %get3A_518 = arith.index_cast %add3A_517 : i32 to index
        %get3A_519 = arith.constant 160 : index
        %get3A_520 = tpu.vector_load %arg9[%get3A_518, %get3A_519] {strides = array<i32>} : memref<256x192xbf16, #tpu.memory_space<vmem>>, vector<32xbf16>,
        %mul3A_521 = arith.mulf %get3A_520, %pack3A_358 : vector<32xbf16>
        %add3A_522 = arith.addf %add3A_515, %mul3A_521 : vector<32xbf16>
        %add3A_523 = arith.constant 192 : i32
        %add3A_524 = arith.addi %add3A_523, %add3A_337 : i32
        %get3A_525 = arith.index_cast %add3A_524 : i32 to index
        %get3A_526 = arith.constant 160 : index
        %get3A_527 = tpu.vector_load %arg9[%get3A_525, %get3A_526] {strides = array<i32>} : memref<256x192xbf16, #tpu.memory_space<vmem>>, vector<32xbf16>,
        %mul3A_528 = arith.mulf %get3A_527, %pack3A_366 : vector<32xbf16>
        %add3A_529 = arith.addf %add3A_522, %mul3A_528 : vector<32xbf16>
        %swap3A_530 = arith.index_cast %add3A_337 : i32 to index
        %swap3A_531 = arith.constant 160 : index
        %swap3A_532 = tpu.vector_load %arg12[%swap3A_530, %swap3A_531] {strides = array<i32>} : memref<64x192xbf16, #tpu.memory_space<vmem>>, vector<32xbf16>,
        tpu.vector_store %arg12[%swap3A_530, %swap3A_531], %add3A_529 {strides = array<i32>} : memref<64x192xbf16, #tpu.memory_space<vmem>>, vector<32xbf16>,
      }
      %scan3A_265 = arith.constant 64 : i32
      %add3A_266 = arith.addi %mul3A_2, %add3A_228 : i32
      %mul3A_267 = arith.constant 64 : i32
      %mul3A_268 = arith.muli %add3A_266, %mul3A_267 : i32
      %dma_start3A_269 = arith.constant 0 : i32
      %dma_start3A_270 = tpu.memref_slice %arg5[%mul3A_268, %dma_start3A_269] : memref<294912x192xbf16, #tpu.memory_space<hbm>> -> memref<64x192xbf16, #tpu.memory_space<hbm>>
      %dma_start3A_271 = arith.constant 0 : i32
      %dma_start3A_272 = tpu.memref_slice %arg5[%mul3A_268, %dma_start3A_271] : memref<294912x192xbf16, #tpu.memory_space<hbm>> -> memref<64x192xbf16, #tpu.memory_space<hbm>>
      tpu.enqueue_dma source(%arg12 : memref<64x192xbf16, #tpu.memory_space<vmem>>) target(%dma_start3A_272 : memref<64x192xbf16, #tpu.memory_space<hbm>>) target_semaphore(%arg21 : memref<!tpu.dma_semaphore, #tpu.memory_space<semaphore_mem>>)
      %add3A_273 = arith.constant 3 : i32
      %add3A_274 = arith.addi %add3A_228, %add3A_273 : i32
      %lt3A_275 = arith.constant 144 : i32
      %lt3A_276 = arith.cmpi slt, %add3A_274, %lt3A_275 : i32
      %convert_element_type3A_277 = arith.extui %lt3A_276 : i1 to i32
      %cond3A_278 = arith.constant 0 : i32
      %cond3A_279 = arith.cmpi ne, %convert_element_type3A_277, %cond3A_278 : i32
      scf.if %cond3A_279 {
        %add3A_333 = arith.constant 3 : i32
        %add3A_334 = arith.addi %add3A_228, %add3A_333 : i32
        %add3A_335 = arith.addi %mul3A_2, %add3A_334 : i32
        %mul3A_336 = arith.constant 256 : i32
        %mul3A_337 = arith.muli %add3A_335, %mul3A_336 : i32
        %dma_start3A_338 = arith.constant 1 : i32
        %dma_start3A_339 = arith.constant 0 : i32
        %dma_start3A_340 = tpu.memref_slice %arg6[%dma_start3A_338, %dma_start3A_339] : memref<3x256xi32, #tpu.memory_space<vmem>> -> memref<1x256xi32, #tpu.memory_space<vmem>>
        %dma_start3A_341 = tpu.memref_squeeze %dma_start3A_340 : memref<1x256xi32, #tpu.memory_space<vmem>> -> memref<256xi32, #tpu.memory_space<vmem>>
        %dma_start3A_342 = tpu.memref_slice %arg3[%mul3A_337] : memref<1179648xi32, #tpu.memory_space<hbm>> -> memref<256xi32, #tpu.memory_space<hbm>>
        %dma_start3A_343 = arith.constant 0 : i32
        %dma_start3A_344 = tpu.memref_slice %arg6[%dma_start3A_338, %dma_start3A_343] : memref<3x256xi32, #tpu.memory_space<vmem>> -> memref<1x256xi32, #tpu.memory_space<vmem>>
        %dma_start3A_345 = tpu.memref_squeeze %dma_start3A_344 : memref<1x256xi32, #tpu.memory_space<vmem>> -> memref<256xi32, #tpu.memory_space<vmem>>
        %dma_start3A_346 = tpu.memref_slice %arg3[%mul3A_337] : memref<1179648xi32, #tpu.memory_space<hbm>> -> memref<256xi32, #tpu.memory_space<hbm>>
        tpu.enqueue_dma source(%dma_start3A_346 : memref<256xi32, #tpu.memory_space<hbm>>) target(%dma_start3A_345 : memref<256xi32, #tpu.memory_space<vmem>>) target_semaphore(%arg15 : memref<!tpu.dma_semaphore, #tpu.memory_space<semaphore_mem>>)
        %dma_start3A_347 = arith.constant 1 : i32
        %dma_start3A_348 = arith.constant 0 : i32
        %dma_start3A_349 = tpu.memref_slice %arg7[%dma_start3A_347, %dma_start3A_348] : memref<3x256xf32, #tpu.memory_space<vmem>> -> memref<1x256xf32, #tpu.memory_space<vmem>>
        %dma_start3A_350 = tpu.memref_squeeze %dma_start3A_349 : memref<1x256xf32, #tpu.memory_space<vmem>> -> memref<256xf32, #tpu.memory_space<vmem>>
        %dma_start3A_351 = tpu.memref_slice %arg4[%mul3A_337] : memref<1179648xf32, #tpu.memory_space<hbm>> -> memref<256xf32, #tpu.memory_space<hbm>>
        %dma_start3A_352 = arith.constant 0 : i32
        %dma_start3A_353 = tpu.memref_slice %arg7[%dma_start3A_347, %dma_start3A_352] : memref<3x256xf32, #tpu.memory_space<vmem>> -> memref<1x256xf32, #tpu.memory_space<vmem>>
        %dma_start3A_354 = tpu.memref_squeeze %dma_start3A_353 : memref<1x256xf32, #tpu.memory_space<vmem>> -> memref<256xf32, #tpu.memory_space<vmem>>
        %dma_start3A_355 = tpu.memref_slice %arg4[%mul3A_337] : memref<1179648xf32, #tpu.memory_space<hbm>> -> memref<256xf32, #tpu.memory_space<hbm>>
        tpu.enqueue_dma source(%dma_start3A_355 : memref<256xf32, #tpu.memory_space<hbm>>) target(%dma_start3A_354 : memref<256xf32, #tpu.memory_space<vmem>>) target_semaphore(%arg15 : memref<!tpu.dma_semaphore, #tpu.memory_space<semaphore_mem>>)
      } else {
      }
      %add3A_280 = arith.constant 2 : i32
      %add3A_281 = arith.addi %add3A_177, %add3A_280 : i32
      %dma_wait3A_282 = arith.constant 2 : i32
      %dma_wait3A_283 = arith.constant 0 : i32
      %dma_wait3A_284 = arith.constant 0 : i32
      %dma_wait3A_285 = tpu.memref_slice %arg10[%dma_wait3A_283, %dma_wait3A_284] : memref<256x192xbf16, #tpu.memory_space<vmem>> -> memref<128x192xbf16, #tpu.memory_space<vmem>>
      %dma_wait3A_286 = arith.constant 0 : i32
      %dma_wait3A_287 = tpu.memref_slice %arg6[%dma_wait3A_282, %dma_wait3A_286] : memref<3x256xi32, #tpu.memory_space<vmem>> -> memref<1x128xi32, #tpu.memory_space<vmem>>
      %dma_wait3A_288 = tpu.memref_squeeze %dma_wait3A_287 : memref<1x128xi32, #tpu.memory_space<vmem>> -> memref<128xi32, #tpu.memory_space<vmem>>
      %dma_wait3A_289 = arith.constant 0 : i32
      %dma_wait3A_290 = arith.constant 0 : i32
      %dma_wait3A_291 = tpu.memref_slice %arg2[%dma_wait3A_289, %dma_wait3A_290] : memref<294912x192xbf16, #tpu.memory_space<hbm>> -> memref<294912x192xbf16, #tpu.memory_space<hbm>>
      tpu.wait_indirect_dma semaphore(%arg19 : memref<!tpu.dma_semaphore, #tpu.memory_space<semaphore_mem>>) src(%dma_wait3A_291 : memref<294912x192xbf16, #tpu.memory_space<hbm>>) dst(%dma_wait3A_285 : memref<128x192xbf16, #tpu.memory_space<vmem>>)
      %dma_wait3A_292 = arith.constant 2 : i32
      %dma_wait3A_293 = arith.constant 128 : i32
      %dma_wait3A_294 = arith.constant 0 : i32
      %dma_wait3A_295 = tpu.memref_slice %arg10[%dma_wait3A_293, %dma_wait3A_294] : memref<256x192xbf16, #tpu.memory_space<vmem>> -> memref<128x192xbf16, #tpu.memory_space<vmem>>
      %dma_wait3A_296 = arith.constant 128 : i32
      %dma_wait3A_297 = tpu.memref_slice %arg6[%dma_wait3A_292, %dma_wait3A_296] : memref<3x256xi32, #tpu.memory_space<vmem>> -> memref<1x128xi32, #tpu.memory_space<vmem>>
      %dma_wait3A_298 = tpu.memref_squeeze %dma_wait3A_297 : memref<1x128xi32, #tpu.memory_space<vmem>> -> memref<128xi32, #tpu.memory_space<vmem>>
      %dma_wait3A_299 = arith.constant 0 : i32
      %dma_wait3A_300 = arith.constant 0 : i32
      %dma_wait3A_301 = tpu.memref_slice %arg2[%dma_wait3A_299, %dma_wait3A_300] : memref<294912x192xbf16, #tpu.memory_space<hbm>> -> memref<294912x192xbf16, #tpu.memory_space<hbm>>
      tpu.wait_indirect_dma semaphore(%arg19 : memref<!tpu.dma_semaphore, #tpu.memory_space<semaphore_mem>>) src(%dma_wait3A_301 : memref<294912x192xbf16, #tpu.memory_space<hbm>>) dst(%dma_wait3A_295 : memref<128x192xbf16, #tpu.memory_space<vmem>>)
      %add3A_302 = arith.constant 2 : i32
      %add3A_303 = arith.addi %add3A_281, %add3A_302 : i32
      %lt3A_304 = arith.constant 144 : i32
      %lt3A_305 = arith.cmpi slt, %add3A_303, %lt3A_304 : i32
      %convert_element_type3A_306 = arith.extui %lt3A_305 : i1 to i32
      %cond3A_307 = arith.constant 0 : i32
      %cond3A_308 = arith.cmpi ne, %convert_element_type3A_306, %cond3A_307 : i32
      scf.if %cond3A_308 {
        %dma_wait3A_333 = arith.constant 1 : i32
        %dma_wait3A_334 = arith.constant 0 : i32
        %dma_wait3A_335 = tpu.memref_slice %arg6[%dma_wait3A_333, %dma_wait3A_334] : memref<3x256xi32, #tpu.memory_space<vmem>> -> memref<1x256xi32, #tpu.memory_space<vmem>>
        %dma_wait3A_336 = tpu.memref_squeeze %dma_wait3A_335 : memref<1x256xi32, #tpu.memory_space<vmem>> -> memref<256xi32, #tpu.memory_space<vmem>>
        %dma_wait3A_337 = arith.constant 0 : i32
        %dma_wait3A_338 = tpu.memref_slice %arg3[%dma_wait3A_337] : memref<1179648xi32, #tpu.memory_space<hbm>> -> memref<256xi32, #tpu.memory_space<hbm>>
        %dma_wait3A_339 = arith.constant 0 : i32
        %dma_wait3A_340 = tpu.memref_slice %arg6[%dma_wait3A_333, %dma_wait3A_339] : memref<3x256xi32, #tpu.memory_space<vmem>> -> memref<1x256xi32, #tpu.memory_space<vmem>>
        %dma_wait3A_341 = tpu.memref_squeeze %dma_wait3A_340 : memref<1x256xi32, #tpu.memory_space<vmem>> -> memref<256xi32, #tpu.memory_space<vmem>>
        %dma_wait3A_342 = arith.constant 0 : i32
        %dma_wait3A_343 = tpu.memref_slice %arg3[%dma_wait3A_342] : memref<1179648xi32, #tpu.memory_space<hbm>> -> memref<256xi32, #tpu.memory_space<hbm>>
        tpu.wait_dma2 semaphore(%arg15 : memref<!tpu.dma_semaphore, #tpu.memory_space<semaphore_mem>>) src(%dma_wait3A_343 : memref<256xi32, #tpu.memory_space<hbm>>) dst(%dma_wait3A_341 : memref<256xi32, #tpu.memory_space<vmem>>)
        %dma_wait3A_344 = arith.constant 1 : i32
        %dma_wait3A_345 = arith.constant 0 : i32
        %dma_wait3A_346 = tpu.memref_slice %arg7[%dma_wait3A_344, %dma_wait3A_345] : memref<3x256xf32, #tpu.memory_space<vmem>> -> memref<1x256xf32, #tpu.memory_space<vmem>>
        %dma_wait3A_347 = tpu.memref_squeeze %dma_wait3A_346 : memref<1x256xf32, #tpu.memory_space<vmem>> -> memref<256xf32, #tpu.memory_space<vmem>>
        %dma_wait3A_348 = arith.constant 0 : i32
        %dma_wait3A_349 = tpu.memref_slice %arg4[%dma_wait3A_348] : memref<1179648xf32, #tpu.memory_space<hbm>> -> memref<256xf32, #tpu.memory_space<hbm>>
        %dma_wait3A_350 = arith.constant 0 : i32
        %dma_wait3A_351 = tpu.memref_slice %arg7[%dma_wait3A_344, %dma_wait3A_350] : memref<3x256xf32, #tpu.memory_space<vmem>> -> memref<1x256xf32, #tpu.memory_space<vmem>>
        %dma_wait3A_352 = tpu.memref_squeeze %dma_wait3A_351 : memref<1x256xf32, #tpu.memory_space<vmem>> -> memref<256xf32, #tpu.memory_space<vmem>>
        %dma_wait3A_353 = arith.constant 0 : i32
        %dma_wait3A_354 = tpu.memref_slice %arg4[%dma_wait3A_353] : memref<1179648xf32, #tpu.memory_space<hbm>> -> memref<256xf32, #tpu.memory_space<hbm>>
        tpu.wait_dma2 semaphore(%arg15 : memref<!tpu.dma_semaphore, #tpu.memory_space<semaphore_mem>>) src(%dma_wait3A_354 : memref<256xf32, #tpu.memory_space<hbm>>) dst(%dma_wait3A_352 : memref<256xf32, #tpu.memory_space<vmem>>)
        %dma_start3A_355 = arith.constant 1 : i32
        %dma_start3A_356 = arith.constant 0 : i32
        %dma_start3A_357 = arith.constant 0 : i32
        %dma_start3A_358 = tpu.memref_slice %arg9[%dma_start3A_356, %dma_start3A_357] : memref<256x192xbf16, #tpu.memory_space<vmem>> -> memref<128x192xbf16, #tpu.memory_space<vmem>>
        %dma_start3A_359 = arith.constant 0 : i32
        %dma_start3A_360 = tpu.memref_slice %arg6[%dma_start3A_355, %dma_start3A_359] : memref<3x256xi32, #tpu.memory_space<vmem>> -> memref<1x128xi32, #tpu.memory_space<vmem>>
        %dma_start3A_361 = tpu.memref_squeeze %dma_start3A_360 : memref<1x128xi32, #tpu.memory_space<vmem>> -> memref<128xi32, #tpu.memory_space<vmem>>
        %dma_start3A_362 = arith.constant 0 : i32
        %dma_start3A_363 = arith.constant 0 : i32
        %dma_start3A_364 = tpu.memref_slice %arg2[%dma_start3A_362, %dma_start3A_363] : memref<294912x192xbf16, #tpu.memory_space<hbm>> -> memref<294912x192xbf16, #tpu.memory_space<hbm>>
        tpu.enqueue_indirect_dma source(%dma_start3A_364 : memref<294912x192xbf16, #tpu.memory_space<hbm>>) target(%dma_start3A_358 : memref<128x192xbf16, #tpu.memory_space<vmem>>) offsets(%dma_start3A_361 : memref<128xi32, #tpu.memory_space<vmem>>) semaphore(%arg18 : memref<!tpu.dma_semaphore, #tpu.memory_space<semaphore_mem>>)
        %dma_start3A_365 = arith.constant 1 : i32
        %dma_start3A_366 = arith.constant 128 : i32
        %dma_start3A_367 = arith.constant 0 : i32
        %dma_start3A_368 = tpu.memref_slice %arg9[%dma_start3A_366, %dma_start3A_367] : memref<256x192xbf16, #tpu.memory_space<vmem>> -> memref<128x192xbf16, #tpu.memory_space<vmem>>
        %dma_start3A_369 = arith.constant 128 : i32
        %dma_start3A_370 = tpu.memref_slice %arg6[%dma_start3A_365, %dma_start3A_369] : memref<3x256xi32, #tpu.memory_space<vmem>> -> memref<1x128xi32, #tpu.memory_space<vmem>>
        %dma_start3A_371 = tpu.memref_squeeze %dma_start3A_370 : memref<1x128xi32, #tpu.memory_space<vmem>> -> memref<128xi32, #tpu.memory_space<vmem>>
        %dma_start3A_372 = arith.constant 0 : i32
        %dma_start3A_373 = arith.constant 0 : i32
        %dma_start3A_374 = tpu.memref_slice %arg2[%dma_start3A_372, %dma_start3A_373] : memref<294912x192xbf16, #tpu.memory_space<hbm>> -> memref<294912x192xbf16, #tpu.memory_space<hbm>>
        tpu.enqueue_indirect_dma source(%dma_start3A_374 : memref<294912x192xbf16, #tpu.memory_space<hbm>>) target(%dma_start3A_368 : memref<128x192xbf16, #tpu.memory_space<vmem>>) offsets(%dma_start3A_371 : memref<128xi32, #tpu.memory_space<vmem>>) semaphore(%arg18 : memref<!tpu.dma_semaphore, #tpu.memory_space<semaphore_mem>>)
      } else {
      }
      %ge3A_309 = arith.constant 3 : i32
      %ge3A_310 = arith.cmpi sge, %add3A_281, %ge3A_309 : i32
      %convert_element_type3A_311 = arith.extui %ge3A_310 : i1 to i32
      %cond3A_312 = arith.constant 0 : i32
      %cond3A_313 = arith.cmpi ne, %convert_element_type3A_311, %cond3A_312 : i32
      scf.if %cond3A_313 {
        %dma_wait3A_333 = arith.constant 0 : i32
        %dma_wait3A_334 = arith.constant 0 : i32
        %dma_wait3A_335 = tpu.memref_slice %arg5[%dma_wait3A_333, %dma_wait3A_334] : memref<294912x192xbf16, #tpu.memory_space<hbm>> -> memref<64x192xbf16, #tpu.memory_space<hbm>>
        %dma_wait3A_336 = arith.constant 0 : i32
        %dma_wait3A_337 = arith.constant 0 : i32
        %dma_wait3A_338 = tpu.memref_slice %arg5[%dma_wait3A_336, %dma_wait3A_337] : memref<294912x192xbf16, #tpu.memory_space<hbm>> -> memref<64x192xbf16, #tpu.memory_space<hbm>>
        tpu.wait_dma2 semaphore(%arg22 : memref<!tpu.dma_semaphore, #tpu.memory_space<semaphore_mem>>) src(%arg13 : memref<64x192xbf16, #tpu.memory_space<vmem>>) dst(%dma_wait3A_338 : memref<64x192xbf16, #tpu.memory_space<hbm>>)
      } else {
      }
      %scan3A_314 = arith.constant 0 : i32
      %scan3A_315 = arith.constant 64 : i32
      %scan3A_316 = arith.addi %scan3A_314, %scan3A_315 : i32
      %scan3A_317 = arith.constant 1 : i32
      scf.for %scan3A_333 = %scan3A_314 to %scan3A_316 step %scan3A_317  : i32 {
        %mul3A_334 = arith.constant 1 : i32
        %mul3A_335 = arith.muli %scan3A_333, %mul3A_334 : i32
        %add3A_336 = arith.constant 0 : i32
        %add3A_337 = arith.addi %add3A_336, %mul3A_335 : i32
        %broadcast_in_dim3A = arith.constant 2 : i32
        %broadcast_in_dim3A_338 = vector.broadcast %broadcast_in_dim3A : i32 to vector<16xi32>
        %broadcast_in_dim3A_339 = arith.constant 0 : i32
        %broadcast_in_dim3A_340 = vector.broadcast %broadcast_in_dim3A_339 : i32 to vector<16xi32>
        %broadcast_in_dim3A_341 = vector.broadcast %add3A_337 : i32 to vector<16xi32>
        %add3A_342 = arith.addi %broadcast_in_dim3A_340, %broadcast_in_dim3A_341 : vector<16xi32>
        %gather3A = tpu.vector_load_idx %arg7[%broadcast_in_dim3A_338, %add3A_342] : memref<3x256xf32, #tpu.memory_space<vmem>>[vector<16xi32>, vector<16xi32>], vector<16xf32>,
        %pack3A = tpu.pack_subelements %gather3A, %gather3A {pack_format = #tpu.pack_format<interleaved>, positions = array<i32: 0, 1>} : vector<16xf32>, vector<16xf32> -> vector<32xbf16>
        %broadcast_in_dim3A_343 = arith.constant 2 : i32
        %broadcast_in_dim3A_344 = vector.broadcast %broadcast_in_dim3A_343 : i32 to vector<16xi32>
        %broadcast_in_dim3A_345 = arith.constant 64 : i32
        %broadcast_in_dim3A_346 = vector.broadcast %broadcast_in_dim3A_345 : i32 to vector<16xi32>
        %broadcast_in_dim3A_347 = vector.broadcast %add3A_337 : i32 to vector<16xi32>
        %add3A_348 = arith.addi %broadcast_in_dim3A_346, %broadcast_in_dim3A_347 : vector<16xi32>
        %gather3A_349 = tpu.vector_load_idx %arg7[%broadcast_in_dim3A_344, %add3A_348] : memref<3x256xf32, #tpu.memory_space<vmem>>[vector<16xi32>, vector<16xi32>], vector<16xf32>,
        %pack3A_350 = tpu.pack_subelements %gather3A_349, %gather3A_349 {pack_format = #tpu.pack_format<interleaved>, positions = array<i32: 0, 1>} : vector<16xf32>, vector<16xf32> -> vector<32xbf16>
        %broadcast_in_dim3A_351 = arith.constant 2 : i32
        %broadcast_in_dim3A_352 = vector.broadcast %broadcast_in_dim3A_351 : i32 to vector<16xi32>
        %broadcast_in_dim3A_353 = arith.constant 128 : i32
        %broadcast_in_dim3A_354 = vector.broadcast %broadcast_in_dim3A_353 : i32 to vector<16xi32>
        %broadcast_in_dim3A_355 = vector.broadcast %add3A_337 : i32 to vector<16xi32>
        %add3A_356 = arith.addi %broadcast_in_dim3A_354, %broadcast_in_dim3A_355 : vector<16xi32>
        %gather3A_357 = tpu.vector_load_idx %arg7[%broadcast_in_dim3A_352, %add3A_356] : memref<3x256xf32, #tpu.memory_space<vmem>>[vector<16xi32>, vector<16xi32>], vector<16xf32>,
        %pack3A_358 = tpu.pack_subelements %gather3A_357, %gather3A_357 {pack_format = #tpu.pack_format<interleaved>, positions = array<i32: 0, 1>} : vector<16xf32>, vector<16xf32> -> vector<32xbf16>
        %broadcast_in_dim3A_359 = arith.constant 2 : i32
        %broadcast_in_dim3A_360 = vector.broadcast %broadcast_in_dim3A_359 : i32 to vector<16xi32>
        %broadcast_in_dim3A_361 = arith.constant 192 : i32
        %broadcast_in_dim3A_362 = vector.broadcast %broadcast_in_dim3A_361 : i32 to vector<16xi32>
        %broadcast_in_dim3A_363 = vector.broadcast %add3A_337 : i32 to vector<16xi32>
        %add3A_364 = arith.addi %broadcast_in_dim3A_362, %broadcast_in_dim3A_363 : vector<16xi32>
        %gather3A_365 = tpu.vector_load_idx %arg7[%broadcast_in_dim3A_360, %add3A_364] : memref<3x256xf32, #tpu.memory_space<vmem>>[vector<16xi32>, vector<16xi32>], vector<16xf32>,
        %pack3A_366 = tpu.pack_subelements %gather3A_365, %gather3A_365 {pack_format = #tpu.pack_format<interleaved>, positions = array<i32: 0, 1>} : vector<16xf32>, vector<16xf32> -> vector<32xbf16>
        %get3A = arith.index_cast %add3A_337 : i32 to index
        %get3A_367 = arith.constant 0 : index
        %get3A_368 = tpu.vector_load %arg10[%get3A, %get3A_367] {strides = array<i32>} : memref<256x192xbf16, #tpu.memory_space<vmem>>, vector<32xbf16>,
        %mul3A_369 = arith.mulf %get3A_368, %pack3A : vector<32xbf16>
        %add3A_370 = arith.constant 64 : i32
        %add3A_371 = arith.addi %add3A_370, %add3A_337 : i32
        %get3A_372 = arith.index_cast %add3A_371 : i32 to index
        %get3A_373 = arith.constant 0 : index
        %get3A_374 = tpu.vector_load %arg10[%get3A_372, %get3A_373] {strides = array<i32>} : memref<256x192xbf16, #tpu.memory_space<vmem>>, vector<32xbf16>,
        %mul3A_375 = arith.mulf %get3A_374, %pack3A_350 : vector<32xbf16>
        %add3A_376 = arith.addf %mul3A_369, %mul3A_375 : vector<32xbf16>
        %add3A_377 = arith.constant 128 : i32
        %add3A_378 = arith.addi %add3A_377, %add3A_337 : i32
        %get3A_379 = arith.index_cast %add3A_378 : i32 to index
        %get3A_380 = arith.constant 0 : index
        %get3A_381 = tpu.vector_load %arg10[%get3A_379, %get3A_380] {strides = array<i32>} : memref<256x192xbf16, #tpu.memory_space<vmem>>, vector<32xbf16>,
        %mul3A_382 = arith.mulf %get3A_381, %pack3A_358 : vector<32xbf16>
        %add3A_383 = arith.addf %add3A_376, %mul3A_382 : vector<32xbf16>
        %add3A_384 = arith.constant 192 : i32
        %add3A_385 = arith.addi %add3A_384, %add3A_337 : i32
        %get3A_386 = arith.index_cast %add3A_385 : i32 to index
        %get3A_387 = arith.constant 0 : index
        %get3A_388 = tpu.vector_load %arg10[%get3A_386, %get3A_387] {strides = array<i32>} : memref<256x192xbf16, #tpu.memory_space<vmem>>, vector<32xbf16>,
        %mul3A_389 = arith.mulf %get3A_388, %pack3A_366 : vector<32xbf16>
        %add3A_390 = arith.addf %add3A_383, %mul3A_389 : vector<32xbf16>
        %swap3A = arith.index_cast %add3A_337 : i32 to index
        %swap3A_391 = arith.constant 0 : index
        %swap3A_392 = tpu.vector_load %arg13[%swap3A, %swap3A_391] {strides = array<i32>} : memref<64x192xbf16, #tpu.memory_space<vmem>>, vector<32xbf16>,
        tpu.vector_store %arg13[%swap3A, %swap3A_391], %add3A_390 {strides = array<i32>} : memref<64x192xbf16, #tpu.memory_space<vmem>>, vector<32xbf16>,
        %get3A_393 = arith.index_cast %add3A_337 : i32 to index
        %get3A_394 = arith.constant 32 : index
        %get3A_395 = tpu.vector_load %arg10[%get3A_393, %get3A_394] {strides = array<i32>} : memref<256x192xbf16, #tpu.memory_space<vmem>>, vector<32xbf16>,
        %mul3A_396 = arith.mulf %get3A_395, %pack3A : vector<32xbf16>
        %add3A_397 = arith.constant 64 : i32
        %add3A_398 = arith.addi %add3A_397, %add3A_337 : i32
        %get3A_399 = arith.index_cast %add3A_398 : i32 to index
        %get3A_400 = arith.constant 32 : index
        %get3A_401 = tpu.vector_load %arg10[%get3A_399, %get3A_400] {strides = array<i32>} : memref<256x192xbf16, #tpu.memory_space<vmem>>, vector<32xbf16>,
        %mul3A_402 = arith.mulf %get3A_401, %pack3A_350 : vector<32xbf16>
        %add3A_403 = arith.addf %mul3A_396, %mul3A_402 : vector<32xbf16>
        %add3A_404 = arith.constant 128 : i32
        %add3A_405 = arith.addi %add3A_404, %add3A_337 : i32
        %get3A_406 = arith.index_cast %add3A_405 : i32 to index
        %get3A_407 = arith.constant 32 : index
        %get3A_408 = tpu.vector_load %arg10[%get3A_406, %get3A_407] {strides = array<i32>} : memref<256x192xbf16, #tpu.memory_space<vmem>>, vector<32xbf16>,
        %mul3A_409 = arith.mulf %get3A_408, %pack3A_358 : vector<32xbf16>
        %add3A_410 = arith.addf %add3A_403, %mul3A_409 : vector<32xbf16>
        %add3A_411 = arith.constant 192 : i32
        %add3A_412 = arith.addi %add3A_411, %add3A_337 : i32
        %get3A_413 = arith.index_cast %add3A_412 : i32 to index
        %get3A_414 = arith.constant 32 : index
        %get3A_415 = tpu.vector_load %arg10[%get3A_413, %get3A_414] {strides = array<i32>} : memref<256x192xbf16, #tpu.memory_space<vmem>>, vector<32xbf16>,
        %mul3A_416 = arith.mulf %get3A_415, %pack3A_366 : vector<32xbf16>
        %add3A_417 = arith.addf %add3A_410, %mul3A_416 : vector<32xbf16>
        %swap3A_418 = arith.index_cast %add3A_337 : i32 to index
        %swap3A_419 = arith.constant 32 : index
        %swap3A_420 = tpu.vector_load %arg13[%swap3A_418, %swap3A_419] {strides = array<i32>} : memref<64x192xbf16, #tpu.memory_space<vmem>>, vector<32xbf16>,
        tpu.vector_store %arg13[%swap3A_418, %swap3A_419], %add3A_417 {strides = array<i32>} : memref<64x192xbf16, #tpu.memory_space<vmem>>, vector<32xbf16>,
        %get3A_421 = arith.index_cast %add3A_337 : i32 to index
        %get3A_422 = arith.constant 64 : index
        %get3A_423 = tpu.vector_load %arg10[%get3A_421, %get3A_422] {strides = array<i32>} : memref<256x192xbf16, #tpu.memory_space<vmem>>, vector<32xbf16>,
        %mul3A_424 = arith.mulf %get3A_423, %pack3A : vector<32xbf16>
        %add3A_425 = arith.constant 64 : i32
        %add3A_426 = arith.addi %add3A_425, %add3A_337 : i32
        %get3A_427 = arith.index_cast %add3A_426 : i32 to index
        %get3A_428 = arith.constant 64 : index
        %get3A_429 = tpu.vector_load %arg10[%get3A_427, %get3A_428] {strides = array<i32>} : memref<256x192xbf16, #tpu.memory_space<vmem>>, vector<32xbf16>,
        %mul3A_430 = arith.mulf %get3A_429, %pack3A_350 : vector<32xbf16>
        %add3A_431 = arith.addf %mul3A_424, %mul3A_430 : vector<32xbf16>
        %add3A_432 = arith.constant 128 : i32
        %add3A_433 = arith.addi %add3A_432, %add3A_337 : i32
        %get3A_434 = arith.index_cast %add3A_433 : i32 to index
        %get3A_435 = arith.constant 64 : index
        %get3A_436 = tpu.vector_load %arg10[%get3A_434, %get3A_435] {strides = array<i32>} : memref<256x192xbf16, #tpu.memory_space<vmem>>, vector<32xbf16>,
        %mul3A_437 = arith.mulf %get3A_436, %pack3A_358 : vector<32xbf16>
        %add3A_438 = arith.addf %add3A_431, %mul3A_437 : vector<32xbf16>
        %add3A_439 = arith.constant 192 : i32
        %add3A_440 = arith.addi %add3A_439, %add3A_337 : i32
        %get3A_441 = arith.index_cast %add3A_440 : i32 to index
        %get3A_442 = arith.constant 64 : index
        %get3A_443 = tpu.vector_load %arg10[%get3A_441, %get3A_442] {strides = array<i32>} : memref<256x192xbf16, #tpu.memory_space<vmem>>, vector<32xbf16>,
        %mul3A_444 = arith.mulf %get3A_443, %pack3A_366 : vector<32xbf16>
        %add3A_445 = arith.addf %add3A_438, %mul3A_444 : vector<32xbf16>
        %swap3A_446 = arith.index_cast %add3A_337 : i32 to index
        %swap3A_447 = arith.constant 64 : index
        %swap3A_448 = tpu.vector_load %arg13[%swap3A_446, %swap3A_447] {strides = array<i32>} : memref<64x192xbf16, #tpu.memory_space<vmem>>, vector<32xbf16>,
        tpu.vector_store %arg13[%swap3A_446, %swap3A_447], %add3A_445 {strides = array<i32>} : memref<64x192xbf16, #tpu.memory_space<vmem>>, vector<32xbf16>,
        %get3A_449 = arith.index_cast %add3A_337 : i32 to index
        %get3A_450 = arith.constant 96 : index
        %get3A_451 = tpu.vector_load %arg10[%get3A_449, %get3A_450] {strides = array<i32>} : memref<256x192xbf16, #tpu.memory_space<vmem>>, vector<32xbf16>,
        %mul3A_452 = arith.mulf %get3A_451, %pack3A : vector<32xbf16>
        %add3A_453 = arith.constant 64 : i32
        %add3A_454 = arith.addi %add3A_453, %add3A_337 : i32
        %get3A_455 = arith.index_cast %add3A_454 : i32 to index
        %get3A_456 = arith.constant 96 : index
        %get3A_457 = tpu.vector_load %arg10[%get3A_455, %get3A_456] {strides = array<i32>} : memref<256x192xbf16, #tpu.memory_space<vmem>>, vector<32xbf16>,
        %mul3A_458 = arith.mulf %get3A_457, %pack3A_350 : vector<32xbf16>
        %add3A_459 = arith.addf %mul3A_452, %mul3A_458 : vector<32xbf16>
        %add3A_460 = arith.constant 128 : i32
        %add3A_461 = arith.addi %add3A_460, %add3A_337 : i32
        %get3A_462 = arith.index_cast %add3A_461 : i32 to index
        %get3A_463 = arith.constant 96 : index
        %get3A_464 = tpu.vector_load %arg10[%get3A_462, %get3A_463] {strides = array<i32>} : memref<256x192xbf16, #tpu.memory_space<vmem>>, vector<32xbf16>,
        %mul3A_465 = arith.mulf %get3A_464, %pack3A_358 : vector<32xbf16>
        %add3A_466 = arith.addf %add3A_459, %mul3A_465 : vector<32xbf16>
        %add3A_467 = arith.constant 192 : i32
        %add3A_468 = arith.addi %add3A_467, %add3A_337 : i32
        %get3A_469 = arith.index_cast %add3A_468 : i32 to index
        %get3A_470 = arith.constant 96 : index
        %get3A_471 = tpu.vector_load %arg10[%get3A_469, %get3A_470] {strides = array<i32>} : memref<256x192xbf16, #tpu.memory_space<vmem>>, vector<32xbf16>,
        %mul3A_472 = arith.mulf %get3A_471, %pack3A_366 : vector<32xbf16>
        %add3A_473 = arith.addf %add3A_466, %mul3A_472 : vector<32xbf16>
        %swap3A_474 = arith.index_cast %add3A_337 : i32 to index
        %swap3A_475 = arith.constant 96 : index
        %swap3A_476 = tpu.vector_load %arg13[%swap3A_474, %swap3A_475] {strides = array<i32>} : memref<64x192xbf16, #tpu.memory_space<vmem>>, vector<32xbf16>,
        tpu.vector_store %arg13[%swap3A_474, %swap3A_475], %add3A_473 {strides = array<i32>} : memref<64x192xbf16, #tpu.memory_space<vmem>>, vector<32xbf16>,
        %get3A_477 = arith.index_cast %add3A_337 : i32 to index
        %get3A_478 = arith.constant 128 : index
        %get3A_479 = tpu.vector_load %arg10[%get3A_477, %get3A_478] {strides = array<i32>} : memref<256x192xbf16, #tpu.memory_space<vmem>>, vector<32xbf16>,
        %mul3A_480 = arith.mulf %get3A_479, %pack3A : vector<32xbf16>
        %add3A_481 = arith.constant 64 : i32
        %add3A_482 = arith.addi %add3A_481, %add3A_337 : i32
        %get3A_483 = arith.index_cast %add3A_482 : i32 to index
        %get3A_484 = arith.constant 128 : index
        %get3A_485 = tpu.vector_load %arg10[%get3A_483, %get3A_484] {strides = array<i32>} : memref<256x192xbf16, #tpu.memory_space<vmem>>, vector<32xbf16>,
        %mul3A_486 = arith.mulf %get3A_485, %pack3A_350 : vector<32xbf16>
        %add3A_487 = arith.addf %mul3A_480, %mul3A_486 : vector<32xbf16>
        %add3A_488 = arith.constant 128 : i32
        %add3A_489 = arith.addi %add3A_488, %add3A_337 : i32
        %get3A_490 = arith.index_cast %add3A_489 : i32 to index
        %get3A_491 = arith.constant 128 : index
        %get3A_492 = tpu.vector_load %arg10[%get3A_490, %get3A_491] {strides = array<i32>} : memref<256x192xbf16, #tpu.memory_space<vmem>>, vector<32xbf16>,
        %mul3A_493 = arith.mulf %get3A_492, %pack3A_358 : vector<32xbf16>
        %add3A_494 = arith.addf %add3A_487, %mul3A_493 : vector<32xbf16>
        %add3A_495 = arith.constant 192 : i32
        %add3A_496 = arith.addi %add3A_495, %add3A_337 : i32
        %get3A_497 = arith.index_cast %add3A_496 : i32 to index
        %get3A_498 = arith.constant 128 : index
        %get3A_499 = tpu.vector_load %arg10[%get3A_497, %get3A_498] {strides = array<i32>} : memref<256x192xbf16, #tpu.memory_space<vmem>>, vector<32xbf16>,
        %mul3A_500 = arith.mulf %get3A_499, %pack3A_366 : vector<32xbf16>
        %add3A_501 = arith.addf %add3A_494, %mul3A_500 : vector<32xbf16>
        %swap3A_502 = arith.index_cast %add3A_337 : i32 to index
        %swap3A_503 = arith.constant 128 : index
        %swap3A_504 = tpu.vector_load %arg13[%swap3A_502, %swap3A_503] {strides = array<i32>} : memref<64x192xbf16, #tpu.memory_space<vmem>>, vector<32xbf16>,
        tpu.vector_store %arg13[%swap3A_502, %swap3A_503], %add3A_501 {strides = array<i32>} : memref<64x192xbf16, #tpu.memory_space<vmem>>, vector<32xbf16>,
        %get3A_505 = arith.index_cast %add3A_337 : i32 to index
        %get3A_506 = arith.constant 160 : index
        %get3A_507 = tpu.vector_load %arg10[%get3A_505, %get3A_506] {strides = array<i32>} : memref<256x192xbf16, #tpu.memory_space<vmem>>, vector<32xbf16>,
        %mul3A_508 = arith.mulf %get3A_507, %pack3A : vector<32xbf16>
        %add3A_509 = arith.constant 64 : i32
        %add3A_510 = arith.addi %add3A_509, %add3A_337 : i32
        %get3A_511 = arith.index_cast %add3A_510 : i32 to index
        %get3A_512 = arith.constant 160 : index
        %get3A_513 = tpu.vector_load %arg10[%get3A_511, %get3A_512] {strides = array<i32>} : memref<256x192xbf16, #tpu.memory_space<vmem>>, vector<32xbf16>,
        %mul3A_514 = arith.mulf %get3A_513, %pack3A_350 : vector<32xbf16>
        %add3A_515 = arith.addf %mul3A_508, %mul3A_514 : vector<32xbf16>
        %add3A_516 = arith.constant 128 : i32
        %add3A_517 = arith.addi %add3A_516, %add3A_337 : i32
        %get3A_518 = arith.index_cast %add3A_517 : i32 to index
        %get3A_519 = arith.constant 160 : index
        %get3A_520 = tpu.vector_load %arg10[%get3A_518, %get3A_519] {strides = array<i32>} : memref<256x192xbf16, #tpu.memory_space<vmem>>, vector<32xbf16>,
        %mul3A_521 = arith.mulf %get3A_520, %pack3A_358 : vector<32xbf16>
        %add3A_522 = arith.addf %add3A_515, %mul3A_521 : vector<32xbf16>
        %add3A_523 = arith.constant 192 : i32
        %add3A_524 = arith.addi %add3A_523, %add3A_337 : i32
        %get3A_525 = arith.index_cast %add3A_524 : i32 to index
        %get3A_526 = arith.constant 160 : index
        %get3A_527 = tpu.vector_load %arg10[%get3A_525, %get3A_526] {strides = array<i32>} : memref<256x192xbf16, #tpu.memory_space<vmem>>, vector<32xbf16>,
        %mul3A_528 = arith.mulf %get3A_527, %pack3A_366 : vector<32xbf16>
        %add3A_529 = arith.addf %add3A_522, %mul3A_528 : vector<32xbf16>
        %swap3A_530 = arith.index_cast %add3A_337 : i32 to index
        %swap3A_531 = arith.constant 160 : index
        %swap3A_532 = tpu.vector_load %arg13[%swap3A_530, %swap3A_531] {strides = array<i32>} : memref<64x192xbf16, #tpu.memory_space<vmem>>, vector<32xbf16>,
        tpu.vector_store %arg13[%swap3A_530, %swap3A_531], %add3A_529 {strides = array<i32>} : memref<64x192xbf16, #tpu.memory_space<vmem>>, vector<32xbf16>,
      }
      %scan3A_318 = arith.constant 64 : i32
      %add3A_319 = arith.addi %mul3A_2, %add3A_281 : i32
      %mul3A_320 = arith.constant 64 : i32
      %mul3A_321 = arith.muli %add3A_319, %mul3A_320 : i32
      %dma_start3A_322 = arith.constant 0 : i32
      %dma_start3A_323 = tpu.memref_slice %arg5[%mul3A_321, %dma_start3A_322] : memref<294912x192xbf16, #tpu.memory_space<hbm>> -> memref<64x192xbf16, #tpu.memory_space<hbm>>
      %dma_start3A_324 = arith.constant 0 : i32
      %dma_start3A_325 = tpu.memref_slice %arg5[%mul3A_321, %dma_start3A_324] : memref<294912x192xbf16, #tpu.memory_space<hbm>> -> memref<64x192xbf16, #tpu.memory_space<hbm>>
      tpu.enqueue_dma source(%arg13 : memref<64x192xbf16, #tpu.memory_space<vmem>>) target(%dma_start3A_325 : memref<64x192xbf16, #tpu.memory_space<hbm>>) target_semaphore(%arg22 : memref<!tpu.dma_semaphore, #tpu.memory_space<semaphore_mem>>)
      %add3A_326 = arith.constant 3 : i32
      %add3A_327 = arith.addi %add3A_281, %add3A_326 : i32
      %lt3A_328 = arith.constant 144 : i32
      %lt3A_329 = arith.cmpi slt, %add3A_327, %lt3A_328 : i32
      %convert_element_type3A_330 = arith.extui %lt3A_329 : i1 to i32
      %cond3A_331 = arith.constant 0 : i32
      %cond3A_332 = arith.cmpi ne, %convert_element_type3A_330, %cond3A_331 : i32
      scf.if %cond3A_332 {
        %add3A_333 = arith.constant 3 : i32
        %add3A_334 = arith.addi %add3A_281, %add3A_333 : i32
        %add3A_335 = arith.addi %mul3A_2, %add3A_334 : i32
        %mul3A_336 = arith.constant 256 : i32
        %mul3A_337 = arith.muli %add3A_335, %mul3A_336 : i32
        %dma_start3A_338 = arith.constant 2 : i32
        %dma_start3A_339 = arith.constant 0 : i32
        %dma_start3A_340 = tpu.memref_slice %arg6[%dma_start3A_338, %dma_start3A_339] : memref<3x256xi32, #tpu.memory_space<vmem>> -> memref<1x256xi32, #tpu.memory_space<vmem>>
        %dma_start3A_341 = tpu.memref_squeeze %dma_start3A_340 : memref<1x256xi32, #tpu.memory_space<vmem>> -> memref<256xi32, #tpu.memory_space<vmem>>
        %dma_start3A_342 = tpu.memref_slice %arg3[%mul3A_337] : memref<1179648xi32, #tpu.memory_space<hbm>> -> memref<256xi32, #tpu.memory_space<hbm>>
        %dma_start3A_343 = arith.constant 0 : i32
        %dma_start3A_344 = tpu.memref_slice %arg6[%dma_start3A_338, %dma_start3A_343] : memref<3x256xi32, #tpu.memory_space<vmem>> -> memref<1x256xi32, #tpu.memory_space<vmem>>
        %dma_start3A_345 = tpu.memref_squeeze %dma_start3A_344 : memref<1x256xi32, #tpu.memory_space<vmem>> -> memref<256xi32, #tpu.memory_space<vmem>>
        %dma_start3A_346 = tpu.memref_slice %arg3[%mul3A_337] : memref<1179648xi32, #tpu.memory_space<hbm>> -> memref<256xi32, #tpu.memory_space<hbm>>
        tpu.enqueue_dma source(%dma_start3A_346 : memref<256xi32, #tpu.memory_space<hbm>>) target(%dma_start3A_345 : memref<256xi32, #tpu.memory_space<vmem>>) target_semaphore(%arg16 : memref<!tpu.dma_semaphore, #tpu.memory_space<semaphore_mem>>)
        %dma_start3A_347 = arith.constant 2 : i32
        %dma_start3A_348 = arith.constant 0 : i32
        %dma_start3A_349 = tpu.memref_slice %arg7[%dma_start3A_347, %dma_start3A_348] : memref<3x256xf32, #tpu.memory_space<vmem>> -> memref<1x256xf32, #tpu.memory_space<vmem>>
        %dma_start3A_350 = tpu.memref_squeeze %dma_start3A_349 : memref<1x256xf32, #tpu.memory_space<vmem>> -> memref<256xf32, #tpu.memory_space<vmem>>
        %dma_start3A_351 = tpu.memref_slice %arg4[%mul3A_337] : memref<1179648xf32, #tpu.memory_space<hbm>> -> memref<256xf32, #tpu.memory_space<hbm>>
        %dma_start3A_352 = arith.constant 0 : i32
        %dma_start3A_353 = tpu.memref_slice %arg7[%dma_start3A_347, %dma_start3A_352] : memref<3x256xf32, #tpu.memory_space<vmem>> -> memref<1x256xf32, #tpu.memory_space<vmem>>
        %dma_start3A_354 = tpu.memref_squeeze %dma_start3A_353 : memref<1x256xf32, #tpu.memory_space<vmem>> -> memref<256xf32, #tpu.memory_space<vmem>>
        %dma_start3A_355 = tpu.memref_slice %arg4[%mul3A_337] : memref<1179648xf32, #tpu.memory_space<hbm>> -> memref<256xf32, #tpu.memory_space<hbm>>
        tpu.enqueue_dma source(%dma_start3A_355 : memref<256xf32, #tpu.memory_space<hbm>>) target(%dma_start3A_354 : memref<256xf32, #tpu.memory_space<vmem>>) target_semaphore(%arg16 : memref<!tpu.dma_semaphore, #tpu.memory_space<semaphore_mem>>)
      } else {
      }
    }
    %scan3A_154 = arith.constant 48 : i32
    %dma_wait3A_155 = arith.constant 0 : i32
    %dma_wait3A_156 = arith.constant 0 : i32
    %dma_wait3A_157 = tpu.memref_slice %arg5[%dma_wait3A_155, %dma_wait3A_156] : memref<294912x192xbf16, #tpu.memory_space<hbm>> -> memref<64x192xbf16, #tpu.memory_space<hbm>>
    %dma_wait3A_158 = arith.constant 0 : i32
    %dma_wait3A_159 = arith.constant 0 : i32
    %dma_wait3A_160 = tpu.memref_slice %arg5[%dma_wait3A_158, %dma_wait3A_159] : memref<294912x192xbf16, #tpu.memory_space<hbm>> -> memref<64x192xbf16, #tpu.memory_space<hbm>>
    tpu.wait_dma2 semaphore(%arg20 : memref<!tpu.dma_semaphore, #tpu.memory_space<semaphore_mem>>) src(%arg11 : memref<64x192xbf16, #tpu.memory_space<vmem>>) dst(%dma_wait3A_160 : memref<64x192xbf16, #tpu.memory_space<hbm>>)
    %dma_wait3A_161 = arith.constant 0 : i32
    %dma_wait3A_162 = arith.constant 0 : i32
    %dma_wait3A_163 = tpu.memref_slice %arg5[%dma_wait3A_161, %dma_wait3A_162] : memref<294912x192xbf16, #tpu.memory_space<hbm>> -> memref<64x192xbf16, #tpu.memory_space<hbm>>
    %dma_wait3A_164 = arith.constant 0 : i32
    %dma_wait3A_165 = arith.constant 0 : i32
    %dma_wait3A_166 = tpu.memref_slice %arg5[%dma_wait3A_164, %dma_wait3A_165] : memref<294912x192xbf16, #tpu.memory_space<hbm>> -> memref<64x192xbf16, #tpu.memory_space<hbm>>
    tpu.wait_dma2 semaphore(%arg21 : memref<!tpu.dma_semaphore, #tpu.memory_space<semaphore_mem>>) src(%arg12 : memref<64x192xbf16, #tpu.memory_space<vmem>>) dst(%dma_wait3A_166 : memref<64x192xbf16, #tpu.memory_space<hbm>>)
    %dma_wait3A_167 = arith.constant 0 : i32
    %dma_wait3A_168 = arith.constant 0 : i32
    %dma_wait3A_169 = tpu.memref_slice %arg5[%dma_wait3A_167, %dma_wait3A_168] : memref<294912x192xbf16, #tpu.memory_space<hbm>> -> memref<64x192xbf16, #tpu.memory_space<hbm>>
    %dma_wait3A_170 = arith.constant 0 : i32
    %dma_wait3A_171 = arith.constant 0 : i32
    %dma_wait3A_172 = tpu.memref_slice %arg5[%dma_wait3A_170, %dma_wait3A_171] : memref<294912x192xbf16, #tpu.memory_space<hbm>> -> memref<64x192xbf16, #tpu.memory_space<hbm>>
    tpu.wait_dma2 semaphore(%arg22 : memref<!tpu.dma_semaphore, #tpu.memory_space<semaphore_mem>>) src(%arg13 : memref<64x192xbf16, #tpu.memory_space<vmem>>) dst(%dma_wait3A_172 : memref<64x192xbf16, #tpu.memory_space<hbm>>)
    return
  }
}

module attributes {stable_mosaic.version = 14 : i64} {
  func.func @_idx_w_body(%arg0: i32, %arg1: memref<1x2x384x384xf32, #tpu.memory_space<vmem>>, %arg2: memref<4x1x384x384xi32, #tpu.memory_space<vmem>>, %arg3: memref<4x1x384x384xf32, #tpu.memory_space<vmem>>) attributes {dimension_semantics = [#tpu.dimension_semantics<arbitrary>], iteration_bounds = array<i64: 2>, scalar_prefetch = 0 : i64, scratch_operands = 0 : i64, tpu.core_type = #tpu.core_type<tc>, window_params = [{transform_indices = @transform_0, window_bounds = array<i64: 1, 2, 384, 384>}, {transform_indices = @transform_1, window_bounds = array<i64: 4, 1, 384, 384>}, {transform_indices = @transform_2, window_bounds = array<i64: 4, 1, 384, 384>}]} {
    %get3A = arith.constant 0 : index
    %get3A_0 = arith.constant 0 : index
    %get3A_1 = arith.constant 0 : index
    %get3A_2 = arith.constant 0 : index
    %get3A_3 = vector.load %arg1[%get3A, %get3A_0, %get3A_1, %get3A_2] : memref<1x2x384x384xf32, #tpu.memory_space<vmem>>, vector<1x1x384x384xf32>
    %get3A_4 = vector.shape_cast %get3A_3 : vector<1x1x384x384xf32> to vector<384x384xf32>
    %get3A_5 = arith.constant 0 : index
    %get3A_6 = arith.constant 1 : index
    %get3A_7 = arith.constant 0 : index
    %get3A_8 = arith.constant 0 : index
    %get3A_9 = vector.load %arg1[%get3A_5, %get3A_6, %get3A_7, %get3A_8] : memref<1x2x384x384xf32, #tpu.memory_space<vmem>>, vector<1x1x384x384xf32>
    %get3A_10 = vector.shape_cast %get3A_9 : vector<1x1x384x384xf32> to vector<384x384xf32>
    %iota3A = tpu.iota {dimensions = array<i32: 1>} : vector<384x384xi32>
    %convert_element_type3A = arith.sitofp %iota3A : vector<384x384xi32> to vector<384x384xf32>
    %iota3A_11 = tpu.iota {dimensions = array<i32: 0>} : vector<384x384xi32>
    %convert_element_type3A_12 = arith.sitofp %iota3A_11 : vector<384x384xi32> to vector<384x384xf32>
    %add3A = arith.addf %convert_element_type3A, %get3A_4 : vector<384x384xf32>
    %mul3A = arith.constant 2.000000e+00 : f32
    %mul3A_13 = vector.broadcast %mul3A : f32 to vector<384x384xf32>
    %mul3A_14 = arith.mulf %mul3A_13, %add3A : vector<384x384xf32>
    %div3A = arith.constant 3.830000e+02 : f32
    %div3A_15 = vector.broadcast %div3A : f32 to vector<384x384xf32>
    %div3A_16 = arith.divf %mul3A_14, %div3A_15 : vector<384x384xf32>
    %sub3A = arith.constant 1.000000e+00 : f32
    %sub3A_17 = vector.broadcast %sub3A : f32 to vector<384x384xf32>
    %sub3A_18 = arith.subf %div3A_16, %sub3A_17 : vector<384x384xf32>
    %add3A_19 = arith.addf %convert_element_type3A_12, %get3A_10 : vector<384x384xf32>
    %mul3A_20 = arith.constant 2.000000e+00 : f32
    %mul3A_21 = vector.broadcast %mul3A_20 : f32 to vector<384x384xf32>
    %mul3A_22 = arith.mulf %mul3A_21, %add3A_19 : vector<384x384xf32>
    %div3A_23 = arith.constant 3.830000e+02 : f32
    %div3A_24 = vector.broadcast %div3A_23 : f32 to vector<384x384xf32>
    %div3A_25 = arith.divf %mul3A_22, %div3A_24 : vector<384x384xf32>
    %sub3A_26 = arith.constant 1.000000e+00 : f32
    %sub3A_27 = vector.broadcast %sub3A_26 : f32 to vector<384x384xf32>
    %sub3A_28 = arith.subf %div3A_25, %sub3A_27 : vector<384x384xf32>
    %add3A_29 = arith.constant 1.000000e+00 : f32
    %add3A_30 = vector.broadcast %add3A_29 : f32 to vector<384x384xf32>
    %add3A_31 = arith.addf %sub3A_18, %add3A_30 : vector<384x384xf32>
    %mul3A_32 = arith.constant 3.830000e+02 : f32
    %mul3A_33 = vector.broadcast %mul3A_32 : f32 to vector<384x384xf32>
    %mul3A_34 = arith.mulf %add3A_31, %mul3A_33 : vector<384x384xf32>
    %div3A_35 = arith.constant 2.000000e+00 : f32
    %div3A_36 = vector.broadcast %div3A_35 : f32 to vector<384x384xf32>
    %div3A_37 = arith.divf %mul3A_34, %div3A_36 : vector<384x384xf32>
    %add3A_38 = arith.constant 1.000000e+00 : f32
    %add3A_39 = vector.broadcast %add3A_38 : f32 to vector<384x384xf32>
    %add3A_40 = arith.addf %sub3A_28, %add3A_39 : vector<384x384xf32>
    %mul3A_41 = arith.constant 3.830000e+02 : f32
    %mul3A_42 = vector.broadcast %mul3A_41 : f32 to vector<384x384xf32>
    %mul3A_43 = arith.mulf %add3A_40, %mul3A_42 : vector<384x384xf32>
    %div3A_44 = arith.constant 2.000000e+00 : f32
    %div3A_45 = vector.broadcast %div3A_44 : f32 to vector<384x384xf32>
    %div3A_46 = arith.divf %mul3A_43, %div3A_45 : vector<384x384xf32>
    %floor3A = math.floor %div3A_37 : vector<384x384xf32>
    %jit3A = arith.constant 0.000000e+00 : f32
    %jit3A_47 = arith.constant 3.820000e+02 : f32
    %max3A = vector.broadcast %jit3A : f32 to vector<384x384xf32>
    %max3A_48 = arith.maximumf %max3A, %floor3A : vector<384x384xf32>
    %min3A = vector.broadcast %jit3A_47 : f32 to vector<384x384xf32>
    %min3A_49 = arith.minimumf %min3A, %max3A_48 : vector<384x384xf32>
    %floor3A_50 = math.floor %div3A_46 : vector<384x384xf32>
    %jit3A_51 = arith.constant 0.000000e+00 : f32
    %jit3A_52 = arith.constant 3.820000e+02 : f32
    %max3A_53 = vector.broadcast %jit3A_51 : f32 to vector<384x384xf32>
    %max3A_54 = arith.maximumf %max3A_53, %floor3A_50 : vector<384x384xf32>
    %min3A_55 = vector.broadcast %jit3A_52 : f32 to vector<384x384xf32>
    %min3A_56 = arith.minimumf %min3A_55, %max3A_54 : vector<384x384xf32>
    %sub3A_57 = arith.subf %div3A_37, %min3A_49 : vector<384x384xf32>
    %abs3A = math.absf %sub3A_57 : vector<384x384xf32>
    %sub3A_58 = arith.constant 1.000000e+00 : f32
    %sub3A_59 = vector.broadcast %sub3A_58 : f32 to vector<384x384xf32>
    %sub3A_60 = arith.subf %sub3A_59, %abs3A : vector<384x384xf32>
    %max3A_61 = arith.constant 0.000000e+00 : f32
    %max3A_62 = vector.broadcast %max3A_61 : f32 to vector<384x384xf32>
    %max3A_63 = arith.maximumf %max3A_62, %sub3A_60 : vector<384x384xf32>
    %add3A_64 = arith.constant 1.000000e+00 : f32
    %add3A_65 = vector.broadcast %add3A_64 : f32 to vector<384x384xf32>
    %add3A_66 = arith.addf %min3A_49, %add3A_65 : vector<384x384xf32>
    %sub3A_67 = arith.subf %div3A_37, %add3A_66 : vector<384x384xf32>
    %abs3A_68 = math.absf %sub3A_67 : vector<384x384xf32>
    %sub3A_69 = arith.constant 1.000000e+00 : f32
    %sub3A_70 = vector.broadcast %sub3A_69 : f32 to vector<384x384xf32>
    %sub3A_71 = arith.subf %sub3A_70, %abs3A_68 : vector<384x384xf32>
    %max3A_72 = arith.constant 0.000000e+00 : f32
    %max3A_73 = vector.broadcast %max3A_72 : f32 to vector<384x384xf32>
    %max3A_74 = arith.maximumf %max3A_73, %sub3A_71 : vector<384x384xf32>
    %sub3A_75 = arith.subf %div3A_46, %min3A_56 : vector<384x384xf32>
    %abs3A_76 = math.absf %sub3A_75 : vector<384x384xf32>
    %sub3A_77 = arith.constant 1.000000e+00 : f32
    %sub3A_78 = vector.broadcast %sub3A_77 : f32 to vector<384x384xf32>
    %sub3A_79 = arith.subf %sub3A_78, %abs3A_76 : vector<384x384xf32>
    %max3A_80 = arith.constant 0.000000e+00 : f32
    %max3A_81 = vector.broadcast %max3A_80 : f32 to vector<384x384xf32>
    %max3A_82 = arith.maximumf %max3A_81, %sub3A_79 : vector<384x384xf32>
    %add3A_83 = arith.constant 1.000000e+00 : f32
    %add3A_84 = vector.broadcast %add3A_83 : f32 to vector<384x384xf32>
    %add3A_85 = arith.addf %min3A_56, %add3A_84 : vector<384x384xf32>
    %sub3A_86 = arith.subf %div3A_46, %add3A_85 : vector<384x384xf32>
    %abs3A_87 = math.absf %sub3A_86 : vector<384x384xf32>
    %sub3A_88 = arith.constant 1.000000e+00 : f32
    %sub3A_89 = vector.broadcast %sub3A_88 : f32 to vector<384x384xf32>
    %sub3A_90 = arith.subf %sub3A_89, %abs3A_87 : vector<384x384xf32>
    %max3A_91 = arith.constant 0.000000e+00 : f32
    %max3A_92 = vector.broadcast %max3A_91 : f32 to vector<384x384xf32>
    %max3A_93 = arith.maximumf %max3A_92, %sub3A_90 : vector<384x384xf32>
    %mul3A_94 = arith.constant 147456 : i32
    %mul3A_95 = arith.muli %arg0, %mul3A_94 : i32
    %convert_element_type3A_96 = arith.fptosi %min3A_56 : vector<384x384xf32> to vector<384x384xi32>
    %mul3A_97 = arith.constant 384 : i32
    %mul3A_98 = vector.broadcast %mul3A_97 : i32 to vector<384x384xi32>
    %mul3A_99 = arith.muli %convert_element_type3A_96, %mul3A_98 : vector<384x384xi32>
    %add3A_100 = vector.broadcast %mul3A_95 : i32 to vector<384x384xi32>
    %add3A_101 = arith.addi %add3A_100, %mul3A_99 : vector<384x384xi32>
    %convert_element_type3A_102 = arith.fptosi %min3A_49 : vector<384x384xf32> to vector<384x384xi32>
    %add3A_103 = arith.addi %add3A_101, %convert_element_type3A_102 : vector<384x384xi32>
    %swap3A = arith.constant 0 : index
    %swap3A_104 = arith.constant 0 : index
    %swap3A_105 = arith.constant 0 : index
    %swap3A_106 = arith.constant 0 : index
    %swap3A_107 = vector.load %arg2[%swap3A, %swap3A_104, %swap3A_105, %swap3A_106] : memref<4x1x384x384xi32, #tpu.memory_space<vmem>>, vector<1x1x384x384xi32>
    %swap3A_108 = vector.shape_cast %swap3A_107 : vector<1x1x384x384xi32> to vector<384x384xi32>
    %swap3A_109 = vector.shape_cast %add3A_103 : vector<384x384xi32> to vector<1x1x384x384xi32>
    tpu.vector_store %arg2[%swap3A, %swap3A_104, %swap3A_105, %swap3A_106], %swap3A_109 {strides = array<i32>} : memref<4x1x384x384xi32, #tpu.memory_space<vmem>>, vector<1x1x384x384xi32>,
    %add3A_110 = arith.constant 1 : i32
    %add3A_111 = vector.broadcast %add3A_110 : i32 to vector<384x384xi32>
    %add3A_112 = arith.addi %add3A_103, %add3A_111 : vector<384x384xi32>
    %swap3A_113 = arith.constant 1 : index
    %swap3A_114 = arith.constant 0 : index
    %swap3A_115 = arith.constant 0 : index
    %swap3A_116 = arith.constant 0 : index
    %swap3A_117 = vector.load %arg2[%swap3A_113, %swap3A_114, %swap3A_115, %swap3A_116] : memref<4x1x384x384xi32, #tpu.memory_space<vmem>>, vector<1x1x384x384xi32>
    %swap3A_118 = vector.shape_cast %swap3A_117 : vector<1x1x384x384xi32> to vector<384x384xi32>
    %swap3A_119 = vector.shape_cast %add3A_112 : vector<384x384xi32> to vector<1x1x384x384xi32>
    tpu.vector_store %arg2[%swap3A_113, %swap3A_114, %swap3A_115, %swap3A_116], %swap3A_119 {strides = array<i32>} : memref<4x1x384x384xi32, #tpu.memory_space<vmem>>, vector<1x1x384x384xi32>,
    %add3A_120 = arith.constant 384 : i32
    %add3A_121 = vector.broadcast %add3A_120 : i32 to vector<384x384xi32>
    %add3A_122 = arith.addi %add3A_103, %add3A_121 : vector<384x384xi32>
    %swap3A_123 = arith.constant 2 : index
    %swap3A_124 = arith.constant 0 : index
    %swap3A_125 = arith.constant 0 : index
    %swap3A_126 = arith.constant 0 : index
    %swap3A_127 = vector.load %arg2[%swap3A_123, %swap3A_124, %swap3A_125, %swap3A_126] : memref<4x1x384x384xi32, #tpu.memory_space<vmem>>, vector<1x1x384x384xi32>
    %swap3A_128 = vector.shape_cast %swap3A_127 : vector<1x1x384x384xi32> to vector<384x384xi32>
    %swap3A_129 = vector.shape_cast %add3A_122 : vector<384x384xi32> to vector<1x1x384x384xi32>
    tpu.vector_store %arg2[%swap3A_123, %swap3A_124, %swap3A_125, %swap3A_126], %swap3A_129 {strides = array<i32>} : memref<4x1x384x384xi32, #tpu.memory_space<vmem>>, vector<1x1x384x384xi32>,
    %add3A_130 = arith.constant 384 : i32
    %add3A_131 = vector.broadcast %add3A_130 : i32 to vector<384x384xi32>
    %add3A_132 = arith.addi %add3A_103, %add3A_131 : vector<384x384xi32>
    %add3A_133 = arith.constant 1 : i32
    %add3A_134 = vector.broadcast %add3A_133 : i32 to vector<384x384xi32>
    %add3A_135 = arith.addi %add3A_132, %add3A_134 : vector<384x384xi32>
    %swap3A_136 = arith.constant 3 : index
    %swap3A_137 = arith.constant 0 : index
    %swap3A_138 = arith.constant 0 : index
    %swap3A_139 = arith.constant 0 : index
    %swap3A_140 = vector.load %arg2[%swap3A_136, %swap3A_137, %swap3A_138, %swap3A_139] : memref<4x1x384x384xi32, #tpu.memory_space<vmem>>, vector<1x1x384x384xi32>
    %swap3A_141 = vector.shape_cast %swap3A_140 : vector<1x1x384x384xi32> to vector<384x384xi32>
    %swap3A_142 = vector.shape_cast %add3A_135 : vector<384x384xi32> to vector<1x1x384x384xi32>
    tpu.vector_store %arg2[%swap3A_136, %swap3A_137, %swap3A_138, %swap3A_139], %swap3A_142 {strides = array<i32>} : memref<4x1x384x384xi32, #tpu.memory_space<vmem>>, vector<1x1x384x384xi32>,
    %mul3A_143 = arith.mulf %max3A_82, %max3A_63 : vector<384x384xf32>
    %swap3A_144 = arith.constant 0 : index
    %swap3A_145 = arith.constant 0 : index
    %swap3A_146 = arith.constant 0 : index
    %swap3A_147 = arith.constant 0 : index
    %swap3A_148 = vector.load %arg3[%swap3A_144, %swap3A_145, %swap3A_146, %swap3A_147] : memref<4x1x384x384xf32, #tpu.memory_space<vmem>>, vector<1x1x384x384xf32>
    %swap3A_149 = vector.shape_cast %swap3A_148 : vector<1x1x384x384xf32> to vector<384x384xf32>
    %swap3A_150 = vector.shape_cast %mul3A_143 : vector<384x384xf32> to vector<1x1x384x384xf32>
    tpu.vector_store %arg3[%swap3A_144, %swap3A_145, %swap3A_146, %swap3A_147], %swap3A_150 {strides = array<i32>} : memref<4x1x384x384xf32, #tpu.memory_space<vmem>>, vector<1x1x384x384xf32>,
    %mul3A_151 = arith.mulf %max3A_82, %max3A_74 : vector<384x384xf32>
    %swap3A_152 = arith.constant 1 : index
    %swap3A_153 = arith.constant 0 : index
    %swap3A_154 = arith.constant 0 : index
    %swap3A_155 = arith.constant 0 : index
    %swap3A_156 = vector.load %arg3[%swap3A_152, %swap3A_153, %swap3A_154, %swap3A_155] : memref<4x1x384x384xf32, #tpu.memory_space<vmem>>, vector<1x1x384x384xf32>
    %swap3A_157 = vector.shape_cast %swap3A_156 : vector<1x1x384x384xf32> to vector<384x384xf32>
    %swap3A_158 = vector.shape_cast %mul3A_151 : vector<384x384xf32> to vector<1x1x384x384xf32>
    tpu.vector_store %arg3[%swap3A_152, %swap3A_153, %swap3A_154, %swap3A_155], %swap3A_158 {strides = array<i32>} : memref<4x1x384x384xf32, #tpu.memory_space<vmem>>, vector<1x1x384x384xf32>,
    %mul3A_159 = arith.mulf %max3A_93, %max3A_63 : vector<384x384xf32>
    %swap3A_160 = arith.constant 2 : index
    %swap3A_161 = arith.constant 0 : index
    %swap3A_162 = arith.constant 0 : index
    %swap3A_163 = arith.constant 0 : index
    %swap3A_164 = vector.load %arg3[%swap3A_160, %swap3A_161, %swap3A_162, %swap3A_163] : memref<4x1x384x384xf32, #tpu.memory_space<vmem>>, vector<1x1x384x384xf32>
    %swap3A_165 = vector.shape_cast %swap3A_164 : vector<1x1x384x384xf32> to vector<384x384xf32>
    %swap3A_166 = vector.shape_cast %mul3A_159 : vector<384x384xf32> to vector<1x1x384x384xf32>
    tpu.vector_store %arg3[%swap3A_160, %swap3A_161, %swap3A_162, %swap3A_163], %swap3A_166 {strides = array<i32>} : memref<4x1x384x384xf32, #tpu.memory_space<vmem>>, vector<1x1x384x384xf32>,
    %mul3A_167 = arith.mulf %max3A_93, %max3A_74 : vector<384x384xf32>
    %swap3A_168 = arith.constant 3 : index
    %swap3A_169 = arith.constant 0 : index
    %swap3A_170 = arith.constant 0 : index
    %swap3A_171 = arith.constant 0 : index
    %swap3A_172 = vector.load %arg3[%swap3A_168, %swap3A_169, %swap3A_170, %swap3A_171] : memref<4x1x384x384xf32, #tpu.memory_space<vmem>>, vector<1x1x384x384xf32>
    %swap3A_173 = vector.shape_cast %swap3A_172 : vector<1x1x384x384xf32> to vector<384x384xf32>
    %swap3A_174 = vector.shape_cast %mul3A_167 : vector<384x384xf32> to vector<1x1x384x384xf32>
    tpu.vector_store %arg3[%swap3A_168, %swap3A_169, %swap3A_170, %swap3A_171], %swap3A_174 {strides = array<i32>} : memref<4x1x384x384xf32, #tpu.memory_space<vmem>>, vector<1x1x384x384xf32>,
    return
  }
  func.func @transform_0(%arg0: i32) -> (i32, i32, i32, i32) {
    %c0_i32 = arith.constant 0 : i32
    %c0_i32_0 = arith.constant 0 : i32
    %c0_i32_1 = arith.constant 0 : i32
    %c0_i32_2 = arith.constant 0 : i32
    return %arg0, %c0_i32, %c0_i32_0, %c0_i32_1 : i32, i32, i32, i32
  }
  func.func @transform_1(%arg0: i32) -> (i32, i32, i32, i32) {
    %c0_i32 = arith.constant 0 : i32
    %c0_i32_0 = arith.constant 0 : i32
    %c0_i32_1 = arith.constant 0 : i32
    %c0_i32_2 = arith.constant 0 : i32
    return %c0_i32, %arg0, %c0_i32_0, %c0_i32_1 : i32, i32, i32, i32
  }
  func.func @transform_2(%arg0: i32) -> (i32, i32, i32, i32) {
    %c0_i32 = arith.constant 0 : i32
    %c0_i32_0 = arith.constant 0 : i32
    %c0_i32_1 = arith.constant 0 : i32
    %c0_i32_2 = arith.constant 0 : i32
    return %c0_i32, %arg0, %c0_i32_0, %c0_i32_1 : i32, i32, i32, i32
  }
}

</mosaic_0001>

<sc_bundles>
// kernel: kernel.4.cloned.1.call-start
scs
__scs_entry_jumppad:
0x0: {  	(pc) =	sbr.rel $0x88, $3  }
0x1: {  	(tag) =	ssettag $0x0;
	lr =	simm.s32 $0x1  }
0x2: {  	[smem:$0x3F9F] =	sst lr;
	_ =	strace $0xD0000000  }
0x3: {  	_ = 	snop  }
0x4: {  	_ = 	snop  }
0x5: {  	_ = 	snop  }
0x6: {  	_ = 	snop  }
0x7: {  	_ = 	snop  }
__scs_overlays_trampoline_lowered:
0x8: {  	[smem:$0x3FAE] =	sst s0  }
0x9: {  	[smem:$0x3FAF] =	sst s1  }
0xa: {  	[smem:$0x3FB0] =	sst s2  }
0xb: {  	[smem:$0x3FB1] =	sst s3  }
0xc: {  	[smem:$0x3FB2] =	sst s4  }
0xd: {  	[smem:$0x3FB3] =	sst s5  }
0xe: {  	[smem:$0x3FB4] =	sst s6  }
0xf: {  	[smem:$0x3FB5] =	sst s7  }
0x10: {  	[smem:$0x3FB6] =	sst s8  }
0x11: {  	[smem:$0x3FB7] =	sst s9;
	s0 =	simm.s32 @!p0 $0x0  }
0x12: {  	s1 =	sld [smem:$0x3F9D];
	s0 =	simm.s32 @p0 $0x1  }
0x13: {  	[smem:$0x3FB8] =	sst s0;
	s0 =	simm.s32 @!p1 $0x0  }
0x14: {  	s2 =	sld [smem:$0x3F9C];
	s0 =	simm.s32 @p1 $0x1  }
0x15: {  	[smem:$0x3FB9] =	sst s0;
	s0 =	simm.s32 @!p2 $0x0  }
0x16: {  	s3 =	sld [smem:$0x3FDB];
	s0 =	simm.s32 @p2 $0x1  }
0x17: {  	s4 =	simm.s32 $0x1BF5;
	[smem:$0x3FBB] =	sst s0  }
0x18: {  	s0 =	sld [smem:$0x3F9E];
	_ =	swait.ge [sflag:s4], $0x0  }
0x19: {  	s7 =	sld [smem:$0x3F9F]  }
0x1a: {  	s8 =	sadd.s32 $0xFFFFE003, lr  }
0x1b: {  	s9 =	sadd.s32 $0xFFFFFEF7, lr;
	s5 =	simm.s32 $0xFFFFFFFF;
	p2 =	slt.u32 s8, $0xFFFFF086  }
0x1c: {  	p1 =	slt.u32 s9, $0xF7A;
	s5 =	simm.s32 @!p2 $0x0  }
0x1d: {  	s5 =	simm.s32 @p1 $0x1;
	p0 =	seq.s32 s7, s2  }
0x1e: {  	s7 =	smul.u32 @!p0 $0xF7A, s2;
	p2 =	seq.s32 @!p0 s5, $0x0  }
0x1f: {  	s9 =	smul.u32 $0xF7A, s1;
	s8 =	simm.s32 @!p0 $0x1BF5;
	p2 =	por !p2, p0  }
0x20: {  	[sflag:s8] =	ssyncset.s32 @!p0 $0xFFFFF086;
	s6 =	sadd.s32 @!p0 s3, s7;
	s7 =	simm.s32 @!p0 $0x108  }
0x21: {  	s3 =	sadd.s32 s3, s9;
	s6 =	sadd.s32 @!p0 $0x88, s6;
	s7 =	simm.s32 @p2 $0x1082  }
0x22: {  	[simem:s7], [sflag:s8] =	dma.local @!p0 [hbm:s6], $0xF7A  }
0x23: {  	s9 =	sor.u32 $0xD0000000, s2;
	s6 =	simm.s32 $0x108;
	_ =	swait.ge @!p0 [sflag:s8], $0x0  }
0x24: {  	s3 =	sadd.s32 $0x88, s3;
	s6 =	simm.s32 @!p1 $0x1082;
	[sflag:s4] =	ssyncset.s32 $0xFFFFF086  }
0x25: {  	[simem:s6], [sflag:s4] =	dma.local [hbm:s3], $0xF7A  }
0x26: {  	[smem:$0x3F9F] =	sst s1;
	(tag) =	ssettag s2;
	_ =	strace s9  }
0x27: {  	s1 =	sld [smem:$0x3FAF]  }
0x28: {  	s2 =	sld [smem:$0x3FB0]  }
0x29: {  	s4 =	sld [smem:$0x3FB2]  }
0x2a: {  	p0 =	seq.s32 s5, $0x0;
	s5 =	sld [smem:$0x3FB3]  }
0x2b: {  	s6 =	sld [smem:$0x3FB4]  }
0x2c: {  	s7 =	sld [smem:$0x3FB5]  }
0x2d: {  	s3 =	simm.s32 $0x108;
	s8 =	sld [smem:$0x3FB6]  }
0x2e: {  	s3 =	simm.s32 @!p0 $0x1082;
	s9 =	sld [smem:$0x3FB7]  }
0x2f: {  	lr =	sadd.s32 s0, s3;
	s0 =	sld [smem:$0x3FAE]  }
0x30: {  	s3 =	sld [smem:$0x3FB1]  }
0x31: {  	[smem:$0x3FBA] =	sst s10  }
0x32: {  	s10 =	sld [smem:$0x3FB8];
	_ =	sdelay $0x3  }
0x33: {  	p0 =	seq.s32 s10, $0x1;
	s10 =	sld [smem:$0x3FBA];
	_ =	sdelay $0x3  }
0x34: {  	[smem:$0x3FBA] =	sst s10  }
0x35: {  	s10 =	sld [smem:$0x3FB9];
	_ =	sdelay $0x3  }
0x36: {  	p1 =	seq.s32 s10, $0x1;
	s10 =	sld [smem:$0x3FBA];
	_ =	sdelay $0x3  }
0x37: {  	[smem:$0x3FBA] =	sst s10  }
0x38: {  	s10 =	sld [smem:$0x3FBB]  }
0x39: {  	_ = 	snop;
	(pc) =	sbr.ind lr, $3  }
0x3a: {  	_ = 	snop  }
0x3b: {  	_ = 	snop  }
0x3c: {  	p2 =	seq.s32 s10, $0x1;
	s10 =	sld [smem:$0x3FBA]  }
0x3d: {  	_ =	shalt  }
0x3e: {  	_ =	shalt  }
0x3f: {  	_ =	shalt  }
0x40: {  	_ =	shalt  }
0x41: {  	_ =	shalt  }
0x42: {  	_ =	shalt  }
0x43: {  	_ =	shalt  }
0x44: {  	_ =	shalt  }
0x45: {  	_ =	shalt  }
0x46: {  	_ =	shalt  }
0x47: {  	_ =	shalt  }
0x48: {  	_ =	shalt  }
0x49: {  	_ =	shalt  }
0x4a: {  	_ =	shalt  }
0x4b: {  	_ =	shalt  }
0x4c: {  	_ =	shalt  }
0x4d: {  	_ =	shalt  }
0x4e: {  	_ =	shalt  }
0x4f: {  	_ =	shalt  }
0x50: {  	_ =	shalt  }
0x51: {  	_ =	shalt  }
0x52: {  	_ =	shalt  }
0x53: {  	_ =	shalt  }
0x54: {  	_ =	shalt  }
0x55: {  	_ =	shalt  }
0x56: {  	_ =	shalt  }
0x57: {  	_ =	shalt  }
0x58: {  	_ =	shalt  }
0x59: {  	_ =	shalt  }
0x5a: {  	_ =	shalt  }
0x5b: {  	_ =	shalt  }
0x5c: {  	_ =	shalt  }
0x5d: {  	_ =	shalt  }
0x5e: {  	_ =	shalt  }
0x5f: {  	_ =	shalt  }
0x60: {  	_ =	shalt  }
0x61: {  	_ =	shalt  }
0x62: {  	_ =	shalt  }
0x63: {  	_ =	shalt  }
0x64: {  	_ =	shalt  }
0x65: {  	_ =	shalt  }
0x66: {  	_ =	shalt  }
0x67: {  	_ =	shalt  }
0x68: {  	_ =	shalt  }
0x69: {  	_ =	shalt  }
0x6a: {  	_ =	shalt  }
0x6b: {  	_ =	shalt  }
0x6c: {  	_ =	shalt  }
0x6d: {  	_ =	shalt  }
0x6e: {  	_ =	shalt  }
0x6f: {  	_ =	shalt  }
0x70: {  	_ =	shalt  }
0x71: {  	_ =	shalt  }
0x72: {  	_ =	shalt  }
0x73: {  	_ =	shalt  }
0x74: {  	_ =	shalt  }
0x75: {  	_ =	shalt  }
0x76: {  	_ =	shalt  }
0x77: {  	_ =	shalt  }
0x78: {  	_ =	shalt  }
0x79: {  	_ =	shalt  }
0x7a: {  	_ =	shalt  }
0x7b: {  	_ =	shalt  }
0x7c: {  	_ =	shalt  }
0x7d: {  	_ =	shalt  }
0x7e: {  	_ =	shalt  }
0x7f: {  	_ =	shalt  }
0x80: {  	_ =	shalt  }
0x81: {  	_ =	shalt  }
0x82: {  	_ =	shalt  }
0x83: {  	_ =	shalt  }
0x84: {  	_ =	shalt  }
0x85: {  	_ =	shalt  }
0x86: {  	_ =	shalt  }
0x87: {  	_ =	shalt  }
.Lfunc_end0:
.L_simem_size_0:
called_computation.3_lowered:
.L_overlay_start_0:
0x88: {  	s2 =	sld [smem:$0x3FD9]  }
0x89: {  	s3 =	sld [smem:$0x3FFE];
	_ =	sdelay $0x1  }
0x8a: {  	s1 =	srdreg.scid  }
0x8b: {  	s0 =	sand.u32 $0x1, s1  }
0x8c: {  	s16 =	sshll.u32 s0, $0xA;
	s2 =	sadd.s32 s3, s2  }
0x8d: {  	s2 =	sadd.s32 s2, s16  }
0x8e: {  	[smem:$0x3FC6] =	sst s2  }
0x8f: {  	_ = 	snop  }
0x90: {  	(tm) =	ssettm $0x1  }
0x91: {  	s17 =	sld [smem:$0x3FFB];
	_ =	sdelay $0x3  }
0x92: {  	_ =	strace s17  }
0x93: {  	s2 =	sld [smem:$0x3FFC];
	_ =	sdelay $0x3  }
0x94: {  	_ =	strace s2  }
0x95: {  	s2 =	sld [smem:$0x3FFD];
	_ =	sdelay $0x3  }
0x96: {  	_ =	strace s2  }
0x97: {  	_ =	strace $0x8FFFFFFF  }
0x98: {  	s18 =	sld [smem:$0x3FDB];
	_ =	sdelay $0x1  }
0x99: {  	s19 =	simm.s32 $_scs_section_size  }
0x9a: {  	s4 =	simm.s32 $_size__tile_overlayer_lowered;
	s5 =	simm.s32 $_tile_overlayer_lowered  }
0x9b: {  	s22 =	simm.s32 $0x1BFF;
	s21 =	sshll.u32 s5, $0x1;
	s2 =	sadd.s32 s19, s18  }
0x9c: {  	s6 =	simm.s32 $0x0;
	s20 =	sshll.u32 s4, $0x1;
	s4 =	sadd.s32 s21, s2  }
0x9d: {  	[timem:s6], [sflag:s22] =	dma.local [hbm:s4], s20  }
0x9e: {  	_ =	swait.ge [sflag:s22], s20  }
0x9f: {  	s3 =	ssub.s32 $0x0, s20;
	[sflag:s22] =	ssyncset.done $0x0  }
0xa0: {  	[sflag:s22] =	ssyncadd.s32 s3;
	_ =	sdelay $0x1  }
0xa1: {  	s23 =	simm.s32 $0x1B8B  }
0xa2: {  	_ =	swait.ge [sflag:s23], $0x1  }
0xa3: {  	[sflag:s23] =	ssyncset.done $0x0  }
0xa4: {  	s25 =	simm.s32 $0x1B8E;
	s24 =	sld [smem:$0x3FFE];
	[sflag:s23] =	ssyncadd.s32 $0xFFFFFFFF  }
0xa5: {  	s26 =	simm.s32 $execute0_lowered;
	[smem:$0x3FD2] =	sst s25  }
0xa6: {  	s4 =	sshll.u32 s26, $0x1;
	_ =	strace $0x8000004C;
	[dreg:$0x1] =	wrdreg $0xFFFFFFFF  }
0xa7: {  	s28 =	simm.s32 $_size_execute0_lowered;
	s2 =	sadd.s32 s2, s4;
	[dreg:$0x0] =	wrdreg $0x0  }
0xa8: {  	s4 =	sshll.u32 s28, $0x1;
	[dreg:$0x2] =	wrdreg s2  }
0xa9: {  	[dreg:$0x3] =	wrdreg s4  }
0xaa: {  	[dreg:$0x4] =	wrdreg $0xC0  }
0xab: {  	_ =	task [dreg:s6], $0x5FFFF  }
0xac: {  	[dreg:$0x1] =	wrdreg $0xFFFFFFFF  }
0xad: {  	[dreg:$0x0] =	wrdreg $0x60  }
0xae: {  	[dreg:$0x2] =	wrdreg s24  }
0xaf: {  	[dreg:$0x3] =	wrdreg $0x9  }
0xb0: {  	_ =	task.clear_ibuf [dreg:s6], $0x4FFFF;
	_ =	strace $0x9000004C  }
0xb1: {  	s29 =	simm.s32 $0x9;
	_ =	strace $0x8000004E  }
0xb2: {  	_ =	swait.ge [sflag:s29], $0x1  }
0xb3: {  	[sflag:s29] =	ssyncadd.s32 $0xFFFFFFFF  }
0xb4: {  	_ =	strace $0x9000004E  }
0xb5: {  	_ =	sfence  }
0xb6: {  	s30 =	sld [smem:$0x0];
	_ =	sdelay $0x2  }
0xb7: {  	s31 =	sshll.u32 s1, $0xD;
	s1 =	sshrl.u32 s1, $0x2  }
0xb8: {  	s3 =	sand.u32 $0x4000, s31;
	s1 =	sadd.s32 s1, s30  }
0xb9: {  	s0 =	sor.u32 s3, s0;
	s1 =	sshll.u32 s1, $0x11  }
0xba: {  	s0 =	sor.u32 s1, s0  }
0xbb: {  	s0 =	sadd.s32 $0x8F2B, s0  }
0xbc: {  	[sflag:s0] =	ssyncadd.remote.s32 $0x1  }
0xbd: {  	_ =	sfence.sel $0xFFFF  }
0xbe: {  	[dreg:$0x0] =	wrdreg $0xFFFFFFFF;
	(pc) =	sbr.abs _section_cstart, $3  }
0xbf: {  	[dreg:$0x1] =	wrdreg $0xFFFFFFFF  }
0xc0: {  	_ =	task.clear_ibuf [dreg:s6], $0x2FFFF;
	_ =	strace $0x9FFFFFFF  }
0xc1: {  	(tm) =	ssettm $0x7FFFFFFF  }
tec
execute0_lowered:
.L_overlay_start_1:
0x0: {  	(tag) =	ssettag $0x1  }
0x1: {  	s0 =	rddreg [dreg:$0x0];
	s1 =	simm.s32 $0x0  }
0x2: {  	s2 =	srdreg.scid;
	s5 =	stileid.u32;
	s30 =	simm.s32 $0x2  }
0x3: {  	s12 =	simm.s32 $0xF600;
	s13 =	simm.s32 $0x12600;
	s28 =	simm.s32 $0x13E00  }
0x4: {  	s29 =	simm.s32 $0x6;
	s31 =	simm.s32 $0x9;
	s10 =	simm.s32 $0x0  }
0x5: {  	[smem:$0x7FF] =	sst s1;
	s2 =	sand.u32 $0x1, s2;
	s3 =	sadd.s32 $0x1400, s0  }
0x6: {  	s6 =	sadd.s32 $0x3A9400, s0;
	_ =	strace $0x8000004D;
	s4 =	sshll.u32 s2, $0x4  }
0x7: {  	s2 =	ssub.s32 $0x2, s2;
	s7 =	sor.u32 s5, s4;
	s4 =	sadd.s32 $0x361400, s0  }
0x8: {  	s8 =	sshrl.u32 s2, $0x1;
	s5 =	sadd.s32 $0x385400, s0;
	s9 =	smul.u32 $0x1200, s7  }
0x9: {  	s16 =	ssub.s32 s2, s8;
	s7 =	smul.u32 $0x90, s7;
	s8 =	simm.s32 $0x4  }
0xa: {  	s0 =	smax.u32 s16, $0x1;
	s18 =	sadd.s32 s4, s9;
	s19 =	sor.u32 $0x20, s9  }
0xb: {  	s20 =	sadd.s32 s5, s9;
	s22 =	sor.u32 $0x40, s9;
	s25 =	sor.u32 $0x3, s7  }
0xc: {  	s15 =	sor.u32 $0x1, s7;
	s26 =	sor.u32 $0x4, s7;
	[dreg:$0xa] =	wrdreg s0  }
0xd: {  	s17 =	sor.u32 $0x2, s7;
	s9 =	simm.s32 $0x3;
	[dreg:$0x2] =	wrdreg s18  }
0xe: {  	s0 =	simm.s32 $0x15600;
	[dreg:$0x3] =	wrdreg s20;
	s21 =	sadd.s32 s4, s19  }
0xf: {  	s2 =	sadd.s32 s5, s19;
	s23 =	sadd.s32 s4, s22;
	[dreg:$0x8] =	wrdreg s25  }
.Ltmp0:
0x10: {  	s24 =	sadd.s32 s5, s22;
	[dreg:$0x9] =	wrdreg s26;
	(pc) =	sbr.rel .LBB2_1-.Ltmp0, $4  }
0x11: {  	s18 =	sor.u32 $0x5, s7;
	s20 =	simm.s32 $0x300;
	[dreg:$0x4] =	wrdreg s21  }
0x12: {  	s25 =	simm.s32 $0x1;
	s26 =	simm.s32 $0x80;
	[dreg:$0x5] =	wrdreg s2  }
0x13: {  	s19 =	simm.s32 $0x5;
	s22 =	simm.s32 $0x8;
	[dreg:$0x6] =	wrdreg s23  }
0x14: {  	[dreg:$0x7] =	wrdreg s24;
	s21 =	simm.s32 $0x100;
	s23 =	simm.s32 $0x200  }
.LBB2_18:
0x15: {  	s2 =	simm.s32 $0x7  }
0x16: {  	_ =	swait.ge [sflag:s2], $0x1800  }
0x17: {  	[sflag:s2] =	ssyncset.done $0x0  }
0x18: {  	[sflag:s2] =	ssyncadd.s32 $0xFFFFE800  }
0x19: {  	_ =	swait.ge [sflag:s22], $0x1800  }
0x1a: {  	[sflag:s22] =	ssyncset.done $0x0  }
0x1b: {  	[sflag:s22] =	ssyncadd.s32 $0xFFFFE800  }
0x1c: {  	_ =	swait.ge [sflag:s31], $0x1800  }
0x1d: {  	s10 =	rddreg [dreg:$0xb]  }
0x1e: {  	s24 =	rddreg [dreg:$0xa];
	s10 =	sadd.s32 $0x1, s10  }
0x1f: {  	p0 =	sne.s32 s10, s24  }
.Ltmp1:
0x20: {  	_ = 	snop;
	(pc) =	sbr.rel @!p0 .LBB2_19-.Ltmp1, $3  }
0x21: {  	_ =	sdelay $0x1  }
0x22: {  	[sflag:s31] =	ssyncset.done $0x0  }
0x23: {  	[sflag:s31] =	ssyncadd.s32 $0xFFFFE800  }
.LBB2_1:
0x24: {  	[dreg:$0xb] =	wrdreg s10  }
0x25: {  	s2 =	rddreg [dreg:$0x2]  }
0x26: {  	[tilespmem:s1], [sflag:$0x1] =	stream.linear.gather [hbm4b:s2+s1], $0x100, $0x38;
	[tilespmem:$0x16E00] =	vst v63  }
0x27: {  	s16 =	rddreg [dreg:$0x3]  }
0x28: {  	[tilespmem:s20], [sflag:$0x1] =	stream.linear.gather [hbm4b:s16+s1], $0x100, $0x38;
	[tilespmem:$0x16E00] =	vst v63  }
0x29: {  	s24 =	rddreg [dreg:$0x4]  }
0x2a: {  	[tilespmem:s21], [sflag:$0x2] =	stream.linear.gather [hbm4b:s24+s1], $0x100, $0x38;
	[tilespmem:$0x16E00] =	vst v63  }
0x2b: {  	s10 =	rddreg [dreg:$0x5];
	s11 =	simm.s32 $0x400  }
0x2c: {  	[tilespmem:s11], [sflag:$0x2] =	stream.linear.gather [hbm4b:s10+s1], $0x100, $0x38;
	[tilespmem:$0x16E00] =	vst v63  }
0x2d: {  	s14 =	rddreg [dreg:$0x6]  }
0x2e: {  	[tilespmem:s23], [sflag:$0x3] =	stream.linear.gather [hbm4b:s14+s1], $0x100, $0x38;
	[tilespmem:$0x16E00] =	vst v63  }
0x2f: {  	s16 =	rddreg [dreg:$0x7];
	s24 =	simm.s32 $0x500  }
0x30: {  	[tilespmem:s24], [sflag:$0x3] =	stream.linear.gather [hbm4b:s16+s1], $0x100, $0x38;
	[tilespmem:$0x16E00] =	vst v63  }
0x31: {  	_ =	swait.ge [sflag:s25], $0x100  }
0x32: {  	[sflag:s25] =	ssyncset.done $0x0  }
0x33: {  	[sflag:s25] =	ssyncadd.s32 $0xFFFFFF00  }
0x34: {  	_ =	swait.ge [sflag:s25], $0x100  }
0x35: {  	[sflag:s25] =	ssyncset.done $0x0  }
0x36: {  	s10 =	simm.s32 $0x600;
	[sflag:s25] =	ssyncadd.s32 $0xFFFFFF00  }
0x37: {  	[tilespmem:s10], [sflag:$0x4] =	stream.indirect.gather [hbm4b:s3+s26], $0x60, s1, s26, $0xb8;
	[tilespmem:$0x16E00] =	vst v63  }
0x38: {  	s11 =	simm.s32 $0x3600  }
0x39: {  	[tilespmem:s11], [sflag:$0x4] =	stream.indirect.gather [hbm4b:s3+s26], $0x60, s26, s26, $0xb8;
	[tilespmem:$0x16E00] =	vst v63  }
0x3a: {  	_ =	swait.ge [sflag:s30], $0x100  }
0x3b: {  	[sflag:s30] =	ssyncset.done $0x0  }
0x3c: {  	[sflag:s30] =	ssyncadd.s32 $0xFFFFFF00  }
0x3d: {  	_ =	swait.ge [sflag:s30], $0x100  }
0x3e: {  	[sflag:s30] =	ssyncset.done $0x0  }
0x3f: {  	s14 =	simm.s32 $0x6600;
	[sflag:s30] =	ssyncadd.s32 $0xFFFFFF00  }
0x40: {  	[tilespmem:s14], [sflag:$0x5] =	stream.indirect.gather [hbm4b:s3+s26], $0x60, s21, s26, $0xb8;
	[tilespmem:$0x16E00] =	vst v63  }
0x41: {  	s2 =	simm.s32 $0x0;
	s16 =	simm.s32 $0x180;
	s24 =	simm.s32 $0x9600  }
0x42: {  	[tilespmem:s24], [sflag:$0x5] =	stream.indirect.gather [hbm4b:s3+s26], $0x60, s16, s26, $0xb8;
	[tilespmem:$0x16E00] =	vst v63  }
.LBB2_2:
0x43: {  	_ =	swait.ge [sflag:s8], $0x3000  }
0x44: {  	[sflag:s8] =	ssyncset.done $0x0  }
0x45: {  	[sflag:s8] =	ssyncadd.s32 $0xFFFFD000  }
0x46: {  	_ =	swait.ge [sflag:s8], $0x3000  }
0x47: {  	[sflag:s8] =	ssyncset.done $0x0  }
0x48: {  	[sflag:s8] =	ssyncadd.s32 $0xFFFFD000  }
0x49: {  	_ =	swait.ge [sflag:s9], $0x100  }
0x4a: {  	[sflag:s9] =	ssyncset.done $0x0  }
0x4b: {  	[sflag:s9] =	ssyncadd.s32 $0xFFFFFF00  }
0x4c: {  	_ =	swait.ge [sflag:s9], $0x100  }
0x4d: {  	[sflag:s9] =	ssyncset.done $0x0  }
0x4e: {  	s10 =	simm.s32 $0xC600;
	p1 =	seq.s32 s2, $0x0;
	[sflag:s9] =	ssyncadd.s32 $0xFFFFFF00  }
0x4f: {  	[tilespmem:s10], [sflag:$0x6] =	stream.indirect.gather [hbm4b:s3+s26], $0x60, s23, s26, $0xb8;
	[tilespmem:$0x16E00] =	vst v63  }
0x50: {  	s16 =	simm.s32 $0x280;
	s10 =	simm.s32 @!p1 $0x7  }
0x51: {  	[tilespmem:s12], [sflag:$0x6] =	stream.indirect.gather [hbm4b:s3+s26], $0x60, s16, s26, $0xb8;
	[tilespmem:$0x16E00] =	vst v63  }
0x52: {  	_ =	swait.ge @!p1 [sflag:s10], $0x1800  }
0x53: {  	[sflag:s10] =	ssyncset.done @!p1 $0x0  }
0x54: {  	s16 =	simm.s32 $0x0;
	[sflag:s10] =	ssyncadd.s32 @!p1 $0xFFFFE800  }
0x55: {  	v1 =	vld [tilespmem:s16+$0x3640]  }
0x56: {  	v6 =	vld [tilespmem:s16+$0x3610]  }
0x57: {  	v4 =	vld [tilespmem:s16+$0x1E50]  }
0x58: {  	v7 =	vld [tilespmem:s16+$0x1E40]  }
0x59: {  	v21 =	vld [tilespmem:s16+$0x650]  }
0x5a: {  	v20 =	vld [tilespmem:s16+$0x640]  }
0x5b: {  	v3 =	vld [tilespmem:s16+$0x3630]  }
0x5c: {  	v10 =	vld [tilespmem:s16+$0x620]  }
0x5d: {  	v15 =	vld [tilespmem:s16+$0x630]  }
0x5e: {  	v14 =	vld [tilespmem:s16+$0x1E20]  }
0x5f: {  	v17 =	vld [tilespmem:s16+$0x600]  }
0x60: {  	v16 =	vld [tilespmem:s16+$0x610]  }
0x61: {  	v0 =	vld [tilespmem:s16+$0x4E50]  }
0x62: {  	s24 =	simm.s32 $0x0;
	v2 =	vld [tilespmem:s16+$0x4E20]  }
0x63: {  	v12 =	vmov s24;
	v5 =	vld [tilespmem:s16+$0x4E30]  }
0x64: {  	v18 =	vor.u32 $0x40, v12;
	v8 =	vld [tilespmem:s16+$0x4E10]  }
0x65: {  	v11 =	vld [tilespmem:s16+$0x3620]  }
0x66: {  	v9 =	vld [tilespmem:s16+$0x4E00]  }
0x67: {  	v19 =	vor.u32 $0x80, v12;
	v13 =	vld [tilespmem:s16+$0x3600]  }
0x68: {  	v22 =	vld.idx.msk [tilespmem:v12+s20+$0x0], $0xffff  }
0x69: {  	v25 =	vld.idx.msk [tilespmem:v18+s20+$0x0], $0xffff  }
0x6a: {  	v18 =	vld [tilespmem:s16+$0x3650]  }
0x6b: {  	v27 =	vld [tilespmem:s16+$0x1E30];
	v12 =	vor.u32 $0xC0, v12  }
0x6c: {  	v23 =	vld.idx.msk [tilespmem:v19+s20+$0x0], $0xffff  }
0x6d: {  	v19 =	vld [tilespmem:s16+$0x4E40]  }
0x6e: {  	v26 =	vld [tilespmem:s16+$0x1E00];
	v24 =	vpack.i.f32.bf16 v22, v22  }
0x6f: {  	s14 =	smul.u32 $0x3, s2;
	s24 =	simm.s32 $0x180;
	s10 =	simm.s32 $0x1;
	v22 =	vpack.i.f32.bf16 v25, v25;
	v25 =	vld [tilespmem:s16+$0x1E10];
	v20 =	vmul.bf16 v20, v24;
	v21 =	vmul.bf16 v21, v24  }
.LBB2_3:
0x70: {  	v28 =	vmov s10;
	s11 =	sshra.s32 s24, $0x2;
	p0 =	sne.s32 s24, $0x5E80;
	s24 =	sadd.s32 $0x180, s24;
	v29 =	vld.idx.msk [tilespmem:v12+s20+$0x0], $0xffff;
	v15 =	vmul.bf16 v15, v24;
	v27 =	vmul.bf16 v27, v22  }
0x71: {  	v17 =	vmul.bf16 v17, v24;
	v14 =	vmul.bf16 v14, v22;
	v30 =	vor.u32 $0x40, v28;
	v31 =	vld [tilespmem:s11+$0x3640]  }
0x72: {  	v16 =	vmul.bf16 v16, v24;
	v34 =	vmul.bf16 v4, v22;
	v32 =	vor.u32 $0x80, v28;
	v33 =	vld [tilespmem:s11+$0x3610]  }
0x73: {  	v10 =	vmul.bf16 v10, v24;
	v12 =	vor.u32 $0xC0, v28;
	v4 =	vld [tilespmem:s11+$0x1E50];
	v26 =	vmul.bf16 v26, v22  }
0x74: {  	v23 =	vpack.i.f32.bf16 v23, v23;
	v27 =	vadd.bf16 v27, v15;
	v24 =	vld [tilespmem:s11+$0x1E40];
	v25 =	vmul.bf16 v25, v22  }
0x75: {  	v36 =	vmul.bf16 v6, v23;
	v35 =	vld [tilespmem:s11+$0x650];
	v26 =	vadd.bf16 v26, v17;
	v17 =	vmul.bf16 v3, v23  }
0x76: {  	v38 =	vadd.bf16 v14, v10;
	v14 =	vmul.bf16 v7, v22;
	v29 =	vpack.i.f32.bf16 v29, v29;
	v37 =	vld [tilespmem:s11+$0x640]  }
0x77: {  	v21 =	vadd.bf16 v34, v21;
	v22 =	vmul.bf16 v1, v23;
	v16 =	vadd.bf16 v25, v16;
	v1 =	vmovc v31;
	v3 =	vld [tilespmem:s11+$0x3630]  }
0x78: {  	v18 =	vmul.bf16 v18, v23;
	v20 =	vadd.bf16 v14, v20;
	v19 =	vmul.bf16 v19, v29;
	v6 =	vmovc v33;
	v10 =	vld [tilespmem:s11+$0x620]  }
0x79: {  	v13 =	vmul.bf16 v13, v23;
	v9 =	vmul.bf16 v9, v29;
	v25 =	vadd.bf16 v17, v27;
	v15 =	vld [tilespmem:s11+$0x630];
	v7 =	vmovc v24  }
0x7a: {  	v11 =	vmul.bf16 v11, v23;
	v18 =	vadd.bf16 v18, v21;
	v20 =	vadd.bf16 v22, v20;
	v14 =	vld [tilespmem:s11+$0x1E20]  }
0x7b: {  	v8 =	vmul.bf16 v8, v29;
	v5 =	vmul.bf16 v5, v29;
	v21 =	vadd.bf16 v36, v16;
	v17 =	vld [tilespmem:s11+$0x600]  }
0x7c: {  	v11 =	vadd.bf16 v11, v38;
	v22 =	vmul.bf16 v2, v29;
	v19 =	vadd.bf16 v19, v20;
	v16 =	vld [tilespmem:s11+$0x610]  }
0x7d: {  	v20 =	vadd.bf16 v5, v25;
	v8 =	vadd.bf16 v8, v21;
	v21 =	vmul.bf16 v0, v29;
	v0 =	vld [tilespmem:s11+$0x4E50]  }
0x7e: {  	v13 =	vadd.bf16 v13, v26;
	v22 =	vadd.bf16 v22, v11;
	v2 =	vld [tilespmem:s11+$0x4E20];
	[tilespmem:s16+$0x12640] =	vst v19  }
0x7f: {  	v18 =	vadd.bf16 v21, v18;
	v5 =	vld [tilespmem:s11+$0x4E30];
	[tilespmem:s16+$0x12610] =	vst v8  }
0x80: {  	v19 =	vadd.bf16 v9, v13;
	v8 =	vld [tilespmem:s11+$0x4E10];
	[tilespmem:s16+$0x12630] =	vst v20  }
0x81: {  	v11 =	vld [tilespmem:s11+$0x3620];
	[tilespmem:s16+$0x12650] =	vst v18  }
0x82: {  	v9 =	vld [tilespmem:s11+$0x4E00];
	[tilespmem:s16+$0x12620] =	vst v22  }
0x83: {  	v13 =	vld [tilespmem:s11+$0x3600];
	[tilespmem:s16+$0x12600] =	vst v19;
	s16 =	smov.u32 s11  }
0x84: {  	v20 =	vld.idx.msk [tilespmem:v28+s20+$0x0], $0xffff  }
0x85: {  	v21 =	vld.idx.msk [tilespmem:v30+s20+$0x0], $0xffff  }
0x86: {  	v18 =	vld [tilespmem:s16+$0x3650]  }
.Ltmp2:
0x87: {  	v27 =	vld [tilespmem:s16+$0x1E30];
	(pc) =	sbr.rel @p0 .LBB2_3-.Ltmp2, $4  }
0x88: {  	v23 =	vld.idx.msk [tilespmem:v32+s20+$0x0], $0xffff  }
0x89: {  	v19 =	vld [tilespmem:s16+$0x4E40]  }
0x8a: {  	v24 =	vpack.i.f32.bf16 v20, v20;
	v26 =	vld [tilespmem:s16+$0x1E00]  }
0x8b: {  	s10 =	sadd.s32 $0x1, s10;
	v22 =	vpack.i.f32.bf16 v21, v21;
	v20 =	vmul.bf16 v37, v24;
	v21 =	vmul.bf16 v35, v24;
	v25 =	vld [tilespmem:s16+$0x1E10]  }
0x8c: {  	_ = 	snop  }
0x8d: {  	v15 =	vmul.bf16 v15, v24  }
0x8e: {  	v27 =	vmul.bf16 v27, v22;
	v17 =	vmul.bf16 v17, v24  }
0x8f: {  	v14 =	vmul.bf16 v14, v22;
	v16 =	vmul.bf16 v16, v24  }
0x90: {  	v12 =	vld.idx.msk [tilespmem:v12+s20+$0x0], $0xffff;
	v4 =	vmul.bf16 v4, v22;
	v10 =	vmul.bf16 v10, v24  }
0x91: {  	v7 =	vmul.bf16 v7, v22;
	v23 =	vpack.i.f32.bf16 v23, v23;
	v15 =	vadd.bf16 v27, v15  }
0x92: {  	v6 =	vmul.bf16 v6, v23;
	v3 =	vmul.bf16 v3, v23;
	v10 =	vadd.bf16 v14, v10  }
0x93: {  	v1 =	vmul.bf16 v1, v23;
	v7 =	vadd.bf16 v7, v20;
	v18 =	vmul.bf16 v18, v23  }
0x94: {  	v4 =	vadd.bf16 v4, v21;
	v13 =	vmul.bf16 v13, v23;
	v60 =	vmul.bf16 v11, v23  }
0x95: {  	v26 =	vmul.bf16 v26, v22;
	v56 =	vmul.bf16 v25, v22;
	v12 =	vpack.i.f32.bf16 v12, v12  }
0x96: {  	v1 =	vadd.bf16 v1, v7;
	v3 =	vadd.bf16 v3, v15;
	v58 =	vmul.bf16 v19, v12  }
0x97: {  	v4 =	vadd.bf16 v18, v4;
	v61 =	vadd.bf16 v60, v10;
	v5 =	vmul.bf16 v5, v12  }
0x98: {  	v57 =	vadd.bf16 v56, v16;
	v0 =	vmul.bf16 v0, v12;
	v1 =	vadd.bf16 v58, v1  }
0x99: {  	v17 =	vadd.bf16 v26, v17;
	v2 =	vmul.bf16 v2, v12;
	v3 =	vadd.bf16 v5, v3  }
0x9a: {  	v59 =	vmul.bf16 v8, v12;
	v6 =	vadd.bf16 v6, v57;
	v0 =	vadd.bf16 v0, v4;
	[tilespmem:s16+$0x12640] =	vst v1  }
0x9b: {  	p0 =	seq.s32 s2, $0x2F;
	v62 =	vmul.bf16 v9, v12;
	v63 =	vadd.bf16 v13, v17;
	v2 =	vadd.bf16 v2, v61;
	[tilespmem:s16+$0x12630] =	vst v3  }
.Ltmp3:
0x9c: {  	s10 =	sadd.s32 s7, s14;
	v6 =	vadd.bf16 v59, v6;
	[tilespmem:s16+$0x12650] =	vst v0;
	(pc) =	sbr.rel @!p0 .LBB2_5-.Ltmp3, $4  }
0x9d: {  	s10 =	smul.u32 $0x300, s10;
	v1 =	vadd.bf16 v62, v63;
	[tilespmem:s16+$0x12620] =	vst v2  }
0x9e: {  	[tilespmem:s16+$0x12610] =	vst v6  }
0x9f: {  	s10 =	sadd.s32 s6, s10;
	[tilespmem:s16+$0x12600] =	vst v1  }
0xa0: {  	[hbm4b:s10+s1] =	stream.linear.scatter [tilespmem:s13], [sflag:$0x7], $0x1800, $0x38;
	[tilespmem:$0x16E00] =	vst v63  }
0xa1: {  	_ =	swait.ge [sflag:s19], $0x3000  }
.Ltmp4:
0xa2: {  	[sflag:s19] =	ssyncset.done $0x0;
	(pc) =	sbr.rel .LBB2_7-.Ltmp4, $4  }
0xa3: {  	[sflag:s19] =	ssyncadd.s32 $0xFFFFD000  }
0xa4: {  	_ =	swait.ge [sflag:s19], $0x3000  }
0xa5: {  	[sflag:s19] =	ssyncset.done $0x0  }
0xa6: {  	[sflag:s19] =	ssyncadd.s32 $0xFFFFD000  }
.LBB2_5:
0xa7: {  	s10 =	rddreg [dreg:$0x8]  }
0xa8: {  	s10 =	sadd.s32 s14, s10  }
0xa9: {  	s10 =	sshll.u32 s10, $0x5  }
0xaa: {  	s10 =	sand.u32 $0x1FFFFFE0, s10  }
0xab: {  	s11 =	sadd.s32 s4, s10  }
0xac: {  	[tilespmem:s1], [sflag:$0x1] =	stream.linear.gather [hbm4b:s11+s1], $0x100, $0x38;
	[tilespmem:$0x16E00] =	vst v63  }
0xad: {  	s10 =	sadd.s32 s5, s10  }
0xae: {  	[tilespmem:s20], [sflag:$0x1] =	stream.linear.gather [hbm4b:s10+s1], $0x100, $0x38;
	[tilespmem:$0x16E00] =	vst v63  }
0xaf: {  	_ =	swait.ge [sflag:s19], $0x3000  }
0xb0: {  	[sflag:s19] =	ssyncset.done $0x0  }
0xb1: {  	[sflag:s19] =	ssyncadd.s32 $0xFFFFD000  }
0xb2: {  	_ =	swait.ge [sflag:s19], $0x3000  }
0xb3: {  	[sflag:s19] =	ssyncset.done $0x0  }
0xb4: {  	[sflag:s19] =	ssyncadd.s32 $0xFFFFD000  }
0xb5: {  	_ =	swait.ge [sflag:s25], $0x100  }
0xb6: {  	[sflag:s25] =	ssyncset.done $0x0  }
0xb7: {  	[sflag:s25] =	ssyncadd.s32 $0xFFFFFF00  }
0xb8: {  	_ =	swait.ge [sflag:s25], $0x100  }
.Ltmp5:
0xb9: {  	[sflag:s25] =	ssyncset.done $0x0;
	(pc) =	sbr.rel @p1 .LBB2_8-.Ltmp5, $4  }
0xba: {  	s16 =	simm.s32 $0x600;
	[sflag:s25] =	ssyncadd.s32 $0xFFFFFF00  }
0xbb: {  	[tilespmem:s16], [sflag:$0x4] =	stream.indirect.gather [hbm4b:s3+s26], $0x60, s1, s26, $0xb8;
	[tilespmem:$0x16E00] =	vst v63  }
0xbc: {  	s24 =	simm.s32 $0x3600  }
0xbd: {  	[tilespmem:s24], [sflag:$0x4] =	stream.indirect.gather [hbm4b:s3+s26], $0x60, s26, s26, $0xb8;
	[tilespmem:$0x16E00] =	vst v63  }
.LBB2_7:
0xbe: {  	_ =	swait.ge [sflag:s22], $0x1800  }
0xbf: {  	[sflag:s22] =	ssyncset.done $0x0  }
0xc0: {  	[sflag:s22] =	ssyncadd.s32 $0xFFFFE800  }
.LBB2_8:
0xc1: {  	s16 =	simm.s32 $0x0  }
0xc2: {  	v1 =	vld [tilespmem:s16+$0x9630]  }
0xc3: {  	v0 =	vld [tilespmem:s16+$0xAE40]  }
0xc4: {  	v20 =	vld [tilespmem:s16+$0x6620]  }
0xc5: {  	v4 =	vld [tilespmem:s16+$0x9620]  }
0xc6: {  	v3 =	vld [tilespmem:s16+$0x9610]  }
0xc7: {  	v5 =	vld [tilespmem:s16+$0x9640]  }
0xc8: {  	v10 =	vld [tilespmem:s16+$0x6640]  }
0xc9: {  	v8 =	vld [tilespmem:s16+$0x7E00]  }
0xca: {  	v9 =	vld [tilespmem:s16+$0x6600]  }
0xcb: {  	v17 =	vld [tilespmem:s16+$0x6610]  }
0xcc: {  	v7 =	vld [tilespmem:s16+$0xAE50]  }
0xcd: {  	v2 =	vld [tilespmem:s16+$0x9650]  }
0xce: {  	s10 =	simm.s32 $0x0;
	v6 =	vld [tilespmem:s16+$0xAE20]  }
0xcf: {  	v11 =	vmov s10;
	v22 =	vld [tilespmem:s16+$0x6650]  }
0xd0: {  	v16 =	vld [tilespmem:s16+$0x6630];
	v12 =	vor.u32 $0x100, v11  }
0xd1: {  	v13 =	vld [tilespmem:s16+$0x7E30];
	v14 =	vor.u32 $0x140, v11  }
0xd2: {  	v15 =	vld [tilespmem:s16+$0x7E40]  }
0xd3: {  	v18 =	vld [tilespmem:s16+$0x7E50]  }
0xd4: {  	v27 =	vld [tilespmem:s16+$0x7E20];
	v19 =	vor.u32 $0x1C0, v11  }
0xd5: {  	v23 =	vld.idx.msk [tilespmem:v12+s20+$0x0], $0xffff  }
0xd6: {  	v24 =	vld.idx.msk [tilespmem:v14+s20+$0x0], $0xffff  }
0xd7: {  	v26 =	vor.u32 $0x180, v11;
	v11 =	vld [tilespmem:s16+$0x9600]  }
0xd8: {  	v12 =	vld [tilespmem:s16+$0xAE30]  }
0xd9: {  	v21 =	vld.idx.msk [tilespmem:v19+s20+$0x0], $0xffff  }
0xda: {  	v14 =	vld [tilespmem:s16+$0xAE00];
	v23 =	vpack.i.f32.bf16 v23, v23  }
0xdb: {  	v19 =	vpack.i.f32.bf16 v24, v24;
	v24 =	vld [tilespmem:s16+$0x7E10];
	v17 =	vmul.bf16 v17, v23;
	v25 =	vmul.bf16 v20, v23  }
0xdc: {  	s24 =	simm.s32 $0x180;
	s10 =	simm.s32 $0x1;
	v20 =	vld.idx.msk [tilespmem:v26+s20+$0x0], $0xffff;
	v26 =	vmul.bf16 v27, v19;
	v22 =	vmul.bf16 v22, v23  }
.LBB2_9:
0xdd: {  	v27 =	vmov s10;
	s11 =	sshra.s32 s24, $0x2;
	p2 =	sne.s32 s24, $0x5E80;
	s24 =	sadd.s32 $0x180, s24;
	v28 =	vld [tilespmem:s16+$0xAE10];
	v29 =	vmul.bf16 v10, v23;
	v10 =	vmul.bf16 v18, v19  }
0xde: {  	v16 =	vmul.bf16 v16, v23;
	v30 =	vor.u32 $0x100, v27;
	v18 =	vld [tilespmem:s11+$0x9630];
	v25 =	vadd.bf16 v26, v25  }
0xdf: {  	v9 =	vmul.bf16 v9, v23;
	v26 =	vor.u32 $0x140, v27;
	v21 =	vpack.i.f32.bf16 v21, v21;
	v31 =	vld [tilespmem:s11+$0xAE40]  }
0xe0: {  	v15 =	vmul.bf16 v15, v19;
	v32 =	vor.u32 $0x180, v27;
	v33 =	vld [tilespmem:s11+$0x6620];
	v23 =	vmul.bf16 v24, v19  }
0xe1: {  	v34 =	vmul.bf16 v8, v19;
	v13 =	vmul.bf16 v13, v19;
	v24 =	vor.u32 $0x1C0, v27;
	v27 =	vld [tilespmem:s11+$0x9620]  }
0xe2: {  	v22 =	vadd.bf16 v10, v22;
	v35 =	vmul.bf16 v7, v21;
	v20 =	vpack.i.f32.bf16 v20, v20;
	v19 =	vld [tilespmem:s11+$0x9610]  }
0xe3: {  	v14 =	vmul.bf16 v14, v21;
	v17 =	vadd.bf16 v23, v17;
	v23 =	vmul.bf16 v1, v20;
	v36 =	vld [tilespmem:s11+$0x9640];
	v1 =	vmovc v18  }
0xe4: {  	v15 =	vadd.bf16 v15, v29;
	v7 =	vmul.bf16 v4, v20;
	v18 =	vmul.bf16 v0, v21;
	v10 =	vld [tilespmem:s11+$0x6640];
	v0 =	vmovc v31  }
0xe5: {  	v29 =	vadd.bf16 v34, v9;
	v28 =	vmul.bf16 v28, v21;
	v34 =	vmul.bf16 v5, v20;
	v8 =	vld [tilespmem:s11+$0x7E00]  }
0xe6: {  	v13 =	vadd.bf16 v13, v16;
	v12 =	vmul.bf16 v12, v21;
	v31 =	vmul.bf16 v3, v20;
	v9 =	vld [tilespmem:s11+$0x6600];
	v4 =	vmovc v27  }
0xe7: {  	v6 =	vmul.bf16 v6, v21;
	v11 =	vmul.bf16 v11, v20;
	v16 =	vadd.bf16 v7, v25;
	v27 =	vld [tilespmem:s11+$0x6610];
	v3 =	vmovc v19  }
0xe8: {  	v15 =	vadd.bf16 v34, v15;
	v17 =	vadd.bf16 v31, v17;
	v19 =	vmul.bf16 v2, v20;
	v7 =	vld [tilespmem:s11+$0xAE50];
	v5 =	vmovc v36  }
0xe9: {  	v11 =	vadd.bf16 v11, v29;
	v16 =	vadd.bf16 v6, v16  }
0xea: {  	v13 =	vadd.bf16 v23, v13;
	v17 =	vadd.bf16 v28, v17;
	v2 =	vld [tilespmem:s11+$0x9650]  }
0xeb: {  	v15 =	vadd.bf16 v18, v15;
	v18 =	vadd.bf16 v19, v22;
	v6 =	vld [tilespmem:s11+$0xAE20];
	[tilespmem:s16+$0x13E20] =	vst v16  }
0xec: {  	v11 =	vadd.bf16 v14, v11;
	v12 =	vadd.bf16 v12, v13;
	v22 =	vld [tilespmem:s11+$0x6650];
	[tilespmem:s16+$0x13E10] =	vst v17  }
0xed: {  	v14 =	vadd.bf16 v35, v18;
	v16 =	vld [tilespmem:s11+$0x6630];
	[tilespmem:s16+$0x13E40] =	vst v15  }
0xee: {  	v13 =	vld [tilespmem:s11+$0x7E30];
	[tilespmem:s16+$0x13E30] =	vst v12  }
0xef: {  	v15 =	vld [tilespmem:s11+$0x7E40];
	[tilespmem:s16+$0x13E50] =	vst v14  }
0xf0: {  	v18 =	vld [tilespmem:s11+$0x7E50];
	[tilespmem:s16+$0x13E00] =	vst v11;
	s16 =	smov.u32 s11  }
0xf1: {  	v14 =	vld.idx.msk [tilespmem:v30+s20+$0x0], $0xffff  }
0xf2: {  	v17 =	vld.idx.msk [tilespmem:v26+s20+$0x0], $0xffff  }
0xf3: {  	v12 =	vld [tilespmem:s16+$0xAE30]  }
0xf4: {  	v26 =	vld [tilespmem:s16+$0x7E20]  }
.Ltmp6:
0xf5: {  	v11 =	vld [tilespmem:s16+$0x9600];
	(pc) =	sbr.rel @p2 .LBB2_9-.Ltmp6, $4  }
0xf6: {  	v21 =	vld.idx.msk [tilespmem:v24+s20+$0x0], $0xffff  }
0xf7: {  	v23 =	vpack.i.f32.bf16 v14, v14;
	v14 =	vld [tilespmem:s16+$0xAE00]  }
0xf8: {  	v19 =	vpack.i.f32.bf16 v17, v17;
	v17 =	vmul.bf16 v27, v23;
	v25 =	vmul.bf16 v33, v23;
	v24 =	vld [tilespmem:s16+$0x7E10]  }
0xf9: {  	s10 =	sadd.s32 $0x1, s10;
	v22 =	vmul.bf16 v22, v23;
	v20 =	vld.idx.msk [tilespmem:v32+s20+$0x0], $0xffff;
	v26 =	vmul.bf16 v26, v19  }
0xfa: {  	v10 =	vmul.bf16 v10, v23  }
0xfb: {  	v18 =	vmul.bf16 v18, v19;
	v16 =	vmul.bf16 v16, v23  }
0xfc: {  	v9 =	vmul.bf16 v9, v23;
	v15 =	vmul.bf16 v15, v19  }
0xfd: {  	v8 =	vmul.bf16 v8, v19;
	v13 =	vmul.bf16 v13, v19;
	v25 =	vadd.bf16 v26, v25  }
0xfe: {  	v27 =	vld [tilespmem:s16+$0xAE10];
	v21 =	vpack.i.f32.bf16 v21, v21;
	v18 =	vadd.bf16 v18, v22;
	v10 =	vadd.bf16 v15, v10  }
0xff: {  	v0 =	vmul.bf16 v0, v21;
	v56 =	vmul.bf16 v24, v19;
	v57 =	vpack.i.f32.bf16 v20, v20  }
0x100: {  	v8 =	vadd.bf16 v8, v9;
	v6 =	vmul.bf16 v6, v21;
	v4 =	vmul.bf16 v4, v57  }
0x101: {  	v13 =	vadd.bf16 v13, v16;
	v17 =	vadd.bf16 v56, v17;
	v3 =	vmul.bf16 v3, v57  }
0x102: {  	v12 =	vmul.bf16 v12, v21;
	v5 =	vmul.bf16 v5, v57;
	v4 =	vadd.bf16 v4, v25  }
0x103: {  	v1 =	vmul.bf16 v1, v57;
	v58 =	vmul.bf16 v27, v21;
	v3 =	vadd.bf16 v3, v17  }
0x104: {  	v2 =	vmul.bf16 v2, v57;
	v5 =	vadd.bf16 v5, v10;
	v4 =	vadd.bf16 v6, v4  }
0x105: {  	v59 =	vmul.bf16 v11, v57;
	v1 =	vadd.bf16 v1, v13;
	v3 =	vadd.bf16 v58, v3  }
0x106: {  	v7 =	vmul.bf16 v7, v21;
	v2 =	vadd.bf16 v2, v18;
	v0 =	vadd.bf16 v0, v5;
	[tilespmem:s16+$0x13E20] =	vst v4  }
0x107: {  	p2 =	sne.s32 s2, $0x2F;
	v60 =	vmul.bf16 v14, v21;
	v61 =	vadd.bf16 v59, v8;
	v1 =	vadd.bf16 v12, v1;
	[tilespmem:s16+$0x13E10] =	vst v3  }
.Ltmp7:
0x108: {  	s10 =	sadd.s32 s14, s15;
	v62 =	vadd.bf16 v7, v2;
	[tilespmem:s16+$0x13E40] =	vst v0;
	(pc) =	sbr.rel @p2 .LBB2_12-.Ltmp7, $4  }
0x109: {  	s10 =	smul.u32 $0x300, s10;
	v63 =	vadd.bf16 v60, v61;
	[tilespmem:s16+$0x13E30] =	vst v1  }
0x10a: {  	[tilespmem:s16+$0x13E50] =	vst v62  }
0x10b: {  	s10 =	sadd.s32 s6, s10;
	[tilespmem:s16+$0x13E00] =	vst v63  }
0x10c: {  	[hbm4b:s10+s1] =	stream.linear.scatter [tilespmem:s28], [sflag:$0x8], $0x1800, $0x38;
	[tilespmem:$0x16E00] =	vst v63  }
0x10d: {  	_ =	swait.ge [sflag:s29], $0x3000  }
.Ltmp8:
0x10e: {  	[sflag:s29] =	ssyncset.done $0x0;
	(pc) =	sbr.rel .LBB2_13-.Ltmp8, $4  }
0x10f: {  	[sflag:s29] =	ssyncadd.s32 $0xFFFFD000  }
0x110: {  	_ =	swait.ge [sflag:s29], $0x3000  }
0x111: {  	[sflag:s29] =	ssyncset.done $0x0  }
0x112: {  	[sflag:s29] =	ssyncadd.s32 $0xFFFFD000  }
.LBB2_12:
0x113: {  	s10 =	rddreg [dreg:$0x9]  }
0x114: {  	s10 =	sadd.s32 s14, s10  }
0x115: {  	s10 =	sshll.u32 s10, $0x5  }
0x116: {  	s10 =	sand.u32 $0x1FFFFFE0, s10  }
0x117: {  	s11 =	sadd.s32 s4, s10  }
0x118: {  	[tilespmem:s21], [sflag:$0x2] =	stream.linear.gather [hbm4b:s11+s1], $0x100, $0x38;
	[tilespmem:$0x16E00] =	vst v63  }
0x119: {  	s24 =	simm.s32 $0x400;
	s10 =	sadd.s32 s5, s10  }
0x11a: {  	[tilespmem:s24], [sflag:$0x2] =	stream.linear.gather [hbm4b:s10+s1], $0x100, $0x38;
	[tilespmem:$0x16E00] =	vst v63  }
0x11b: {  	_ =	swait.ge [sflag:s29], $0x3000  }
0x11c: {  	[sflag:s29] =	ssyncset.done $0x0  }
0x11d: {  	[sflag:s29] =	ssyncadd.s32 $0xFFFFD000  }
0x11e: {  	_ =	swait.ge [sflag:s29], $0x3000  }
0x11f: {  	[sflag:s29] =	ssyncset.done $0x0  }
0x120: {  	[sflag:s29] =	ssyncadd.s32 $0xFFFFD000  }
0x121: {  	_ =	swait.ge [sflag:s30], $0x100  }
0x122: {  	[sflag:s30] =	ssyncset.done $0x0  }
0x123: {  	[sflag:s30] =	ssyncadd.s32 $0xFFFFFF00  }
0x124: {  	_ =	swait.ge [sflag:s30], $0x100  }
.Ltmp9:
0x125: {  	[sflag:s30] =	ssyncset.done $0x0;
	(pc) =	sbr.rel @p1 .LBB2_14-.Ltmp9, $4  }
0x126: {  	s11 =	simm.s32 $0x6600;
	[sflag:s30] =	ssyncadd.s32 $0xFFFFFF00  }
0x127: {  	[tilespmem:s11], [sflag:$0x5] =	stream.indirect.gather [hbm4b:s3+s26], $0x60, s21, s26, $0xb8;
	[tilespmem:$0x16E00] =	vst v63  }
0x128: {  	s16 =	simm.s32 $0x180;
	s24 =	simm.s32 $0x9600  }
0x129: {  	[tilespmem:s24], [sflag:$0x5] =	stream.indirect.gather [hbm4b:s3+s26], $0x60, s16, s26, $0xb8;
	[tilespmem:$0x16E00] =	vst v63  }
.LBB2_13:
0x12a: {  	_ =	swait.ge [sflag:s31], $0x1800  }
0x12b: {  	[sflag:s31] =	ssyncset.done $0x0  }
0x12c: {  	[sflag:s31] =	ssyncadd.s32 $0xFFFFE800  }
.LBB2_14:
0x12d: {  	s16 =	simm.s32 $0x0  }
0x12e: {  	v1 =	vld [tilespmem:s16+$0xF630]  }
0x12f: {  	v0 =	vld [tilespmem:s16+$0x10E40]  }
0x130: {  	v20 =	vld [tilespmem:s16+$0xC620]  }
0x131: {  	v4 =	vld [tilespmem:s16+$0xF620]  }
0x132: {  	v3 =	vld [tilespmem:s16+$0xF610]  }
0x133: {  	v5 =	vld [tilespmem:s16+$0xF640]  }
0x134: {  	v10 =	vld [tilespmem:s16+$0xC640]  }
0x135: {  	v8 =	vld [tilespmem:s16+$0xDE00]  }
0x136: {  	v9 =	vld [tilespmem:s16+$0xC600]  }
0x137: {  	v17 =	vld [tilespmem:s16+$0xC610]  }
0x138: {  	v7 =	vld [tilespmem:s16+$0x10E50]  }
0x139: {  	v2 =	vld [tilespmem:s16+$0xF650]  }
0x13a: {  	s10 =	simm.s32 $0x0;
	v6 =	vld [tilespmem:s16+$0x10E20]  }
0x13b: {  	v11 =	vmov s10;
	v22 =	vld [tilespmem:s16+$0xC650]  }
0x13c: {  	v16 =	vld [tilespmem:s16+$0xC630];
	v12 =	vor.u32 $0x200, v11  }
0x13d: {  	v13 =	vld [tilespmem:s16+$0xDE30];
	v14 =	vor.u32 $0x240, v11  }
0x13e: {  	v15 =	vld [tilespmem:s16+$0xDE40]  }
0x13f: {  	v18 =	vld [tilespmem:s16+$0xDE50]  }
0x140: {  	v27 =	vld [tilespmem:s16+$0xDE20];
	v19 =	vor.u32 $0x2C0, v11  }
0x141: {  	v23 =	vld.idx.msk [tilespmem:v12+s20+$0x0], $0xffff  }
0x142: {  	v24 =	vld.idx.msk [tilespmem:v14+s20+$0x0], $0xffff  }
0x143: {  	v26 =	vor.u32 $0x280, v11;
	v11 =	vld [tilespmem:s16+$0xF600]  }
0x144: {  	v12 =	vld [tilespmem:s16+$0x10E30]  }
0x145: {  	v21 =	vld.idx.msk [tilespmem:v19+s20+$0x0], $0xffff  }
0x146: {  	v14 =	vld [tilespmem:s16+$0x10E00];
	v23 =	vpack.i.f32.bf16 v23, v23  }
0x147: {  	v19 =	vpack.i.f32.bf16 v24, v24;
	v24 =	vld [tilespmem:s16+$0xDE10];
	v17 =	vmul.bf16 v17, v23;
	v25 =	vmul.bf16 v20, v23  }
0x148: {  	s24 =	simm.s32 $0x180;
	s10 =	simm.s32 $0x1;
	v20 =	vld.idx.msk [tilespmem:v26+s20+$0x0], $0xffff;
	v26 =	vmul.bf16 v27, v19;
	v22 =	vmul.bf16 v22, v23  }
.LBB2_15:
0x149: {  	v27 =	vmov s10;
	s11 =	sshra.s32 s24, $0x2;
	p1 =	sne.s32 s24, $0x5E80;
	s24 =	sadd.s32 $0x180, s24;
	v28 =	vld [tilespmem:s16+$0x10E10];
	v29 =	vmul.bf16 v10, v23;
	v10 =	vmul.bf16 v18, v19  }
0x14a: {  	v16 =	vmul.bf16 v16, v23;
	v30 =	vor.u32 $0x200, v27;
	v18 =	vld [tilespmem:s11+$0xF630];
	v25 =	vadd.bf16 v26, v25  }
0x14b: {  	v9 =	vmul.bf16 v9, v23;
	v26 =	vor.u32 $0x240, v27;
	v21 =	vpack.i.f32.bf16 v21, v21;
	v31 =	vld [tilespmem:s11+$0x10E40]  }
0x14c: {  	v15 =	vmul.bf16 v15, v19;
	v32 =	vor.u32 $0x280, v27;
	v33 =	vld [tilespmem:s11+$0xC620];
	v23 =	vmul.bf16 v24, v19  }
0x14d: {  	v34 =	vmul.bf16 v8, v19;
	v13 =	vmul.bf16 v13, v19;
	v24 =	vor.u32 $0x2C0, v27;
	v27 =	vld [tilespmem:s11+$0xF620]  }
0x14e: {  	v22 =	vadd.bf16 v10, v22;
	v35 =	vmul.bf16 v7, v21;
	v20 =	vpack.i.f32.bf16 v20, v20;
	v19 =	vld [tilespmem:s11+$0xF610]  }
0x14f: {  	v14 =	vmul.bf16 v14, v21;
	v17 =	vadd.bf16 v23, v17;
	v23 =	vmul.bf16 v1, v20;
	v36 =	vld [tilespmem:s11+$0xF640];
	v1 =	vmovc v18  }
0x150: {  	v15 =	vadd.bf16 v15, v29;
	v7 =	vmul.bf16 v4, v20;
	v18 =	vmul.bf16 v0, v21;
	v10 =	vld [tilespmem:s11+$0xC640];
	v0 =	vmovc v31  }
0x151: {  	v29 =	vadd.bf16 v34, v9;
	v28 =	vmul.bf16 v28, v21;
	v34 =	vmul.bf16 v5, v20;
	v8 =	vld [tilespmem:s11+$0xDE00]  }
0x152: {  	v13 =	vadd.bf16 v13, v16;
	v12 =	vmul.bf16 v12, v21;
	v31 =	vmul.bf16 v3, v20;
	v9 =	vld [tilespmem:s11+$0xC600];
	v4 =	vmovc v27  }
0x153: {  	v6 =	vmul.bf16 v6, v21;
	v11 =	vmul.bf16 v11, v20;
	v16 =	vadd.bf16 v7, v25;
	v27 =	vld [tilespmem:s11+$0xC610];
	v3 =	vmovc v19  }
0x154: {  	v15 =	vadd.bf16 v34, v15;
	v17 =	vadd.bf16 v31, v17;
	v19 =	vmul.bf16 v2, v20;
	v7 =	vld [tilespmem:s11+$0x10E50];
	v5 =	vmovc v36  }
0x155: {  	v11 =	vadd.bf16 v11, v29;
	v16 =	vadd.bf16 v6, v16  }
0x156: {  	v13 =	vadd.bf16 v23, v13;
	v17 =	vadd.bf16 v28, v17;
	v2 =	vld [tilespmem:s11+$0xF650]  }
0x157: {  	v15 =	vadd.bf16 v18, v15;
	v18 =	vadd.bf16 v19, v22;
	v6 =	vld [tilespmem:s11+$0x10E20];
	[tilespmem:s16+$0x15620] =	vst v16  }
0x158: {  	v11 =	vadd.bf16 v14, v11;
	v12 =	vadd.bf16 v12, v13;
	v22 =	vld [tilespmem:s11+$0xC650];
	[tilespmem:s16+$0x15610] =	vst v17  }
0x159: {  	v14 =	vadd.bf16 v35, v18;
	v16 =	vld [tilespmem:s11+$0xC630];
	[tilespmem:s16+$0x15640] =	vst v15  }
0x15a: {  	v13 =	vld [tilespmem:s11+$0xDE30];
	[tilespmem:s16+$0x15630] =	vst v12  }
0x15b: {  	v15 =	vld [tilespmem:s11+$0xDE40];
	[tilespmem:s16+$0x15650] =	vst v14  }
0x15c: {  	v18 =	vld [tilespmem:s11+$0xDE50];
	[tilespmem:s16+$0x15600] =	vst v11;
	s16 =	smov.u32 s11  }
0x15d: {  	v14 =	vld.idx.msk [tilespmem:v30+s20+$0x0], $0xffff  }
0x15e: {  	v17 =	vld.idx.msk [tilespmem:v26+s20+$0x0], $0xffff  }
0x15f: {  	v12 =	vld [tilespmem:s16+$0x10E30]  }
0x160: {  	v26 =	vld [tilespmem:s16+$0xDE20]  }
.Ltmp10:
0x161: {  	v11 =	vld [tilespmem:s16+$0xF600];
	(pc) =	sbr.rel @p1 .LBB2_15-.Ltmp10, $4  }
0x162: {  	v21 =	vld.idx.msk [tilespmem:v24+s20+$0x0], $0xffff  }
0x163: {  	v23 =	vpack.i.f32.bf16 v14, v14;
	v14 =	vld [tilespmem:s16+$0x10E00]  }
0x164: {  	v19 =	vpack.i.f32.bf16 v17, v17;
	v17 =	vmul.bf16 v27, v23;
	v25 =	vmul.bf16 v33, v23;
	v24 =	vld [tilespmem:s16+$0xDE10]  }
0x165: {  	s10 =	sadd.s32 $0x1, s10;
	v22 =	vmul.bf16 v22, v23;
	v20 =	vld.idx.msk [tilespmem:v32+s20+$0x0], $0xffff;
	v26 =	vmul.bf16 v26, v19  }
0x166: {  	v10 =	vmul.bf16 v10, v23  }
0x167: {  	v18 =	vmul.bf16 v18, v19;
	v16 =	vmul.bf16 v16, v23  }
0x168: {  	v9 =	vmul.bf16 v9, v23;
	v15 =	vmul.bf16 v15, v19  }
0x169: {  	v8 =	vmul.bf16 v8, v19;
	v13 =	vmul.bf16 v13, v19;
	v25 =	vadd.bf16 v26, v25  }
0x16a: {  	v27 =	vld [tilespmem:s16+$0x10E10];
	v21 =	vpack.i.f32.bf16 v21, v21;
	v18 =	vadd.bf16 v18, v22;
	v10 =	vadd.bf16 v15, v10  }
0x16b: {  	v0 =	vmul.bf16 v0, v21;
	v56 =	vmul.bf16 v24, v19;
	v57 =	vpack.i.f32.bf16 v20, v20  }
0x16c: {  	v8 =	vadd.bf16 v8, v9;
	v6 =	vmul.bf16 v6, v21;
	v4 =	vmul.bf16 v4, v57  }
0x16d: {  	v13 =	vadd.bf16 v13, v16;
	v17 =	vadd.bf16 v56, v17;
	v3 =	vmul.bf16 v3, v57  }
0x16e: {  	v12 =	vmul.bf16 v12, v21;
	v5 =	vmul.bf16 v5, v57;
	v4 =	vadd.bf16 v4, v25  }
0x16f: {  	v1 =	vmul.bf16 v1, v57;
	v58 =	vmul.bf16 v27, v21;
	v3 =	vadd.bf16 v3, v17  }
0x170: {  	v2 =	vmul.bf16 v2, v57;
	v5 =	vadd.bf16 v5, v10;
	v4 =	vadd.bf16 v6, v4  }
0x171: {  	v59 =	vmul.bf16 v11, v57;
	v1 =	vadd.bf16 v1, v13;
	v3 =	vadd.bf16 v58, v3  }
0x172: {  	v7 =	vmul.bf16 v7, v21;
	v2 =	vadd.bf16 v2, v18;
	v0 =	vadd.bf16 v0, v5;
	[tilespmem:s16+$0x15620] =	vst v4  }
0x173: {  	v60 =	vmul.bf16 v14, v21;
	v61 =	vadd.bf16 v59, v8;
	v1 =	vadd.bf16 v12, v1;
	[tilespmem:s16+$0x15610] =	vst v3  }
.Ltmp11:
0x174: {  	s10 =	sadd.s32 s14, s17;
	v62 =	vadd.bf16 v7, v2;
	[tilespmem:s16+$0x15640] =	vst v0;
	(pc) =	sbr.rel @p0 .LBB2_18-.Ltmp11, $4  }
0x175: {  	s10 =	smul.u32 $0x300, s10;
	v63 =	vadd.bf16 v60, v61;
	[tilespmem:s16+$0x15630] =	vst v1  }
0x176: {  	[tilespmem:s16+$0x15650] =	vst v62  }
0x177: {  	s10 =	sadd.s32 s6, s10;
	[tilespmem:s16+$0x15600] =	vst v63  }
0x178: {  	[hbm4b:s10+s1] =	stream.linear.scatter [tilespmem:s0], [sflag:$0x9], $0x1800, $0x38;
	[tilespmem:$0x16E00] =	vst v63  }
0x179: {  	s10 =	sadd.s32 s14, s18  }
0x17a: {  	s10 =	sshll.u32 s10, $0x5  }
.Ltmp12:
0x17b: {  	s10 =	sand.u32 $0x1FFFFFE0, s10;
	(pc) =	sbr.rel .LBB2_2-.Ltmp12, $4  }
0x17c: {  	s11 =	sadd.s32 s4, s10  }
0x17d: {  	[tilespmem:s23], [sflag:$0x3] =	stream.linear.gather [hbm4b:s11+s1], $0x100, $0x38;
	[tilespmem:$0x16E00] =	vst v63  }
0x17e: {  	s24 =	simm.s32 $0x500;
	s2 =	sadd.s32 $0x1, s2;
	s10 =	sadd.s32 s5, s10  }
0x17f: {  	[tilespmem:s24], [sflag:$0x3] =	stream.linear.gather [hbm4b:s10+s1], $0x100, $0x38;
	[tilespmem:$0x16E00] =	vst v63  }
.LBB2_19:
0x180: {  	_ =	sfence.sel $0x180000  }
0x181: {  	[bflag:$0x0] =	sbarrier.arrive $0xFFFF  }
0x182: {  	_ =	strace $0x9000004D  }
0x183: {  	s0 =	stileid.u32;
	[bflag:$0x2] =	sbarrier.arrive $0xFFFF  }
0x184: {  	p0 =	sne.s32 s0, $0x0;
	s0 =	rddreg [dreg:$0x1]  }
0x185: {  	s0 =	sadd.s32 @!p0 $0x100000, s0  }
0x186: {  	[sflag:s0] =	ssyncadd.tile.s32 @!p0 $0x1;
	_ =	shalt  }
.Lfunc_end2:
_tile_overlayer_lowered:
.L_overlay_start_2:
0x187: {  	(tag) =	ssettag $0x2  }
0x188: {  	s0 =	rddreg [dreg:$0x0];
	s2 =	stileid.u32  }
0x189: {  	s1 =	rddreg [dreg:$0x1];
	p0 =	sne.s32 s2, $0x0  }
0x18a: {  	s3 =	rddreg [dreg:$0x2];
	[bflag:$0x3] =	sbarrier.arrive $0xFFFF;
	s2 =	simm.s32 @!p0 $0x1C0A  }
0x18b: {  	[timem:s3], [sflag:s2] =	dma.local @!p0 [hbm:s0], s1  }
0x18c: {  	s0 =	simm.s32 @!p0 $0xA  }
0x18d: {  	_ =	swait.ge @!p0 [sflag:s0], s1  }
0x18e: {  	s1 =	ssub.s32 @!p0 $0x0, s1;
	[sflag:s0] =	ssyncset.done @!p0 $0x0  }
0x18f: {  	[sflag:s0] =	ssyncadd.s32 @!p0 s1  }
0x190: {  	[bflag:$0x3] =	sbarrier.arrive $0xFFFF  }
0x191: {  	_ =	shalt  }

// kernel: sparse-core-data-format-call.1.cloned.1.call-start
scs
called_computation.1_lowered:
.L_overlay_start_0:
0x0: {  	s2 =	sld [smem:$0x3FD9]  }
0x1: {  	s3 =	sld [smem:$0x3FFE];
	_ =	sdelay $0x1  }
0x2: {  	s1 =	srdreg.scid  }
0x3: {  	s0 =	sand.u32 $0x1, s1  }
0x4: {  	s18 =	sshll.u32 s0, $0xA;
	s2 =	sadd.s32 s3, s2  }
0x5: {  	s2 =	sadd.s32 s2, s18  }
0x6: {  	[smem:$0x3FC6] =	sst s2  }
0x7: {  	_ = 	snop  }
0x8: {  	s2 =	sld [smem:$0x3FD0];
	(tm) =	ssettm $0x1  }
0x9: {  	s19 =	sld [smem:$0x3FFB];
	_ =	sdelay $0x3  }
0xa: {  	_ =	strace s19  }
0xb: {  	s3 =	sld [smem:$0x3FFC];
	_ =	sdelay $0x3  }
0xc: {  	_ =	strace s3  }
0xd: {  	s3 =	sld [smem:$0x3FFD];
	_ =	sdelay $0x3  }
0xe: {  	_ =	strace s3  }
0xf: {  	_ =	strace $0x8FFFFFFF  }
0x10: {  	s20 =	sld [smem:$0x3FDB];
	_ =	sdelay $0x1  }
0x11: {  	s4 =	simm.s32 $_scs_section_size  }
0x12: {  	s5 =	simm.s32 $_size__tile_overlayer_lowered;
	s6 =	simm.s32 $_tile_overlayer_lowered  }
0x13: {  	s23 =	simm.s32 $0x1BFF;
	s22 =	sshll.u32 s6, $0x1;
	s3 =	sadd.s32 s4, s20  }
0x14: {  	s7 =	simm.s32 $0x0;
	s21 =	sshll.u32 s5, $0x1;
	s5 =	sadd.s32 s22, s3  }
0x15: {  	[timem:s7], [sflag:s23] =	dma.local [hbm:s5], s21  }
0x16: {  	_ =	swait.ge [sflag:s23], s21  }
0x17: {  	s4 =	ssub.s32 $0x0, s21;
	[sflag:s23] =	ssyncset.done $0x0  }
0x18: {  	[sflag:s23] =	ssyncadd.s32 s4;
	_ =	sdelay $0x1  }
0x19: {  	s24 =	simm.s32 $0x1B8B  }
0x1a: {  	_ =	swait.ge [sflag:s24], $0x1  }
0x1b: {  	[sflag:s24] =	ssyncset.done $0x0  }
0x1c: {  	s26 =	simm.s32 $0x1B8E;
	s25 =	sld [smem:$0x3FFE];
	[sflag:s24] =	ssyncadd.s32 $0xFFFFFFFF  }
0x1d: {  	s27 =	simm.s32 $execute0_lowered;
	[smem:$0x3FD2] =	sst s26  }
0x1e: {  	s5 =	sshll.u32 s27, $0x1;
	_ =	strace $0x80000049;
	[dreg:$0x1] =	wrdreg $0xFFFFFFFF  }
0x1f: {  	s28 =	simm.s32 $_size_execute0_lowered;
	s3 =	sadd.s32 s3, s5;
	[dreg:$0x0] =	wrdreg $0x0  }
0x20: {  	s5 =	sshll.u32 s28, $0x1;
	[dreg:$0x2] =	wrdreg s3  }
0x21: {  	[dreg:$0x3] =	wrdreg s5  }
0x22: {  	[dreg:$0x4] =	wrdreg $0xC0  }
0x23: {  	_ =	task [dreg:s7], $0x5FFFF  }
0x24: {  	[dreg:$0x1] =	wrdreg $0xFFFFFFFF  }
0x25: {  	[dreg:$0x0] =	wrdreg $0x60  }
0x26: {  	[dreg:$0x2] =	wrdreg s2  }
0x27: {  	[dreg:$0x3] =	wrdreg s25  }
0x28: {  	[dreg:$0x4] =	wrdreg $0x9  }
0x29: {  	_ =	task.clear_ibuf [dreg:s7], $0x5FFFF;
	_ =	strace $0x90000049  }
0x2a: {  	s29 =	simm.s32 $0x9;
	_ =	strace $0x8000004B  }
0x2b: {  	_ =	swait.ge [sflag:s29], $0x1  }
0x2c: {  	[sflag:s29] =	ssyncadd.s32 $0xFFFFFFFF  }
0x2d: {  	_ =	strace $0x9000004B  }
0x2e: {  	_ =	sfence  }
0x2f: {  	s30 =	sld [smem:$0x0];
	_ =	sdelay $0x2  }
0x30: {  	s31 =	sshll.u32 s1, $0xD;
	s1 =	sshrl.u32 s1, $0x2  }
0x31: {  	s3 =	sand.u32 $0x4000, s31;
	s1 =	sadd.s32 s1, s30  }
0x32: {  	s0 =	sor.u32 s3, s0;
	s1 =	sshll.u32 s1, $0x11  }
0x33: {  	s0 =	sor.u32 s1, s0  }
0x34: {  	s0 =	sadd.s32 $0x8F2B, s0  }
0x35: {  	[sflag:s0] =	ssyncadd.remote.s32 $0x1  }
0x36: {  	_ =	sfence.sel $0xFFFF  }
0x37: {  	[dreg:$0x0] =	wrdreg $0xFFFFFFFF;
	(pc) =	sbr.abs _section_cstart, $3  }
0x38: {  	[dreg:$0x1] =	wrdreg $0xFFFFFFFF  }
0x39: {  	_ =	task.clear_ibuf [dreg:s7], $0x2FFFF;
	_ =	strace $0x9FFFFFFF  }
0x3a: {  	(tm) =	ssettm $0x7FFFFFFF  }
0x3b: {  	_ =	shalt  }
tec
execute0_lowered:
.L_overlay_start_1:
0x0: {  	(tag) =	ssettag $0x1  }
0x1: {  	s0 =	srdreg.scid  }
0x2: {  	s1 =	sshll.u32 s0, $0x4  }
0x3: {  	s2 =	rddreg [dreg:$0x0];
	s0 =	stileid.u32;
	s1 =	sand.u32 $0x10, s1  }
0x4: {  	s4 =	rddreg [dreg:$0x1];
	s7 =	simm.s32 $0x1;
	s1 =	sor.u32 s0, s1  }
0x5: {  	s8 =	simm.s32 $0x2;
	s9 =	simm.s32 $0x0;
	s3 =	sshll.u32 s1, $0x4  }
0x6: {  	s12 =	simm.s32 $0x0;
	s11 =	simm.s32 $0x0;
	s6 =	ssub.s32 $0x6C00, s3  }
.Ltmp0:
0x7: {  	s4 =	sadd.s32 $0x1400, s4;
	s5 =	sand.u32 $0x1F0, s6;
	(pc) =	sbr.rel .LBB1_1-.Ltmp0, $4  }
0x8: {  	s1 =	rddreg [dreg:$0x2];
	_ =	strace $0x8000004A;
	p0 =	sne.s32 s5, $0x0  }
0x9: {  	s6 =	sshrl.u32 s6, $0x9;
	s5 =	simm.s32 $0x1;
	s7 =	simm.s32 @!p0 $0x0  }
0xa: {  	s10 =	smov.u32 s3;
	[sflag:s5] =	ssyncpa.u1 $0x0;
	s6 =	sadd.s32 s7, s6  }
0xb: {  	[sflag:s8] =	ssyncpa.u1 $0x0;
	s8 =	simm.s32 $0x0;
	s7 =	sadd.s32 $0x1, s6  }
.LBB1_7:
0xc: {  	s14 =	sadd.s32 $0x200, s10  }
0xd: {  	p1 =	sgt.s32 s14, $0x6BFF  }
0xe: {  	s14 =	smov.u32 @p1 s3;
	p1 =	sne.s32 s11, s7  }
.Ltmp1:
0xf: {  	p0 =	slt.u32 s11, $0x2;
	(pc) =	sbr.rel @!p1 .LBB1_8-.Ltmp1, $4  }
0x10: {  	s13 =	simm.s32 @!p0 $0x2  }
0x11: {  	s15 =	sadd.s32 $0x1, s11;
	_ =	swait.ge @!p0 [sflag:s13], $0x4000  }
0x12: {  	s12 =	smov.u32 s10;
	s9 =	sadd.s32 $0x8000, s9;
	[sflag:s13] =	ssyncset.done @!p0 $0x0  }
0x13: {  	s11 =	smov.u32 s15;
	s10 =	smov.u32 s14;
	[sflag:s13] =	ssyncadd.s32 @!p0 $0xFFFFC000  }
.LBB1_1:
0x14: {  	p0 =	sge.u32 s11, s6  }
0x15: {  	s13 =	sxor.u32 @!p0 $0xFFFFFFFF, s11  }
0x16: {  	s31 =	sadd.s32 $0xFFFFFFFF, s11;
	s14 =	sshll.u32 @!p0 s10, $0x7;
	s13 =	sshll.u32 @!p0 s13, $0xE  }
0x17: {  	s15 =	simm.s32 @!p0 $0x0;
	s14 =	sadd.s32 @!p0 s2, s14;
	s13 =	sand.u32 @!p0 $0x4000, s13  }
0x18: {  	[tilespmem:s13], [sflag:$0x1] =	stream.linear.gather @!p0 [hbm4b:s14+s15], $0x4000, $0x38;
	[tilespmem:$0x10000] =	vst v63  }
0x19: {  	p0 =	sge.u32 s31, s6  }
.Ltmp2:
0x1a: {  	_ = 	snop;
	(pc) =	sbr.rel @p0 .LBB1_7-.Ltmp2, $1  }
0x1b: {  	_ =	sdelay $0x3  }
0x1c: {  	s13 =	sshrl.u32 s9, $0x1;
	_ =	swait.ge [sflag:s5], $0x4000  }
0x1d: {  	s15 =	sshll.u32 s11, $0xE;
	s16 =	simm.s32 $0x0;
	s14 =	sand.u32 $0x4000, s13  }
0x1e: {  	[sflag:s5] =	ssyncset.done $0x0;
	s15 =	sand.u32 $0x4000, s15;
	s13 =	sor.u32 $0x200, s14  }
0x1f: {  	s14 =	sor.u32 $0x8080, s14;
	[sflag:s5] =	ssyncadd.s32 $0xFFFFC000;
	s15 =	sor.u32 $0x8000, s15  }
.LBB1_3:
0x20: {  	v0 =	vld [tilespmem:s13+$0xFFFFFE70]  }
0x21: {  	v1 =	vld [tilespmem:s13+$0x70]  }
0x22: {  	v2 =	vld [tilespmem:s13+$0x0]  }
0x23: {  	v3 =	vld [tilespmem:s13+$0xFFFFFE10]  }
0x24: {  	v4 =	vld [tilespmem:s13+$0x10]  }
0x25: {  	v5 =	vld [tilespmem:s13+$0xFFFFFE20]  }
0x26: {  	v7 =	vld [tilespmem:s13+$0x20]  }
0x27: {  	v11 =	vld [tilespmem:s13+$0x30];
	v6 =	vunpack.i.l.s16.s32 v0;
	v8 =	vunpack.i.u.s16.s32 v0;
	v9 =	vunpack.i.u.s16.s32 v1  }
0x28: {  	v10 =	vunpack.i.l.s16.s32 v1;
	v0 =	vunpack.i.u.s16.s32 v2;
	v1 =	vunpack.i.l.s16.s32 v2;
	v2 =	vld [tilespmem:s13+$0xFFFFFE30]  }
0x29: {  	v8 =	vpack.i.b32.b16 v9, v8;
	v9 =	vunpack.i.u.s16.s32 v3;
	v3 =	vunpack.i.l.s16.s32 v3  }
0x2a: {  	v12 =	vld [tilespmem:s13+$0xFFFFFE40];
	v6 =	vpack.i.b32.b16 v10, v6;
	[tilespmem:s14+$0x70] =	vst v8;
	v8 =	vunpack.i.u.s16.s32 v4;
	v4 =	vunpack.i.l.s16.s32 v4  }
0x2b: {  	v13 =	vld [tilespmem:s13+$0x40];
	v10 =	vunpack.i.u.s16.s32 v5;
	v5 =	vunpack.i.l.s16.s32 v5;
	[tilespmem:s14+$0xFFFFFFF0] =	vst v6;
	v3 =	vpack.i.b32.b16 v4, v3  }
0x2c: {  	v6 =	vunpack.i.l.s16.s32 v7;
	v4 =	vld [tilespmem:s13+$0xFFFFFE50];
	[tilespmem:s14+$0xFFFFFF90] =	vst v3;
	v3 =	vpack.i.b32.b16 v8, v9;
	v8 =	vunpack.i.u.s16.s32 v7  }
0x2d: {  	v7 =	vunpack.i.l.s16.s32 v11;
	[tilespmem:s14+$0x10] =	vst v3;
	v3 =	vpack.i.b32.b16 v6, v5;
	v9 =	vunpack.i.u.s16.s32 v2;
	v6 =	vld [tilespmem:s13+$0x50]  }
0x2e: {  	v5 =	vunpack.i.l.s16.s32 v2;
	v2 =	vld [tilespmem:s13+$0xFFFFFE60];
	[tilespmem:s14+$0xFFFFFFA0] =	vst v3;
	v3 =	vpack.i.b32.b16 v8, v10;
	v10 =	vunpack.i.u.s16.s32 v11  }
0x2f: {  	s19 =	simm.s32 $0x0;
	v11 =	vpack.i.b32.b16 v7, v5;
	v7 =	vunpack.i.u.s16.s32 v12;
	v8 =	vunpack.i.l.s16.s32 v12;
	[tilespmem:s14+$0x20] =	vst v3;
	v3 =	vld [tilespmem:s13+$0x60]  }
0x30: {  	s20 =	sadd.s32 $0x80, s13;
	s18 =	smov.u32 s14;
	s17 =	smov.u32 s14;
	v5 =	vld [tilespmem:s13+$0xFFFFFE00];
	[tilespmem:s14+$0xFFFFFFB0] =	vst v11;
	v10 =	vpack.i.b32.b16 v10, v9;
	v9 =	vunpack.i.u.s16.s32 v13;
	v11 =	vunpack.i.l.s16.s32 v13  }
.LBB1_4:
0x31: {  	v12 =	vld [tilespmem:s20+$0xFFFFFE70];
	[tilespmem:s18+$0x30] =	vst v10;
	v8 =	vpack.i.b32.b16 v11, v8;
	v10 =	vunpack.i.u.s16.s32 v4;
	v4 =	vunpack.i.l.s16.s32 v4  }
0x32: {  	s19 =	sadd.s32 $0x2, s19;
	v7 =	vpack.i.b32.b16 v9, v7;
	v11 =	vld [tilespmem:s20+$0x70];
	[tilespmem:s18+$0xFFFFFFC0] =	vst v8;
	v8 =	vunpack.i.u.s16.s32 v6;
	v6 =	vunpack.i.l.s16.s32 v6  }
0x33: {  	p0 =	slt.u32 s19, $0x6;
	v9 =	vld [tilespmem:s20+$0x0];
	[tilespmem:s18+$0x40] =	vst v7;
	v4 =	vpack.i.b32.b16 v6, v4;
	v6 =	vunpack.i.u.s16.s32 v2;
	v2 =	vunpack.i.l.s16.s32 v2  }
0x34: {  	v7 =	vld [tilespmem:s20+$0xFFFFFE10];
	[tilespmem:s18+$0xFFFFFFD0] =	vst v4;
	v4 =	vpack.i.b32.b16 v8, v10;
	v8 =	vunpack.i.u.s16.s32 v3;
	v3 =	vunpack.i.l.s16.s32 v3  }
0x35: {  	v10 =	vld [tilespmem:s20+$0x10];
	v13 =	vunpack.i.u.s16.s32 v5;
	v5 =	vunpack.i.l.s16.s32 v5;
	[tilespmem:s18+$0x50] =	vst v4;
	v2 =	vpack.i.b32.b16 v3, v2  }
0x36: {  	v3 =	vld [tilespmem:s20+$0xFFFFFE20];
	v4 =	vunpack.i.l.s16.s32 v12;
	v1 =	vpack.i.b32.b16 v1, v5;
	v5 =	vpack.i.b32.b16 v0, v13;
	[tilespmem:s18+$0xFFFFFFE0] =	vst v2  }
0x37: {  	v12 =	vunpack.i.u.s16.s32 v12;
	v2 =	vld [tilespmem:s20+$0x20];
	v13 =	vunpack.i.u.s16.s32 v11;
	v11 =	vunpack.i.l.s16.s32 v11;
	[tilespmem:s18+$0xFFFFFF80] =	vst v1  }
0x38: {  	s18 =	sadd.s32 $0x100, s18;
	v0 =	vunpack.i.u.s16.s32 v9;
	v1 =	vunpack.i.l.s16.s32 v9;
	v9 =	vld [tilespmem:s20+$0xFFFFFE30];
	v12 =	vpack.i.b32.b16 v13, v12;
	[tilespmem:s17+$0x0] =	vst v5  }
0x39: {  	v6 =	vpack.i.b32.b16 v8, v6;
	v5 =	vunpack.i.u.s16.s32 v7;
	v7 =	vunpack.i.l.s16.s32 v7;
	v13 =	vld [tilespmem:s20+$0x30];
	[tilespmem:s18+$0x70] =	vst v12  }
0x3a: {  	v4 =	vpack.i.b32.b16 v11, v4;
	v8 =	vunpack.i.u.s16.s32 v10;
	v10 =	vunpack.i.l.s16.s32 v10;
	v12 =	vld [tilespmem:s20+$0xFFFFFE40];
	[tilespmem:s17+$0x60] =	vst v6;
	s17 =	smov.u32 s18  }
0x3b: {  	v6 =	vpack.i.b32.b16 v10, v7;
	v7 =	vunpack.i.u.s16.s32 v3;
	v3 =	vunpack.i.l.s16.s32 v3;
	v11 =	vld [tilespmem:s20+$0x40];
	[tilespmem:s18+$0xFFFFFFF0] =	vst v4  }
.Ltmp3:
0x3c: {  	v5 =	vpack.i.b32.b16 v8, v5;
	[tilespmem:s18+$0xFFFFFF90] =	vst v6;
	v8 =	vunpack.i.u.s16.s32 v2;
	v2 =	vunpack.i.l.s16.s32 v2;
	v4 =	vld [tilespmem:s20+$0xFFFFFE50];
	(pc) =	sbr.rel @p0 .LBB1_4-.Ltmp3, $4  }
0x3d: {  	[tilespmem:s18+$0x10] =	vst v5;
	v2 =	vpack.i.b32.b16 v2, v3;
	v10 =	vunpack.i.u.s16.s32 v9;
	v3 =	vunpack.i.l.s16.s32 v9;
	v6 =	vld [tilespmem:s20+$0x50]  }
0x3e: {  	v5 =	vpack.i.b32.b16 v8, v7;
	[tilespmem:s18+$0xFFFFFFA0] =	vst v2;
	v9 =	vunpack.i.u.s16.s32 v13;
	v7 =	vunpack.i.l.s16.s32 v13;
	v2 =	vld [tilespmem:s20+$0xFFFFFE60]  }
0x3f: {  	[tilespmem:s18+$0x20] =	vst v5;
	v13 =	vpack.i.b32.b16 v7, v3;
	v7 =	vunpack.i.u.s16.s32 v12;
	v8 =	vunpack.i.l.s16.s32 v12;
	v3 =	vld [tilespmem:s20+$0x60]  }
0x40: {  	v10 =	vpack.i.b32.b16 v9, v10;
	v5 =	vld [tilespmem:s20+$0xFFFFFE00];
	[tilespmem:s18+$0xFFFFFFB0] =	vst v13;
	v9 =	vunpack.i.u.s16.s32 v11;
	v11 =	vunpack.i.l.s16.s32 v11;
	s20 =	sadd.s32 $0x80, s20  }
0x41: {  	[tilespmem:s18+$0x30] =	vst v10;
	v8 =	vpack.i.b32.b16 v11, v8  }
0x42: {  	v51 =	vunpack.i.l.s16.s32 v4;
	v7 =	vpack.i.b32.b16 v9, v7;
	[tilespmem:s18+$0xFFFFFFC0] =	vst v8;
	v52 =	vunpack.i.l.s16.s32 v6  }
0x43: {  	v53 =	vunpack.i.u.s16.s32 v4;
	s16 =	sadd.s32 $0x1, s16;
	v54 =	vunpack.i.u.s16.s32 v6;
	[tilespmem:s18+$0x40] =	vst v7;
	v55 =	vpack.i.b32.b16 v52, v51  }
0x44: {  	p0 =	sne.s32 s16, $0x10;
	v56 =	vunpack.i.l.s16.s32 v2;
	v4 =	vpack.i.b32.b16 v54, v53;
	[tilespmem:s18+$0xFFFFFFD0] =	vst v55;
	v57 =	vunpack.i.l.s16.s32 v3  }
.Ltmp4:
0x45: {  	[tilespmem:s18+$0x50] =	vst v4;
	v58 =	vunpack.i.l.s16.s32 v5;
	v59 =	vpack.i.b32.b16 v57, v56;
	(pc) =	sbr.rel @p0 .LBB1_3-.Ltmp4, $4  }
0x46: {  	v61 =	vunpack.i.u.s16.s32 v2;
	v62 =	vunpack.i.u.s16.s32 v3;
	v1 =	vpack.i.b32.b16 v1, v58;
	[tilespmem:s18+$0xFFFFFFE0] =	vst v59  }
0x47: {  	v60 =	vunpack.i.u.s16.s32 v5;
	v63 =	vpack.i.b32.b16 v62, v61;
	[tilespmem:s18+$0xFFFFFF80] =	vst v1  }
0x48: {  	v0 =	vpack.i.b32.b16 v0, v60;
	[tilespmem:s17+$0x60] =	vst v63  }
0x49: {  	s13 =	sadd.s32 $0x400, s13;
	s14 =	sadd.s32 $0x400, s14;
	[tilespmem:s17+$0x0] =	vst v0  }
.Ltmp5:
0x4a: {  	(pc) =	sbr.rel .LBB1_7-.Ltmp5, $4  }
0x4b: {  	_ = 	snop  }
0x4c: {  	s12 =	sshll.u32 s12, $0x7  }
0x4d: {  	s12 =	sadd.s32 s4, s12  }
0x4e: {  	[hbm4b:s12+s8] =	stream.linear.scatter [tilespmem:s15], [sflag:$0x2], $0x4000, $0x38;
	[tilespmem:$0x10000] =	vst v63  }
.LBB1_8:
0x4f: {  	_ =	sfence.sel $0x180000  }
0x50: {  	s2 =	simm.s32 $0x1;
	[bflag:$0x0] =	sbarrier.arrive $0xFFFF  }
0x51: {  	s31 =	simm.s32 $0x2;
	[sflag:s2] =	ssyncpa.u1 $0x1  }
0x52: {  	[sflag:s31] =	ssyncpa.u1 $0x1  }
0x53: {  	p0 =	sne.s32 s0, $0x0;
	_ =	strace $0x9000004A  }
0x54: {  	s0 =	sadd.s32 @!p0 $0x100000, s1;
	[bflag:$0x2] =	sbarrier.arrive $0xFFFF  }
0x55: {  	[sflag:s0] =	ssyncadd.tile.s32 @!p0 $0x1;
	_ =	shalt  }
.Lfunc_end1:
_tile_overlayer_lowered:
.L_overlay_start_2:
0x56: {  	(tag) =	ssettag $0x2  }
0x57: {  	s0 =	rddreg [dreg:$0x0];
	s2 =	stileid.u32  }
0x58: {  	s1 =	rddreg [dreg:$0x1];
	p0 =	sne.s32 s2, $0x0  }
0x59: {  	s3 =	rddreg [dreg:$0x2];
	[bflag:$0x3] =	sbarrier.arrive $0xFFFF;
	s2 =	simm.s32 @!p0 $0x1C01  }
0x5a: {  	[timem:s3], [sflag:s2] =	dma.local @!p0 [hbm:s0], s1  }
0x5b: {  	s0 =	simm.s32 @!p0 $0x1  }
0x5c: {  	_ =	swait.ge @!p0 [sflag:s0], s1  }
0x5d: {  	s1 =	ssub.s32 @!p0 $0x0, s1;
	[sflag:s0] =	ssyncset.done @!p0 $0x0  }
0x5e: {  	[sflag:s0] =	ssyncadd.s32 @!p0 s1  }
0x5f: {  	[bflag:$0x3] =	sbarrier.arrive $0xFFFF  }
0x60: {  	_ =	shalt  }

// kernel: sparse-core-data-format-call.2.cloned.1.call-start
scs
called_computation.2_lowered:
.L_overlay_start_0:
0x0: {  	s2 =	sld [smem:$0x3FD9]  }
0x1: {  	s3 =	sld [smem:$0x3FFE];
	_ =	sdelay $0x1  }
0x2: {  	s1 =	srdreg.scid  }
0x3: {  	s0 =	sand.u32 $0x1, s1  }
0x4: {  	s18 =	sshll.u32 s0, $0xA;
	s2 =	sadd.s32 s3, s2  }
0x5: {  	s2 =	sadd.s32 s2, s18  }
0x6: {  	[smem:$0x3FC6] =	sst s2  }
0x7: {  	_ = 	snop  }
0x8: {  	s2 =	sld [smem:$0x3FD0];
	(tm) =	ssettm $0x1  }
0x9: {  	s19 =	sld [smem:$0x3FFB];
	_ =	sdelay $0x3  }
0xa: {  	_ =	strace s19  }
0xb: {  	s3 =	sld [smem:$0x3FFC];
	_ =	sdelay $0x3  }
0xc: {  	_ =	strace s3  }
0xd: {  	s3 =	sld [smem:$0x3FFD];
	_ =	sdelay $0x3  }
0xe: {  	_ =	strace s3  }
0xf: {  	_ =	strace $0x8FFFFFFF  }
0x10: {  	s20 =	sld [smem:$0x3FDB];
	_ =	sdelay $0x1  }
0x11: {  	s4 =	simm.s32 $_scs_section_size  }
0x12: {  	s5 =	simm.s32 $_size__tile_overlayer_lowered;
	s6 =	simm.s32 $_tile_overlayer_lowered  }
0x13: {  	s23 =	simm.s32 $0x1BFF;
	s22 =	sshll.u32 s6, $0x1;
	s3 =	sadd.s32 s4, s20  }
0x14: {  	s7 =	simm.s32 $0x0;
	s21 =	sshll.u32 s5, $0x1;
	s5 =	sadd.s32 s22, s3  }
0x15: {  	[timem:s7], [sflag:s23] =	dma.local [hbm:s5], s21  }
0x16: {  	_ =	swait.ge [sflag:s23], s21  }
0x17: {  	s4 =	ssub.s32 $0x0, s21;
	[sflag:s23] =	ssyncset.done $0x0  }
0x18: {  	[sflag:s23] =	ssyncadd.s32 s4;
	_ =	sdelay $0x1  }
0x19: {  	s24 =	simm.s32 $0x1B8B  }
0x1a: {  	_ =	swait.ge [sflag:s24], $0x1  }
0x1b: {  	[sflag:s24] =	ssyncset.done $0x0  }
0x1c: {  	s26 =	simm.s32 $0x1B8E;
	s25 =	sld [smem:$0x3FFE];
	[sflag:s24] =	ssyncadd.s32 $0xFFFFFFFF  }
0x1d: {  	s27 =	simm.s32 $execute0_lowered;
	[smem:$0x3FD2] =	sst s26  }
0x1e: {  	s5 =	sshll.u32 s27, $0x1;
	_ =	strace $0x80000046;
	[dreg:$0x1] =	wrdreg $0xFFFFFFFF  }
0x1f: {  	s28 =	simm.s32 $_size_execute0_lowered;
	s3 =	sadd.s32 s3, s5;
	[dreg:$0x0] =	wrdreg $0x0  }
0x20: {  	s5 =	sshll.u32 s28, $0x1;
	[dreg:$0x2] =	wrdreg s3  }
0x21: {  	[dreg:$0x3] =	wrdreg s5  }
0x22: {  	[dreg:$0x4] =	wrdreg $0xC0  }
0x23: {  	_ =	task [dreg:s7], $0x5FFFF  }
0x24: {  	[dreg:$0x1] =	wrdreg $0xFFFFFFFF  }
0x25: {  	[dreg:$0x0] =	wrdreg $0x60  }
0x26: {  	[dreg:$0x2] =	wrdreg s25  }
0x27: {  	[dreg:$0x3] =	wrdreg s2  }
0x28: {  	[dreg:$0x4] =	wrdreg $0x9  }
0x29: {  	_ =	task.clear_ibuf [dreg:s7], $0x5FFFF;
	_ =	strace $0x90000046  }
0x2a: {  	s29 =	simm.s32 $0x9;
	_ =	strace $0x80000048  }
0x2b: {  	_ =	swait.ge [sflag:s29], $0x1  }
0x2c: {  	[sflag:s29] =	ssyncadd.s32 $0xFFFFFFFF  }
0x2d: {  	_ =	strace $0x90000048  }
0x2e: {  	_ =	sfence  }
0x2f: {  	s30 =	sld [smem:$0x0];
	_ =	sdelay $0x2  }
0x30: {  	s31 =	sshll.u32 s1, $0xD;
	s1 =	sshrl.u32 s1, $0x2  }
0x31: {  	s3 =	sand.u32 $0x4000, s31;
	s1 =	sadd.s32 s1, s30  }
0x32: {  	s0 =	sor.u32 s3, s0;
	s1 =	sshll.u32 s1, $0x11  }
0x33: {  	s0 =	sor.u32 s1, s0  }
0x34: {  	s0 =	sadd.s32 $0x8F2B, s0  }
0x35: {  	[sflag:s0] =	ssyncadd.remote.s32 $0x1  }
0x36: {  	_ =	sfence.sel $0xFFFF  }
0x37: {  	[dreg:$0x0] =	wrdreg $0xFFFFFFFF;
	(pc) =	sbr.abs _section_cstart, $3  }
0x38: {  	[dreg:$0x1] =	wrdreg $0xFFFFFFFF  }
0x39: {  	_ =	task.clear_ibuf [dreg:s7], $0x2FFFF;
	_ =	strace $0x9FFFFFFF  }
0x3a: {  	(tm) =	ssettm $0x7FFFFFFF  }
0x3b: {  	_ =	shalt  }
tec
execute0_lowered:
.L_overlay_start_1:
0x0: {  	(tag) =	ssettag $0x1  }
0x1: {  	s1 =	srdreg.scid  }
0x2: {  	s0 =	stileid.u32;
	s5 =	rddreg [dreg:$0x0];
	s1 =	sshll.u32 s1, $0x4  }
0x3: {  	s9 =	simm.s32 $0x2;
	s21 =	simm.s32 $0x0;
	s1 =	sor.u32 s0, s1  }
0x4: {  	s11 =	simm.s32 $0x12000;
	s12 =	simm.s32 $0x800;
	s1 =	sshrl.u32 s1, $0x1  }
0x5: {  	s19 =	simm.s32 $0x0;
	s18 =	simm.s32 $0x0;
	s1 =	sand.u32 $0xE, s1  }
0x6: {  	s20 =	simm.s32 $0x0;
	s2 =	sand.u32 $0x1, s0;
	s3 =	ssub.s32 $0x180, s1  }
0x7: {  	s13 =	simm.s32 $0x0;
	s4 =	ssub.s32 $0x2, s2;
	s6 =	sand.u32 $0xE, s3  }
0x8: {  	s7 =	sshrl.u32 s4, $0x1;
	p0 =	sne.s32 s6, $0x0;
	s6 =	simm.s32 $0x1  }
0x9: {  	s8 =	sand.u32 $0x1, s4;
	s3 =	sshrl.u32 s3, $0x4;
	s6 =	simm.s32 @!p0 $0x0  }
0xa: {  	s17 =	simm.s32 $0x0;
	s7 =	sadd.s32 s8, s7;
	s6 =	sadd.s32 s6, s3  }
0xb: {  	s5 =	sadd.s32 $0x1400, s5;
	s31 =	sshll.u32 s0, $0x6;
	s7 =	smul.u32 s6, s7  }
.Ltmp0:
0xc: {  	s16 =	smov.u32 s2;
	s4 =	rddreg [dreg:$0x1];
	(pc) =	sbr.rel .LBB1_1-.Ltmp0, $4  }
0xd: {  	s8 =	sand.u32 $0x80, s31;
	s14 =	smov.u32 s1;
	s3 =	rddreg [dreg:$0x2]  }
0xe: {  	_ =	strace $0x80000047;
	s6 =	simm.s32 $0x1;
	s7 =	smul.u32 $0x3, s7  }
0xf: {  	s15 =	smov.u32 s8;
	p0 =	por $0x0, $0x0;
	[sflag:s6] =	ssyncpa.u1 $0x0  }
0x10: {  	[sflag:s9] =	ssyncpa.u1 $0x0;
	s9 =	sadd.s32 $0x1800, s4;
	s10 =	sadd.s32 $0x1, s7  }
.LBB1_6:
0x11: {  	v11 =	vld [tilespmem:s26+$0xFFFFFFE0];
	v12 =	vcombine.low v6, v8  }
0x12: {  	v3 =	vperm.xlane.i2c.b16 v3;
	[tilespmem:s27+$0x3870 ss:$0x81] =	vst.msk $0xffff, v9;
	v47 =	vld [tilespmem:s26+$0xFFFFFFF0];
	v5 =	vperm.xlane.i2c.b16 v5  }
0x13: {  	v48 =	vcombine.high v6, v8;
	[tilespmem:s25+$0x2040 ss:$0x81] =	vst.msk $0xffff, v10;
	v49 =	vld [tilespmem:s26+$0x0];
	v4 =	vperm.xlane.i2c.b16 v4  }
0x14: {  	v51 =	vld [tilespmem:s26+$0x10];
	v2 =	vperm.xlane.i2c.b16 v2;
	[tilespmem:s27+$0x810 ss:$0x81] =	vst.msk $0xffff, v12;
	v50 =	vcombine.low v7, v3  }
0x15: {  	s31 =	sshll.u32 s21, $0x8;
	v53 =	vld [tilespmem:s26+$0xFFFFFFC0];
	v1 =	vperm.xlane.i2c.b16 v1;
	v52 =	vcombine.low v5, v0;
	[tilespmem:s27+$0x2850 ss:$0x81] =	vst.msk $0xffff, v48  }
0x16: {  	s29 =	sshll.u32 s18, $0x4;
	s25 =	sand.u32 $0xFFFFF000, s31;
	s31 =	sshra.s32 s28, $0x2;
	v3 =	vcombine.high v7, v3;
	v54 =	vcombine.low v2, v4;
	[tilespmem:s27+$0x1020 ss:$0x81] =	vst.msk $0xffff, v50  }
0x17: {  	s30 =	sshll.u32 s21, $0x7;
	s29 =	sand.u32 $0xFFFFF800, s29;
	s23 =	sadd.s32 s31, s23;
	v2 =	vcombine.high v2, v4;
	v57 =	vcombine.high v5, v0;
	[tilespmem:s27+$0x0 ss:$0x81] =	vst.msk $0xffff, v52  }
0x18: {  	s21 =	sand.u32 $0x700, s30;
	s25 =	sadd.s32 s29, s25;
	[tilespmem:s23+$0x1830 ss:$0x81] =	vst.msk $0xffff, v54;
	v11 =	vperm.xlane.i2c.b16 v11;
	v55 =	vperm.xlane.i2c.b16 v47  }
0x19: {  	s20 =	smul.u32 $0x240000, s20;
	s21 =	sor.u32 s21, s25;
	[tilespmem:s27+$0x3060 ss:$0x81] =	vst.msk $0xffff, v3;
	v56 =	vperm.xlane.i2c.b16 v49;
	v59 =	vperm.xlane.i2c.b16 v51  }
0x1a: {  	s19 =	smul.u32 $0x1800, s19;
	s21 =	sshrl.u32 s21, $0x8;
	[tilespmem:s23+$0x3870 ss:$0x81] =	vst.msk $0xffff, v2;
	v61 =	vperm.xlane.i2c.b16 v53;
	v58 =	vcombine.low v11, v55  }
0x1b: {  	s26 =	smulhi.u32 $0xAAAAAB, s21;
	[tilespmem:s27+$0x2040 ss:$0x81] =	vst.msk $0xffff, v57;
	v62 =	vcombine.low v56, v59  }
0x1c: {  	v63 =	vcombine.low v61, v1;
	[tilespmem:s23+$0x810 ss:$0x81] =	vst.msk $0xffff, v58  }
0x1d: {  	s28 =	sadd.s32 s20, s19;
	s20 =	sadd.s32 s20, s9;
	s25 =	smul.u32 $0x180, s26;
	v60 =	vcombine.high v11, v55;
	[tilespmem:s23+$0x1020 ss:$0x81] =	vst.msk $0xffff, v62  }
0x1e: {  	s29 =	sand.u32 $0x7, s18;
	s19 =	sadd.s32 s19, s20;
	s27 =	sshrl.u32 s18, $0x3;
	v4 =	vcombine.high v56, v59;
	[tilespmem:s23+$0x0 ss:$0x81] =	vst.msk $0xffff, v63  }
0x1f: {  	v0 =	vcombine.high v61, v1;
	s26 =	sadd.s32 s4, s28;
	s21 =	ssub.s32 s21, s25;
	s25 =	sand.u32 $0xF, s27;
	[tilespmem:s23+$0x2850 ss:$0x81] =	vst.msk $0xffff, v60  }
0x20: {  	s18 =	sshll.u32 s29, $0x12;
	[tilespmem:s23+$0x3060 ss:$0x81] =	vst.msk $0xffff, v4;
	s21 =	sshll.u32 s21, $0x4;
	s26 =	sadd.s32 s25, s26  }
0x21: {  	s18 =	sor.u32 $0x400, s18;
	[tilespmem:s23+$0x2040 ss:$0x81] =	vst.msk $0xffff, v0;
	s19 =	sadd.s32 s25, s19;
	s30 =	sadd.s32 s21, s26  }
0x22: {  	[hbm4b:s30+s18] =	stream.strided.scatter [tilespmem:s24], [sflag:$0x2], $0x2000, s12, s18, $0x20;
	[tilespmem:$0x10100] =	vst v63  }
0x23: {  	s31 =	sadd.s32 $0xA040, s22;
	s19 =	sadd.s32 s21, s19  }
0x24: {  	[hbm4b:s19+s18] =	stream.strided.scatter [tilespmem:s31], [sflag:$0x2], $0x2000, s12, s18, $0x20;
	[tilespmem:$0x10100] =	vst v63  }
.LBB1_7:
0x25: {  	s22 =	sadd.s32 $0x80, s13  }
0x26: {  	s18 =	sadd.s32 $0x10, s14;
	s23 =	smov.u32 s14;
	p2 =	sgt.s32 s22, $0x17F  }
0x27: {  	s23 =	smov.u32 @p2 s18  }
0x28: {  	s24 =	smov.u32 s15;
	s18 =	sadd.s32 $0x100, s15;
	p3 =	sgt.s32 s23, $0x17F  }
0x29: {  	s24 =	smov.u32 @p3 s18  }
0x2a: {  	s25 =	smov.u32 s16;
	s18 =	sadd.s32 $0x2, s16;
	p4 =	sgt.s32 s24, $0xBF  }
0x2b: {  	p1 =	slt.u32 s17, $0x2;
	s25 =	smov.u32 @p4 s18  }
0x2c: {  	s21 =	smov.u32 s13;
	s22 =	simm.s32 @p2 $0x0;
	p2 =	sgt.s32 s25, $0x1  }
0x2d: {  	s26 =	simm.s32 @!p1 $0x2;
	s25 =	smov.u32 @p2 s2;
	p2 =	sne.s32 s17, s10  }
.Ltmp1:
0x2e: {  	s19 =	smov.u32 s14;
	_ =	swait.ge @!p1 [sflag:s26], $0x4000;
	(pc) =	sbr.rel @!p2 .LBB1_8-.Ltmp1, $4  }
0x2f: {  	s20 =	smov.u32 s16;
	p0 =	por !p0, !p0;
	[sflag:s26] =	ssyncset.done @!p1 $0x0  }
0x30: {  	s13 =	smov.u32 s22;
	s23 =	smov.u32 @p3 s1;
	[sflag:s26] =	ssyncadd.s32 @!p1 $0xFFFFC000  }
0x31: {  	s14 =	smov.u32 s23;
	s24 =	smov.u32 @p4 s8;
	s18 =	smov.u32 s15  }
0x32: {  	s15 =	smov.u32 s24;
	s17 =	sadd.s32 $0x1, s17;
	s16 =	smov.u32 s25  }
.LBB1_1:
0x33: {  	p1 =	sge.u32 s17, s7  }
.Ltmp2:
0x34: {  	_ = 	snop;
	(pc) =	sbr.rel @p1 .LBB1_3-.Ltmp2, $1  }
0x35: {  	_ =	sdelay $0x3  }
0x36: {  	s22 =	sshrl.u32 s14, $0x4;
	s23 =	sshll.u32 s13, $0x4;
	s24 =	sshll.u32 s14, $0x7  }
0x37: {  	s31 =	sshll.u32 s13, $0x1;
	s25 =	sand.u32 $0x1, s14;
	p1 =	sgt.s32 s16, $0x1  }
0x38: {  	s27 =	sshra.s32 s16, $0x1F;
	s29 =	sshra.s32 s14, $0x1F;
	s22 =	smul.u32 $0x1800, s22  }
0x39: {  	s23 =	sand.u32 $0xFFFFF800, s23;
	s30 =	sand.u32 $0x700, s24;
	s26 =	sand.u32 $0xFE, s31  }
0x3a: {  	s24 =	sand.u32 s27, s16;
	s27 =	sshra.s32 s15, $0x1F;
	s31 =	sshra.s32 s13, $0x1F  }
0x3b: {  	s24 =	sxor.u32 $0xFFFFFFFF, s24;
	s28 =	sand.u32 s27, s15;
	s22 =	sadd.s32 s22, s23  }
0x3c: {  	s27 =	smov.u32 s14;
	s23 =	smov.u32 s16;
	s22 =	sor.u32 s30, s22  }
0x3d: {  	s23 =	simm.s32 @!p1 $0x1;
	p1 =	sgt.s32 s15, $0x40;
	s22 =	sor.u32 s26, s22  }
0x3e: {  	s26 =	smov.u32 s15;
	s23 =	sadd.s32 s24, s23;
	s25 =	sor.u32 s25, s22  }
0x3f: {  	s26 =	simm.s32 @!p1 $0x40;
	p1 =	sgt.s32 s23, $0x0;
	s23 =	ssub.s32 $0x1, s23  }
0x40: {  	s22 =	smulhi.u32 $0xAAAAAAAB, s22;
	s24 =	ssub.s32 s26, s28;
	s23 =	simm.s32 @p1 $0x0  }
0x41: {  	p1 =	sgt.s32 s14, $0x17E;
	s28 =	smulhi.u32 $0xAAAAAAAB, s25;
	s26 =	sadd.s32 $0xFFFFFFC0, s24  }
0x42: {  	s27 =	simm.s32 @!p1 $0x17E;
	s24 =	ssub.s32 $0xC0, s24;
	s22 =	sshrl.u32 s22, $0x8  }
0x43: {  	p1 =	sgt.s32 s26, $0x7F;
	s26 =	sand.u32 s29, s14;
	s29 =	smulhi.u32 $0xAAAAAB, s22  }
0x44: {  	s28 =	sshrl.u32 s28, $0x8;
	s24 =	simm.s32 @p1 $0x0;
	s26 =	ssub.s32 s27, s26  }
0x45: {  	p1 =	sgt.s32 s13, $0x100;
	s27 =	smov.u32 s13;
	s28 =	smul.u32 $0x180, s28  }
0x46: {  	s23 =	smul.u32 s23, s24;
	s30 =	sadd.s32 $0xFFFFFE82, s26;
	s27 =	simm.s32 @!p1 $0x100  }
0x47: {  	s26 =	ssub.s32 $0x180, s26;
	s24 =	sand.u32 s31, s13;
	s31 =	smul.u32 $0x180, s29  }
0x48: {  	p1 =	sgt.s32 s30, $0x1;
	s24 =	ssub.s32 s27, s24;
	s25 =	ssub.s32 s25, s28  }
0x49: {  	s26 =	simm.s32 @p1 $0x0;
	s22 =	ssub.s32 s22, s31;
	s31 =	smul.u32 $0x2400, s15  }
0x4a: {  	s30 =	sadd.s32 $0xFFFFFF00, s24;
	s24 =	ssub.s32 $0x180, s24;
	s23 =	smul.u32 s26, s23  }
0x4b: {  	s28 =	sshrl.u32 s25, $0x4;
	p1 =	sgt.s32 s30, $0x7F;
	s30 =	smul.u32 $0x1B0000, s16  }
0x4c: {  	s25 =	sshll.u32 s25, $0x11;
	s22 =	smul.u32 $0x18, s22;
	s24 =	simm.s32 @p1 $0x0  }
0x4d: {  	s25 =	sand.u32 $0x1C0000, s25;
	s23 =	smul.u32 s24, s23;
	s27 =	sadd.s32 s5, s30  }
0x4e: {  	s29 =	sxor.u32 $0xFFFFFFFF, s17;
	s25 =	sor.u32 $0x80, s25;
	s26 =	sadd.s32 s31, s27  }
0x4f: {  	s24 =	sshll.u32 s29, $0xE;
	s23 =	sshrl.u32 s23, $0x1;
	s22 =	sadd.s32 s22, s26  }
0x50: {  	s24 =	sand.u32 $0x4000, s24;
	s23 =	sand.u32 $0x3FFFFFFF, s23;
	s22 =	sadd.s32 s28, s22  }
0x51: {  	[tilespmem:s24], [sflag:$0x1] =	stream.strided.gather [hbm4b:s22+s25], s23, s11, s25, $0x38;
	[tilespmem:$0x10100] =	vst v63  }
.LBB1_3:
0x52: {  	s22 =	sadd.s32 $0xFFFFFFFF, s17  }
0x53: {  	p1 =	sge.u32 s22, s7  }
.Ltmp3:
0x54: {  	_ = 	snop;
	(pc) =	sbr.rel @p1 .LBB1_7-.Ltmp3, $1  }
0x55: {  	_ =	sdelay $0x3  }
0x56: {  	p1 =	sgt.s32 s20, $0x1;
	s22 =	smov.u32 s20;
	s23 =	sshra.s32 s20, $0x1F  }
0x57: {  	s24 =	smov.u32 s18;
	s25 =	sshra.s32 s18, $0x1F;
	s26 =	sshra.s32 s19, $0x1F  }
0x58: {  	s22 =	simm.s32 @!p1 $0x1;
	s23 =	sand.u32 s23, s20;
	p1 =	sgt.s32 s18, $0x40  }
0x59: {  	s25 =	sand.u32 s25, s18;
	s23 =	sxor.u32 $0xFFFFFFFF, s23;
	s24 =	simm.s32 @!p1 $0x40  }
0x5a: {  	s31 =	sshra.s32 s21, $0x1F;
	s22 =	sadd.s32 s23, s22;
	s25 =	ssub.s32 s24, s25  }
0x5b: {  	p1 =	sgt.s32 s22, $0x0;
	s22 =	ssub.s32 $0x1, s22;
	s24 =	sadd.s32 $0xFFFFFFC0, s25  }
0x5c: {  	s23 =	ssub.s32 $0xC0, s25;
	s22 =	simm.s32 @p1 $0x0;
	p1 =	sgt.s32 s24, $0x7F  }
0x5d: {  	s24 =	smov.u32 s19;
	s23 =	simm.s32 @p1 $0x0;
	p1 =	sgt.s32 s19, $0x17E  }
0x5e: {  	s30 =	sand.u32 s26, s19;
	s22 =	smul.u32 s22, s23;
	s24 =	simm.s32 @!p1 $0x17E  }
0x5f: {  	p1 =	sgt.s32 s21, $0x100;
	s23 =	ssub.s32 s24, s30;
	s24 =	smov.u32 s21  }
0x60: {  	s25 =	sand.u32 s31, s21;
	s26 =	sadd.s32 $0xFFFFFE82, s23;
	s24 =	simm.s32 @!p1 $0x100  }
0x61: {  	s23 =	ssub.s32 $0x180, s23;
	p1 =	sgt.s32 s26, $0x1;
	s24 =	ssub.s32 s24, s25  }
0x62: {  	s23 =	simm.s32 @p1 $0x0;
	s25 =	sadd.s32 $0xFFFFFF00, s24  }
0x63: {  	s22 =	smul.u32 s23, s22;
	p1 =	sgt.s32 s25, $0x7F;
	s23 =	ssub.s32 $0x180, s24  }
0x64: {  	s23 =	simm.s32 @p1 $0x0  }
0x65: {  	s22 =	smul.u32 s23, s22;
	_ =	sdelay $0x1  }
0x66: {  	s22 =	sshrl.u32 s22, $0x1  }
0x67: {  	s23 =	simm.s32 $0x1;
	s22 =	sand.u32 $0x3FFFFFFF, s22  }
0x68: {  	s23 =	simm.s32 @!p0 $0x0;
	_ =	swait.ge [sflag:s6], s22  }
0x69: {  	s26 =	sshll.u32 s23, $0xE;
	s22 =	ssub.s32 $0x0, s22;
	[sflag:s6] =	ssyncset.done $0x0  }
0x6a: {  	s24 =	sor.u32 $0x40, s26;
	[sflag:s6] =	ssyncadd.s32 s22  }
0x6b: {  	v0 =	vld [tilespmem:s24+$0x20]  }
0x6c: {  	v1 =	vld [tilespmem:s24+$0x30]  }
0x6d: {  	v2 =	vld [tilespmem:s24+$0xFFFFFFD0]  }
0x6e: {  	v3 =	vld [tilespmem:s24+$0xFFFFFFE0]  }
0x6f: {  	v4 =	vld [tilespmem:s24+$0xFFFFFFF0]  }
0x70: {  	v5 =	vld [tilespmem:s24+$0x0]  }
0x71: {  	s30 =	smul.u32 $0x10200, s23;
	v6 =	vld [tilespmem:s24+$0x10]  }
0x72: {  	v7 =	vld [tilespmem:s24+$0xFFFFFFC0];
	s24 =	sadd.s32 $0x80, s24;
	v1 =	vperm.xlane.i2c.b16 v1;
	v0 =	vperm.xlane.i2c.b16 v0  }
0x73: {  	s22 =	sshrl.u32 s30, $0x2;
	v9 =	vld [tilespmem:s24+$0x30];
	v10 =	vperm.xlane.i2c.b16 v2;
	v3 =	vperm.xlane.i2c.b16 v3  }
0x74: {  	s23 =	sor.u32 $0x8000, s22;
	v2 =	vld [tilespmem:s24+$0x20];
	v4 =	vperm.xlane.i2c.b16 v4;
	v8 =	vcombine.low v0, v1  }
0x75: {  	s25 =	sadd.s32 $0x0, s23;
	v5 =	vperm.xlane.i2c.b16 v5;
	v0 =	vcombine.high v0, v1;
	v1 =	vld [tilespmem:s24+$0xFFFFFFD0]  }
0x76: {  	v12 =	vld [tilespmem:s24+$0xFFFFFFF0];
	v6 =	vperm.xlane.i2c.b16 v6;
	v11 =	vcombine.low v3, v4;
	[tilespmem:s25+$0x1830 ss:$0x81] =	vst.msk $0xffff, v8  }
0x77: {  	v13 =	vperm.xlane.i2c.b16 v7;
	v8 =	vld [tilespmem:s24+$0xFFFFFFE0];
	[tilespmem:s25+$0x3870 ss:$0x81] =	vst.msk $0xffff, v0;
	v0 =	vcombine.high v3, v4  }
0x78: {  	v7 =	vld [tilespmem:s24+$0x0];
	v9 =	vperm.xlane.i2c.b16 v9;
	[tilespmem:s25+$0x810 ss:$0x81] =	vst.msk $0xffff, v11;
	v4 =	vcombine.low v5, v6  }
0x79: {  	s31 =	sand.u32 $0x1, s17;
	v11 =	vcombine.high v5, v6;
	v3 =	vld [tilespmem:s24+$0x10];
	v14 =	vperm.xlane.i2c.b16 v2;
	[tilespmem:s25+$0x2850 ss:$0x81] =	vst.msk $0xffff, v0  }
0x7a: {  	s22 =	smul.u32 $0x10200, s31;
	s26 =	sadd.s32 $0x80, s24;
	v5 =	vld [tilespmem:s24+$0xFFFFFFC0];
	v0 =	vperm.xlane.i2c.b16 v1;
	v1 =	vcombine.low v13, v10;
	[tilespmem:s25+$0x1020 ss:$0x81] =	vst.msk $0xffff, v4  }
0x7b: {  	v2 =	vld [tilespmem:s26+$0x20];
	v15 =	vcombine.low v14, v9;
	v9 =	vcombine.high v14, v9;
	[tilespmem:s25+$0x3060 ss:$0x81] =	vst.msk $0xffff, v11  }
0x7c: {  	s27 =	sadd.s32 $0x1, s23;
	s22 =	sshrl.u32 s22, $0x2;
	v4 =	vld [tilespmem:s26+$0x30];
	v6 =	vperm.xlane.i2c.b16 v8;
	v8 =	vperm.xlane.i2c.b16 v12;
	[tilespmem:s25+$0x0 ss:$0x81] =	vst.msk $0xffff, v1  }
0x7d: {  	s28 =	simm.s32 $0x8;
	s29 =	simm.s32 $0xC;
	s24 =	sor.u32 $0x8000, s22;
	v7 =	vperm.xlane.i2c.b16 v7;
	v10 =	vcombine.high v13, v10;
	v1 =	vld [tilespmem:s26+$0xFFFFFFD0];
	[tilespmem:s27+$0x1830 ss:$0x81] =	vst.msk $0xffff, v15  }
.LBB1_5:
0x7e: {  	p1 =	sne.s32 s29, $0x1FC;
	v11 =	vld [tilespmem:s26+$0xFFFFFFE0];
	v12 =	vcombine.low v6, v8;
	v3 =	vperm.xlane.i2c.b16 v3;
	[tilespmem:s27+$0x3870 ss:$0x81] =	vst.msk $0xffff, v9  }
0x7f: {  	v13 =	vperm.xlane.i2c.b16 v5;
	v5 =	vcombine.high v6, v8;
	v9 =	vld [tilespmem:s26+$0xFFFFFFF0];
	[tilespmem:s25+$0x2040 ss:$0x81] =	vst.msk $0xffff, v10;
	s25 =	smov.u32 s27  }
0x80: {  	v10 =	vld [tilespmem:s26+$0x0];
	[tilespmem:s25+$0x810 ss:$0x81] =	vst.msk $0xffff, v12;
	v6 =	vcombine.low v7, v3;
	v7 =	vcombine.high v7, v3  }
.Ltmp4:
0x81: {  	v14 =	vperm.xlane.i2c.b16 v2;
	v12 =	vperm.xlane.i2c.b16 v4;
	v3 =	vld [tilespmem:s26+$0x10];
	[tilespmem:s25+$0x2850 ss:$0x81] =	vst.msk $0xffff, v5;
	(pc) =	sbr.rel @p1 .LBB1_5-.Ltmp4, $4  }
0x82: {  	v15 =	vperm.xlane.i2c.b16 v1;
	v1 =	vcombine.low v13, v0;
	v5 =	vld [tilespmem:s26+$0xFFFFFFC0];
	s26 =	sadd.s32 $0x80, s26;
	[tilespmem:s25+$0x1020 ss:$0x81] =	vst.msk $0xffff, v6  }
0x83: {  	s27 =	sshra.s32 s28, $0x2;
	s28 =	smov.u32 s29;
	v2 =	vld [tilespmem:s26+$0x20];
	v6 =	vperm.xlane.i2c.b16 v11;
	v11 =	vcombine.low v14, v12;
	[tilespmem:s25+$0x3060 ss:$0x81] =	vst.msk $0xffff, v7  }
0x84: {  	s27 =	sadd.s32 s27, s23;
	v4 =	vld [tilespmem:s26+$0x30];
	v8 =	vperm.xlane.i2c.b16 v9;
	v9 =	vcombine.high v14, v12;
	[tilespmem:s25+$0x0 ss:$0x81] =	vst.msk $0xffff, v1  }
0x85: {  	s29 =	sadd.s32 $0x4, s29;
	v1 =	vld [tilespmem:s26+$0xFFFFFFD0];
	v7 =	vperm.xlane.i2c.b16 v10;
	[tilespmem:s27+$0x1830 ss:$0x81] =	vst.msk $0xffff, v11;
	v10 =	vcombine.high v13, v0;
	v0 =	vmov v15  }
.Ltmp5:
0x86: {  	_ = 	snop;
	(pc) =	sbr.rel .LBB1_6-.Ltmp5, $1  }
0x87: {  	_ =	sdelay $0x3  }
.LBB1_8:
0x88: {  	_ =	sfence.sel $0x180000  }
0x89: {  	s1 =	simm.s32 $0x1;
	[bflag:$0x0] =	sbarrier.arrive $0xFFFF  }
0x8a: {  	s31 =	simm.s32 $0x2;
	[sflag:s1] =	ssyncpa.u1 $0x1  }
0x8b: {  	[sflag:s31] =	ssyncpa.u1 $0x1  }
0x8c: {  	p0 =	sne.s32 s0, $0x0;
	_ =	strace $0x90000047  }
0x8d: {  	s0 =	sadd.s32 @!p0 $0x100000, s3;
	[bflag:$0x2] =	sbarrier.arrive $0xFFFF  }
0x8e: {  	[sflag:s0] =	ssyncadd.tile.s32 @!p0 $0x1;
	_ =	shalt  }
.Lfunc_end1:
_tile_overlayer_lowered:
.L_overlay_start_2:
0x8f: {  	(tag) =	ssettag $0x2  }
0x90: {  	s0 =	rddreg [dreg:$0x0];
	s2 =	stileid.u32  }
0x91: {  	s1 =	rddreg [dreg:$0x1];
	p0 =	sne.s32 s2, $0x0  }
0x92: {  	s3 =	rddreg [dreg:$0x2];
	[bflag:$0x3] =	sbarrier.arrive $0xFFFF;
	s2 =	simm.s32 @!p0 $0x1C01  }
0x93: {  	[timem:s3], [sflag:s2] =	dma.local @!p0 [hbm:s0], s1  }
0x94: {  	s0 =	simm.s32 @!p0 $0x1  }
0x95: {  	_ =	swait.ge @!p0 [sflag:s0], s1  }
0x96: {  	s1 =	ssub.s32 @!p0 $0x0, s1;
	[sflag:s0] =	ssyncset.done @!p0 $0x0  }
0x97: {  	[sflag:s0] =	ssyncadd.s32 @!p0 s1  }
0x98: {  	[bflag:$0x3] =	sbarrier.arrive $0xFFFF  }
0x99: {  	_ =	shalt  }

// kernel: sparse-core-data-format-call.cloned.1.call-start
scs
called_computation_lowered:
.L_overlay_start_0:
0x0: {  	s2 =	sld [smem:$0x3FD9]  }
0x1: {  	s3 =	sld [smem:$0x3FFE];
	_ =	sdelay $0x1  }
0x2: {  	s1 =	srdreg.scid  }
0x3: {  	s0 =	sand.u32 $0x1, s1  }
0x4: {  	s18 =	sshll.u32 s0, $0xA;
	s2 =	sadd.s32 s3, s2  }
0x5: {  	s2 =	sadd.s32 s2, s18  }
0x6: {  	[smem:$0x3FC6] =	sst s2  }
0x7: {  	_ = 	snop  }
0x8: {  	s2 =	sld [smem:$0x3FD0];
	(tm) =	ssettm $0x1  }
0x9: {  	s19 =	sld [smem:$0x3FFB];
	_ =	sdelay $0x3  }
0xa: {  	_ =	strace s19  }
0xb: {  	s3 =	sld [smem:$0x3FFC];
	_ =	sdelay $0x3  }
0xc: {  	_ =	strace s3  }
0xd: {  	s3 =	sld [smem:$0x3FFD];
	_ =	sdelay $0x3  }
0xe: {  	_ =	strace s3  }
0xf: {  	_ =	strace $0x8FFFFFFF  }
0x10: {  	s20 =	sld [smem:$0x3FDB];
	_ =	sdelay $0x1  }
0x11: {  	s4 =	simm.s32 $_scs_section_size  }
0x12: {  	s5 =	simm.s32 $_size__tile_overlayer_lowered;
	s6 =	simm.s32 $_tile_overlayer_lowered  }
0x13: {  	s23 =	simm.s32 $0x1BFF;
	s22 =	sshll.u32 s6, $0x1;
	s3 =	sadd.s32 s4, s20  }
0x14: {  	s7 =	simm.s32 $0x0;
	s21 =	sshll.u32 s5, $0x1;
	s5 =	sadd.s32 s22, s3  }
0x15: {  	[timem:s7], [sflag:s23] =	dma.local [hbm:s5], s21  }
0x16: {  	_ =	swait.ge [sflag:s23], s21  }
0x17: {  	s4 =	ssub.s32 $0x0, s21;
	[sflag:s23] =	ssyncset.done $0x0  }
0x18: {  	[sflag:s23] =	ssyncadd.s32 s4;
	_ =	sdelay $0x1  }
0x19: {  	s24 =	simm.s32 $0x1B8B  }
0x1a: {  	_ =	swait.ge [sflag:s24], $0x1  }
0x1b: {  	[sflag:s24] =	ssyncset.done $0x0  }
0x1c: {  	s26 =	simm.s32 $0x1B8E;
	s25 =	sld [smem:$0x3FFE];
	[sflag:s24] =	ssyncadd.s32 $0xFFFFFFFF  }
0x1d: {  	s27 =	simm.s32 $execute0_lowered;
	[smem:$0x3FD2] =	sst s26  }
0x1e: {  	s5 =	sshll.u32 s27, $0x1;
	_ =	strace $0x8000004F;
	[dreg:$0x1] =	wrdreg $0xFFFFFFFF  }
0x1f: {  	s28 =	simm.s32 $_size_execute0_lowered;
	s3 =	sadd.s32 s3, s5;
	[dreg:$0x0] =	wrdreg $0x0  }
0x20: {  	s5 =	sshll.u32 s28, $0x1;
	[dreg:$0x2] =	wrdreg s3  }
0x21: {  	[dreg:$0x3] =	wrdreg s5  }
0x22: {  	[dreg:$0x4] =	wrdreg $0xC0  }
0x23: {  	_ =	task [dreg:s7], $0x5FFFF  }
0x24: {  	[dreg:$0x1] =	wrdreg $0xFFFFFFFF  }
0x25: {  	[dreg:$0x0] =	wrdreg $0x60  }
0x26: {  	[dreg:$0x2] =	wrdreg s25  }
0x27: {  	[dreg:$0x3] =	wrdreg s2  }
0x28: {  	[dreg:$0x4] =	wrdreg $0x9  }
0x29: {  	_ =	task.clear_ibuf [dreg:s7], $0x5FFFF;
	_ =	strace $0x9000004F  }
0x2a: {  	s29 =	simm.s32 $0x9;
	_ =	strace $0x80000051  }
0x2b: {  	_ =	swait.ge [sflag:s29], $0x1  }
0x2c: {  	[sflag:s29] =	ssyncadd.s32 $0xFFFFFFFF  }
0x2d: {  	_ =	strace $0x90000051  }
0x2e: {  	_ =	sfence  }
0x2f: {  	s30 =	sld [smem:$0x0];
	_ =	sdelay $0x2  }
0x30: {  	s31 =	sshll.u32 s1, $0xD;
	s1 =	sshrl.u32 s1, $0x2  }
0x31: {  	s3 =	sand.u32 $0x4000, s31;
	s1 =	sadd.s32 s1, s30  }
0x32: {  	s0 =	sor.u32 s3, s0;
	s1 =	sshll.u32 s1, $0x11  }
0x33: {  	s0 =	sor.u32 s1, s0  }
0x34: {  	s0 =	sadd.s32 $0x8F2B, s0  }
0x35: {  	[sflag:s0] =	ssyncadd.remote.s32 $0x1  }
0x36: {  	_ =	sfence.sel $0xFFFF  }
0x37: {  	[dreg:$0x0] =	wrdreg $0xFFFFFFFF;
	(pc) =	sbr.abs _section_cstart, $3  }
0x38: {  	[dreg:$0x1] =	wrdreg $0xFFFFFFFF  }
0x39: {  	_ =	task.clear_ibuf [dreg:s7], $0x2FFFF;
	_ =	strace $0x9FFFFFFF  }
0x3a: {  	(tm) =	ssettm $0x7FFFFFFF  }
0x3b: {  	_ =	shalt  }
tec
execute0_lowered:
.L_overlay_start_1:
0x0: {  	(tag) =	ssettag $0x1  }
0x1: {  	s4 =	rddreg [dreg:$0x0];
	s0 =	stileid.u32;
	_ =	strace $0x80000050  }
0x2: {  	s5 =	srdreg.scid;
	s8 =	simm.s32 $0x2;
	s21 =	simm.s32 $0x0  }
0x3: {  	p0 =	por $0x0, $0x0;
	s9 =	simm.s32 $0x24000;
	s19 =	simm.s32 $0x0  }
0x4: {  	s20 =	simm.s32 $0x0;
	s22 =	simm.s32 $0x0;
	s10 =	simm.s32 $0x0  }
0x5: {  	s1 =	simm.s32 $0x0;
	s12 =	simm.s32 $0x0;
	s14 =	simm.s32 $0x0  }
0x6: {  	s15 =	simm.s32 $0x0;
	s18 =	simm.s32 $0x0;
	s3 =	sand.u32 $0x1, s0  }
0x7: {  	s5 =	sshll.u32 s5, $0x4;
	s4 =	sadd.s32 $0x1400, s4;
	s6 =	ssub.s32 $0x2, s3  }
.Ltmp0:
0x8: {  	s7 =	sshrl.u32 s6, $0x1;
	s6 =	sand.u32 $0x1, s6;
	(pc) =	sbr.rel .LBB1_1-.Ltmp0, $4  }
0x9: {  	s5 =	sand.u32 $0x10, s5;
	s17 =	smov.u32 s3;
	s6 =	sadd.s32 s6, s7  }
0xa: {  	s31 =	sor.u32 s0, s5;
	s5 =	simm.s32 $0x1;
	s6 =	smul.u32 $0x90, s6  }
0xb: {  	s0 =	simm.s32 $0x0;
	s7 =	sshrl.u32 s31, $0x1;
	[sflag:s5] =	ssyncpa.u1 $0x0  }
0xc: {  	[sflag:s8] =	ssyncpa.u1 $0x0;
	s16 =	smov.u32 s7;
	s8 =	sor.u32 $0x1, s6  }
.LBB1_4:
0xd: {  	s28 =	sshrl.u32 s12, $0x3;
	s29 =	sshll.u32 s1, $0x3;
	s30 =	sshll.u32 s12, $0x7  }
0xe: {  	s31 =	sand.u32 $0x7F, s1;
	s27 =	sshra.s32 s27, $0x2;
	s28 =	smul.u32 $0xC00, s28  }
0xf: {  	s2 =	sshra.s32 s0, $0x1F;
	p1 =	sgt.s32 s0, $0x1;
	s29 =	sand.u32 $0xFFFFFC00, s29  }
0x10: {  	s13 =	sand.u32 $0x380, s30;
	s30 =	sand.u32 s2, s0;
	s28 =	sadd.s32 s28, s29  }
0x11: {  	s26 =	sadd.s32 s27, s26;
	s2 =	sshra.s32 s12, $0x1F;
	s28 =	sor.u32 s13, s28  }
0x12: {  	s11 =	sxor.u32 $0xFFFFFFFF, s30;
	s13 =	smov.u32 s0;
	s29 =	sor.u32 s31, s28  }
0x13: {  	s30 =	smov.u32 s12;
	s13 =	simm.s32 @!p1 $0x1;
	s31 =	smulhi.u32 $0xAAAAAAAB, s29  }
0x14: {  	s28 =	smulhi.u32 $0xAAAAAAAB, s28;
	s13 =	sadd.s32 s11, s13;
	s11 =	smov.u32 s1  }
0x15: {  	p1 =	sgt.s32 s13, $0x0;
	s13 =	ssub.s32 $0x1, s13;
	s31 =	sshrl.u32 s31, $0x8  }
0x16: {  	s13 =	simm.s32 @p1 $0x0;
	p1 =	sgt.s32 s12, $0x17F;
	s27 =	smul.u32 $0x180, s31  }
0x17: {  	s30 =	simm.s32 @!p1 $0x17F;
	p1 =	sgt.s32 s1, $0x100;
	s31 =	sand.u32 s2, s12  }
0x18: {  	s2 =	sshra.s32 s1, $0x1F;
	s11 =	simm.s32 @!p1 $0x100;
	p1 =	sgt.s32 s10, $0x40  }
0x19: {  	s30 =	ssub.s32 s30, s31;
	s31 =	smov.u32 s10;
	s2 =	sand.u32 s2, s1  }
0x1a: {  	s28 =	sshrl.u32 s28, $0x8;
	s31 =	simm.s32 @!p1 $0x40;
	s2 =	ssub.s32 s11, s2  }
0x1b: {  	v5 =	vld [tilespmem:s24+$0xFFFFFFD0];
	[tilespmem:s25+$0x2040 ss:$0x81] =	vst.msk $0xffff, v4;
	s11 =	sadd.s32 $0xFFFFFE81, s30;
	s27 =	ssub.s32 s29, s27;
	s29 =	smul.u32 $0x360000, s0  }
0x1c: {  	v58 =	vld [tilespmem:s24+$0xFFFFFFE0];
	[tilespmem:s25+$0x2850 ss:$0x81] =	vst.msk $0xffff, v3;
	p1 =	sgt.s32 s11, $0x0;
	s11 =	ssub.s32 $0x180, s30;
	s30 =	sadd.s32 $0xFFFFFF00, s2  }
0x1d: {  	v59 =	vld [tilespmem:s24+$0xFFFFFFF0];
	[tilespmem:s25+$0x3060 ss:$0x81] =	vst.msk $0xffff, v2;
	s11 =	simm.s32 @p1 $0x0;
	p1 =	sgt.s32 s30, $0x7F;
	s30 =	smulhi.u32 $0xAAAAAB, s28  }
0x1e: {  	[tilespmem:s25+$0x0 ss:$0x81] =	vst.msk $0xffff, v1;
	v60 =	vld [tilespmem:s24+$0x0];
	s25 =	sshra.s32 s10, $0x1F;
	s11 =	smul.u32 s13, s11  }
0x1f: {  	v61 =	vld [tilespmem:s24+$0x10];
	[tilespmem:s26+$0x3870 ss:$0x81] =	vst.msk $0xffff, v0;
	s2 =	ssub.s32 $0x180, s2;
	s13 =	sand.u32 s25, s10;
	s30 =	smul.u32 $0x180, s30  }
0x20: {  	v62 =	vld [tilespmem:s24+$0x20];
	[tilespmem:s26+$0x810 ss:$0x81] =	vst.msk $0xffff, v5;
	s2 =	simm.s32 @p1 $0x0;
	s13 =	ssub.s32 s31, s13;
	s31 =	rddreg [dreg:$0x1]  }
0x21: {  	v63 =	vld [tilespmem:s24+$0xFFFFFFC0];
	[tilespmem:s26+$0x1020 ss:$0x81] =	vst.msk $0xffff, v58;
	s2 =	smul.u32 s2, s11;
	s25 =	ssub.s32 s28, s30;
	s28 =	sadd.s32 $0xFFFFFFC0, s13  }
0x22: {  	[tilespmem:s26+$0x1830 ss:$0x81] =	vst.msk $0xffff, v59;
	s13 =	ssub.s32 $0xC0, s13;
	s30 =	smul.u32 $0x4800, s10;
	p1 =	sgt.s32 s28, $0x7F  }
0x23: {  	[tilespmem:s26+$0x2040 ss:$0x81] =	vst.msk $0xffff, v60;
	s11 =	smul.u32 $0x30, s25;
	s25 =	sadd.s32 s31, s29;
	s13 =	simm.s32 @p1 $0x0  }
0x24: {  	[tilespmem:s26+$0x2850 ss:$0x81] =	vst.msk $0xffff, v61;
	s29 =	sand.u32 $0x7, s27;
	s28 =	sadd.s32 s30, s25;
	s2 =	smul.u32 s13, s2  }
0x25: {  	[tilespmem:s26+$0x3060 ss:$0x81] =	vst.msk $0xffff, v62;
	s30 =	sshrl.u32 s27, $0x3;
	s31 =	sshll.u32 s29, $0x12;
	s11 =	sadd.s32 s11, s28  }
0x26: {  	[tilespmem:s26+$0x0 ss:$0x81] =	vst.msk $0xffff, v63;
	s13 =	sor.u32 $0x80, s31;
	s11 =	sadd.s32 s30, s11;
	s2 =	sand.u32 $0x3FFFFFFF, s2  }
0x27: {  	[hbm4b:s11+s13] =	stream.strided.scatter [tilespmem:s23], [sflag:$0x2], s2, s9, s13, $0x20;
	[tilespmem:$0x10100] =	vst v63  }
.LBB1_5:
0x28: {  	p1 =	slt.u32 s18, $0x2;
	s11 =	smov.u32 s22  }
0x29: {  	s23 =	smov.u32 s15;
	s24 =	smov.u32 s16;
	s25 =	smov.u32 s17  }
0x2a: {  	p0 =	por !p0, !p0;
	p2 =	sgt.s32 @!p1 s22, $0x1;
	s2 =	sshra.s32 @!p1 s22, $0x1F  }
0x2b: {  	s13 =	sshra.s32 @!p1 s21, $0x1F;
	p2 =	por !p2, p1;
	s2 =	sand.u32 @!p1 s2, s22  }
0x2c: {  	s11 =	simm.s32 @p2 $0x1;
	s2 =	sxor.u32 @!p1 $0xFFFFFFFF, s2;
	p2 =	sgt.s32 @!p1 s21, $0x40  }
0x2d: {  	s13 =	sand.u32 @!p1 s13, s21;
	s2 =	sadd.s32 @!p1 s2, s11;
	p2 =	por !p2, p1  }
0x2e: {  	s11 =	smov.u32 s21;
	s21 =	sshra.s32 @!p1 s20, $0x1F;
	p3 =	sgt.s32 @!p1 s2, $0x0  }
0x2f: {  	s11 =	simm.s32 @p2 $0x40;
	s2 =	ssub.s32 @!p1 $0x1, s2;
	p2 =	por !p3, p1  }
0x30: {  	s11 =	ssub.s32 @!p1 s11, s13;
	p3 =	sgt.s32 @!p1 s20, $0x17F;
	s2 =	simm.s32 @!p2 $0x0  }
0x31: {  	s13 =	sadd.s32 @!p1 $0xFFFFFFC0, s11;
	p3 =	por !p3, p1;
	s11 =	ssub.s32 @!p1 $0xC0, s11  }
0x32: {  	p2 =	sgt.s32 @!p1 s13, $0x7F;
	s13 =	smov.u32 s20;
	s20 =	sand.u32 @!p1 s21, s20  }
0x33: {  	s21 =	sshra.s32 @!p1 s19, $0x1F;
	s13 =	simm.s32 @p3 $0x17F;
	p3 =	sgt.s32 @!p1 s19, $0x100  }
0x34: {  	s13 =	ssub.s32 @!p1 s13, s20;
	p3 =	por !p3, p1;
	s20 =	smov.u32 s19  }
0x35: {  	s19 =	sand.u32 @!p1 s21, s19;
	s21 =	sadd.s32 @!p1 $0xFFFFFE81, s13;
	s20 =	simm.s32 @p3 $0x100  }
0x36: {  	p2 =	por !p2, p1;
	p3 =	sgt.s32 @!p1 s21, $0x0;
	s19 =	ssub.s32 @!p1 s20, s19  }
0x37: {  	s13 =	ssub.s32 @!p1 $0x180, s13;
	p3 =	por !p3, p1;
	s20 =	sadd.s32 @!p1 $0xFFFFFF00, s19  }
0x38: {  	s19 =	ssub.s32 @!p1 $0x180, s19;
	s13 =	simm.s32 @!p3 $0x0;
	p3 =	sgt.s32 @!p1 s20, $0x7F  }
0x39: {  	p3 =	por !p3, p1;
	s2 =	smul.u32 @!p1 s2, s13;
	s13 =	sadd.s32 $0x80, s14  }
0x3a: {  	s20 =	sadd.s32 $0x80, s15;
	s19 =	simm.s32 @!p3 $0x0;
	p3 =	sgt.s32 s13, $0xBF  }
0x3b: {  	s22 =	smov.u32 s0;
	s11 =	simm.s32 @!p2 $0x0;
	s23 =	smov.u32 @p3 s20  }
0x3c: {  	s2 =	smul.u32 @!p1 s19, s2;
	s19 =	sadd.s32 $0x10, s16;
	p2 =	sgt.s32 s23, $0x17F  }
0x3d: {  	s0 =	smov.u32 s17;
	s13 =	simm.s32 @p3 $0x0;
	s24 =	smov.u32 @p2 s19  }
0x3e: {  	s2 =	smul.u32 @!p1 s11, s2;
	s11 =	sadd.s32 $0x2, s17;
	p3 =	sgt.s32 s24, $0x17F  }
0x3f: {  	s21 =	smov.u32 s10;
	s10 =	smov.u32 s14;
	s25 =	smov.u32 @p3 s11  }
0x40: {  	s20 =	smov.u32 s12;
	s23 =	simm.s32 @p2 $0x0;
	p2 =	sgt.s32 s25, $0x1  }
0x41: {  	s12 =	smov.u32 s16;
	s25 =	smov.u32 @p2 s3;
	p2 =	sne.s32 s18, s8  }
.Ltmp1:
0x42: {  	s14 =	smov.u32 s13;
	s19 =	smov.u32 s1;
	(pc) =	sbr.rel @!p2 .LBB1_6-.Ltmp1, $4  }
0x43: {  	s1 =	smov.u32 s15;
	s2 =	sand.u32 @!p1 $0x3FFFFFFF, s2;
	s11 =	simm.s32 @!p1 $0x2  }
0x44: {  	s15 =	smov.u32 s23;
	s24 =	smov.u32 @p3 s7;
	_ =	swait.ge @!p1 [sflag:s11], s2  }
0x45: {  	s2 =	ssub.s32 @!p1 $0x0, s2;
	s16 =	smov.u32 s24;
	[sflag:s11] =	ssyncset.done @!p1 $0x0  }
0x46: {  	s18 =	sadd.s32 $0x1, s18;
	[sflag:s11] =	ssyncadd.s32 @!p1 s2;
	s17 =	smov.u32 s25  }
.LBB1_1:
0x47: {  	p1 =	sge.u32 s18, s6  }
0x48: {  	s23 =	sshll.u32 @!p1 s15, $0x8;
	s24 =	sshll.u32 @!p1 s14, $0x3  }
0x49: {  	s25 =	sshll.u32 @!p1 s15, $0x7;
	s23 =	sand.u32 @!p1 $0xFFFFF800, s23;
	s24 =	sand.u32 @!p1 $0xFFFFFC00, s24  }
0x4a: {  	s23 =	sadd.s32 @!p1 s23, s24;
	s24 =	sand.u32 @!p1 $0x300, s25  }
0x4b: {  	s23 =	sor.u32 @!p1 s24, s23  }
0x4c: {  	s23 =	sshrl.u32 @!p1 s23, $0x8  }
0x4d: {  	s24 =	smulhi.u32 @!p1 $0xAAAAAB, s23  }
0x4e: {  	s31 =	sadd.s32 $0xFFFFFFFF, s18;
	s26 =	sxor.u32 @!p1 $0xFFFFFFFF, s18;
	s28 =	smul.u32 @!p1 $0x480000, s17  }
0x4f: {  	s27 =	sand.u32 @!p1 $0x78, s14;
	s25 =	sand.u32 @!p1 $0x80, s25;
	s24 =	smul.u32 @!p1 $0x180, s24  }
0x50: {  	s26 =	sshll.u32 @!p1 s26, $0xE;
	s25 =	sor.u32 @!p1 s27, s25;
	s27 =	smul.u32 @!p1 $0x3000, s16  }
0x51: {  	s23 =	ssub.s32 @!p1 s23, s24;
	s24 =	sand.u32 @!p1 $0x4000, s26;
	s26 =	sadd.s32 @!p1 s4, s28  }
0x52: {  	s25 =	sshrl.u32 @!p1 s25, $0x3;
	s26 =	sadd.s32 @!p1 s27, s26;
	s27 =	sand.u32 @!p1 $0x7, s14  }
0x53: {  	s23 =	sshll.u32 @!p1 s23, $0x5;
	s25 =	sadd.s32 @!p1 s25, s26;
	s26 =	sshll.u32 @!p1 s27, $0x12  }
0x54: {  	s23 =	sadd.s32 @!p1 s23, s25;
	s25 =	sor.u32 @!p1 $0x400, s26;
	s26 =	simm.s32 @!p1 $0x800  }
0x55: {  	[tilespmem:s24], [sflag:$0x1] =	stream.strided.gather @!p1 [hbm4b:s23+s25], $0x4000, s26, s25, $0x38;
	[tilespmem:$0x10100] =	vst v63  }
0x56: {  	p1 =	sge.u32 s31, s6  }
.Ltmp2:
0x57: {  	_ = 	snop;
	(pc) =	sbr.rel @p1 .LBB1_5-.Ltmp2, $1  }
0x58: {  	_ =	sdelay $0x3  }
0x59: {  	s23 =	simm.s32 $0x1  }
0x5a: {  	_ =	swait.ge [sflag:s5], $0x4000;
	s23 =	simm.s32 @!p0 $0x0  }
0x5b: {  	[sflag:s5] =	ssyncset.done $0x0;
	s24 =	sshll.u32 s23, $0xE  }
0x5c: {  	[sflag:s5] =	ssyncadd.s32 $0xFFFFC000;
	s24 =	sor.u32 $0x40, s24  }
0x5d: {  	s23 =	smul.u32 $0x10200, s23;
	v0 =	vld [tilespmem:s24+$0x30]  }
0x5e: {  	v1 =	vld [tilespmem:s24+$0xFFFFFFD0]  }
0x5f: {  	s23 =	sshrl.u32 s23, $0x2;
	v5 =	vld [tilespmem:s24+$0xFFFFFFE0]  }
0x60: {  	v6 =	vld [tilespmem:s24+$0xFFFFFFF0];
	s26 =	sor.u32 $0x8000, s23  }
0x61: {  	s31 =	sand.u32 $0x1, s18;
	v4 =	vld [tilespmem:s24+$0x0];
	s25 =	sadd.s32 $0x0, s26  }
0x62: {  	v3 =	vld [tilespmem:s24+$0x10];
	s23 =	smul.u32 $0x10200, s31;
	[tilespmem:s25+$0x3870 ss:$0x81] =	vst.msk $0xffff, v0  }
0x63: {  	v2 =	vld [tilespmem:s24+$0x20];
	[tilespmem:s25+$0x810 ss:$0x81] =	vst.msk $0xffff, v1  }
0x64: {  	s23 =	sshrl.u32 s23, $0x2;
	v1 =	vld [tilespmem:s24+$0xFFFFFFC0];
	[tilespmem:s25+$0x1020 ss:$0x81] =	vst.msk $0xffff, v5;
	s24 =	sadd.s32 $0x80, s24  }
0x65: {  	s27 =	simm.s32 $0x4;
	s28 =	simm.s32 $0x8;
	s23 =	sor.u32 $0x8000, s23;
	[tilespmem:s25+$0x1830 ss:$0x81] =	vst.msk $0xffff, v6;
	v0 =	vld [tilespmem:s24+$0x30]  }
.LBB1_3:
0x66: {  	p1 =	sne.s32 s28, $0x1FC;
	v5 =	vld [tilespmem:s24+$0xFFFFFFD0];
	[tilespmem:s25+$0x2040 ss:$0x81] =	vst.msk $0xffff, v4  }
0x67: {  	v6 =	vld [tilespmem:s24+$0xFFFFFFE0];
	[tilespmem:s25+$0x2850 ss:$0x81] =	vst.msk $0xffff, v3  }
0x68: {  	s29 =	sshra.s32 s27, $0x2;
	s27 =	smov.u32 s28;
	v7 =	vld [tilespmem:s24+$0xFFFFFFF0];
	[tilespmem:s25+$0x3060 ss:$0x81] =	vst.msk $0xffff, v2  }
.Ltmp3:
0x69: {  	v4 =	vld [tilespmem:s24+$0x0];
	[tilespmem:s25+$0x0 ss:$0x81] =	vst.msk $0xffff, v1;
	s25 =	sadd.s32 s29, s26;
	(pc) =	sbr.rel @p1 .LBB1_3-.Ltmp3, $4  }
0x6a: {  	v3 =	vld [tilespmem:s24+$0x10];
	[tilespmem:s25+$0x3870 ss:$0x81] =	vst.msk $0xffff, v0  }
0x6b: {  	[tilespmem:s25+$0x810 ss:$0x81] =	vst.msk $0xffff, v5;
	v2 =	vld [tilespmem:s24+$0x20]  }
0x6c: {  	v1 =	vld [tilespmem:s24+$0xFFFFFFC0];
	[tilespmem:s25+$0x1020 ss:$0x81] =	vst.msk $0xffff, v6;
	s24 =	sadd.s32 $0x80, s24  }
0x6d: {  	s28 =	sadd.s32 $0x4, s28;
	v0 =	vld [tilespmem:s24+$0x30];
	[tilespmem:s25+$0x1830 ss:$0x81] =	vst.msk $0xffff, v7  }
.Ltmp4:
0x6e: {  	_ = 	snop;
	(pc) =	sbr.rel .LBB1_4-.Ltmp4, $1  }
0x6f: {  	_ =	sdelay $0x3  }
.LBB1_6:
0x70: {  	_ =	sfence.sel $0x180000  }
0x71: {  	s0 =	simm.s32 $0x1;
	[bflag:$0x0] =	sbarrier.arrive $0xFFFF  }
0x72: {  	s30 =	simm.s32 $0x2;
	[sflag:s0] =	ssyncpa.u1 $0x1  }
0x73: {  	[sflag:s30] =	ssyncpa.u1 $0x1  }
0x74: {  	_ =	strace $0x90000050  }
0x75: {  	s31 =	stileid.u32;
	[bflag:$0x2] =	sbarrier.arrive $0xFFFF  }
0x76: {  	p0 =	sne.s32 s31, $0x0;
	s0 =	rddreg [dreg:$0x2]  }
0x77: {  	s0 =	sadd.s32 @!p0 $0x100000, s0  }
0x78: {  	[sflag:s0] =	ssyncadd.tile.s32 @!p0 $0x1;
	_ =	shalt  }
.Lfunc_end1:
_tile_overlayer_lowered:
.L_overlay_start_2:
0x79: {  	(tag) =	ssettag $0x2  }
0x7a: {  	s0 =	rddreg [dreg:$0x0];
	s2 =	stileid.u32  }
0x7b: {  	s1 =	rddreg [dreg:$0x1];
	p0 =	sne.s32 s2, $0x0  }
0x7c: {  	s3 =	rddreg [dreg:$0x2];
	[bflag:$0x3] =	sbarrier.arrive $0xFFFF;
	s2 =	simm.s32 @!p0 $0x1C01  }
0x7d: {  	[timem:s3], [sflag:s2] =	dma.local @!p0 [hbm:s0], s1  }
0x7e: {  	s0 =	simm.s32 @!p0 $0x1  }
0x7f: {  	_ =	swait.ge @!p0 [sflag:s0], s1  }
0x80: {  	s1 =	ssub.s32 @!p0 $0x0, s1;
	[sflag:s0] =	ssyncset.done @!p0 $0x0  }
0x81: {  	[sflag:s0] =	ssyncadd.s32 @!p0 s1  }
0x82: {  	[bflag:$0x3] =	sbarrier.arrive $0xFFFF  }
0x83: {  	_ =	shalt  }

</sc_bundles>
